<compile_context>
chip_gen: v7x
topology: tpu7x:2x2x1
jax: 0.10.2.dev20260603
libtpu: 0.0.44.dev20260713+nightly
codegen_flags: <defaults>
</compile_context>

<pallas_src>
import jax
import jax.numpy as jnp
from jax import lax
from jax.experimental import pallas as pl
from jax.experimental.pallas import tpu as pltpu
from jax.experimental.pallas import tpu_sc as plsc

_N = 10000
_E = 320000
_D = 128
_G = 64

_NC = 2
_NS = 16
_NW = _NC * _NS
_EPW = _E // _NW
_NP = 10240
_CH = 128
_EPWP = 10112
_NCHUNK = _EPWP // _CH
_WPT = _NP // _NS

_R = 1024
_NBLK = _NP // _R



import functools


@functools.cache
def _sc_mesh():
    return plsc.VectorSubcoreMesh(
        core_axis_name="c", subcore_axis_name="s",
        num_cores=_NC, num_subcores=_NS)


def _agg_body(hp, epack, aggp, acc, eidx, rows, semg, sems, semi):
    c = lax.axis_index("c")
    s = lax.axis_index("s")
    w = c * _NS + s

    def _zb(k, _):
        i = k // 8
        j = (k % 8) * 16
        rows[0, i, pl.ds(j, 16)] = jnp.zeros((16,), jnp.float32)
        return 0
    lax.fori_loop(0, _CH * 8, _zb, 0)

    base = s * _WPT
    for k in range(5):
        pltpu.sync_copy(rows.at[0], acc.at[pl.ds(base + k * _CH, _CH)])
    plsc.subcore_barrier()

    def _idx(i):
        pltpu.async_copy(epack.at[w, i], eidx.at[i % 4], semi)

    def _idx_wait(i):
        pltpu.make_async_copy(epack.at[w, i], eidx.at[i % 4], semi).wait()

    def _gather(i):
        pltpu.async_copy(hp.at[eidx.at[i % 4, 0]], rows.at[i % 2], semg)

    def _gather_wait(i):
        pltpu.make_async_copy(hp.at[eidx.at[i % 4, 0]], rows.at[i % 2],
                              semg).wait()

    def _scat(i):
        pltpu.async_copy(rows.at[i % 2], acc.at[eidx.at[i % 4, 1]], sems,
                         add=True)

    def _scat_wait(i):
        pltpu.make_async_copy(rows.at[i % 2], acc.at[eidx.at[i % 4, 1]],
                              sems).wait()

    _idx(0)
    _idx(1)
    _idx(2)
    _idx_wait(0)
    _gather(0)

    def _chunk(i, _):
        @pl.when(i >= 1)
        def _():
            _scat_wait(i - 1)

        @pl.when(i + 3 < _NCHUNK)
        def _():
            _idx(i + 3)

        @pl.when(i + 1 < _NCHUNK)
        def _():
            _idx_wait(i + 1)
            _gather(i + 1)
        _gather_wait(i)
        _scat(i)
        return 0
    lax.fori_loop(0, _NCHUNK, _chunk, 0)
    _scat_wait(_NCHUNK - 1)
    plsc.subcore_barrier()

    pltpu.sync_copy(acc.at[pl.ds(base, _WPT)], aggp.at[c, pl.ds(base, _WPT)])


@functools.cache
def _agg_kernel():
    return pl.kernel(
        _agg_body,
        out_type=jax.ShapeDtypeStruct((_NC, _NP, _D), jnp.float32),
        mesh=_sc_mesh(),
        scratch_types=[
            pltpu.VMEM_SHARED((_NP, _D), jnp.float32),
            pltpu.VMEM((4, 2, _CH), jnp.int32),
            pltpu.VMEM((2, _CH, _D), jnp.float32),
            pltpu.SemaphoreType.DMA,
            pltpu.SemaphoreType.DMA,
            pltpu.SemaphoreType.DMA,
        ],
    )



_EBLK = 8000
_NEB = _E // _EBLK
_HI = 80


def _row_valid():
    rows = (lax.broadcasted_iota(jnp.int32, (_R, 1), 0)
            + pl.program_id(0) * _R)
    return rows < _N


def _mm_scale_body(dstb_ref, x_ref, w_ref, hp_ref, dinv_ref, dinv_scr):
    i = pl.program_id(0)

    @pl.when(i == 0)
    def _():
        def _hist(j, acc):
            bt = dstb_ref[j]
            hi = bt >> 7
            lo = bt & 127
            oh_hi = (hi == lax.broadcasted_iota(jnp.int32, (_HI, _EBLK), 0)
                     ).astype(jnp.bfloat16)
            oh_lo = (lo == lax.broadcasted_iota(jnp.int32, (_D, _EBLK), 0)
                     ).astype(jnp.bfloat16)
            return acc + lax.dot_general(
                oh_hi, oh_lo, (((1,), (1,)), ((), ())),
                preferred_element_type=jnp.float32)
        deg = lax.fori_loop(0, _NEB, _hist, jnp.zeros((_HI, _D), jnp.float32))
        d = deg + 1.0
        dm = lax.rsqrt(d)
        dm = dm * (1.5 - 0.5 * d * dm * dm)
        ones_b = jnp.ones((_HI, 1, _D), jnp.float32)
        big = lax.dot_general(dm.reshape(_HI, 1, _D), ones_b,
                              (((1,), (1,)), ((0,), (0,))),
                              precision=lax.Precision.HIGHEST,
                              preferred_element_type=jnp.float32)
        dinv_scr[...] = big.reshape(_NP, _D)

    dinv = dinv_scr[pl.ds(i * _R, _R), :]
    dinv_ref[...] = dinv
    h = jnp.dot(x_ref[...], w_ref[...], preferred_element_type=jnp.float32)
    hp_ref[...] = jnp.where(_row_valid(), h * dinv, 0.0)


def _mm_scale(x, w, dstb):
    return pl.pallas_call(
        _mm_scale_body,
        grid=(_NBLK,),
        in_specs=[
            pl.BlockSpec((_NEB, 1, _EBLK), lambda i: (0, 0, 0)),
            pl.BlockSpec((_R, _D), lambda i: (i, 0)),
            pl.BlockSpec((_D, _D), lambda i: (0, 0)),
        ],
        out_specs=[
            pl.BlockSpec((_R, _D), lambda i: (i, 0)),
            pl.BlockSpec((_R, _D), lambda i: (i, 0)),
        ],
        out_shape=[
            jax.ShapeDtypeStruct((_NP, _D), jnp.float32),
            jax.ShapeDtypeStruct((_NP, _D), jnp.float32),
        ],
        scratch_shapes=[pltpu.VMEM((_NP, _D), jnp.float32)],
    )(dstb, x, w)


_BN_S = 0.9999950000374997


def _post_mm_body(agg_ref, hp_ref, dinv_ref, b_ref, g_ref, be_ref, w_ref, o_ref):
    dinv = dinv_ref[...]
    conv = dinv * (agg_ref[0] + agg_ref[1] + hp_ref[...]) + b_ref[...]
    y = jnp.maximum(conv * (g_ref[...] * _BN_S) + be_ref[...], 0.0)
    o = jnp.dot(y, w_ref[...], preferred_element_type=jnp.float32) * dinv
    o_ref[...] = jnp.where(_row_valid(), o, 0.0)


def _post_mm(agg, hp, dinvf, b, g, be, w):
    return pl.pallas_call(
        _post_mm_body,
        grid=(_NBLK,),
        in_specs=[
            pl.BlockSpec((_NC, _R, _D), lambda i: (0, i, 0)),
            pl.BlockSpec((_R, _D), lambda i: (i, 0)),
            pl.BlockSpec((_R, _D), lambda i: (i, 0)),
            pl.BlockSpec((1, _D), lambda i: (0, 0)),
            pl.BlockSpec((1, _D), lambda i: (0, 0)),
            pl.BlockSpec((1, _D), lambda i: (0, 0)),
            pl.BlockSpec((_D, _D), lambda i: (0, 0)),
        ],
        out_specs=pl.BlockSpec((_R, _D), lambda i: (i, 0)),
        out_shape=jax.ShapeDtypeStruct((_NP, _D), jnp.float32),
    )(agg, hp, dinvf, b, g, be, w)


def _post_pool_body(agg_ref, hp_ref, dinv_ref, b_ref, g_ref, be_ref, bt_ref,
                    m1w, m1b, m2w, m2b, m3w, m3b, m4w, m4b, o_ref,
                    sums_ref, cnt_ref):
    dinv = dinv_ref[...]
    conv = dinv * (agg_ref[0] + agg_ref[1] + hp_ref[...]) + b_ref[...]
    y = jnp.maximum(conv * (g_ref[...] * _BN_S) + be_ref[...], 0.0)
    bt = bt_ref[0]
    seg = lax.broadcasted_iota(jnp.int32, (_G, _R), 0)
    oh = (bt == seg).astype(jnp.float32)
    sums_c = jnp.dot(oh, y, preferred_element_type=jnp.float32)
    cnt_c = jnp.dot(oh, jnp.ones_like(y), preferred_element_type=jnp.float32)

    @pl.when(pl.program_id(0) == 0)
    def _():
        sums_ref[...] = jnp.zeros_like(sums_ref)
        cnt_ref[...] = jnp.zeros_like(cnt_ref)

    sums_ref[...] += sums_c
    cnt_ref[...] += cnt_c

    @pl.when(pl.program_id(0) == _NBLK - 1)
    def _():
        pooled = sums_ref[...] / jnp.maximum(cnt_ref[...], 1.0)
        z = jnp.maximum(jnp.dot(pooled, m1w[...],
                                preferred_element_type=jnp.float32)
                        + m1b[...], 0.0)
        z = jnp.maximum(jnp.dot(z, m2w[...],
                                preferred_element_type=jnp.float32)
                        + m2b[...], 0.0)
        z = jnp.maximum(jnp.dot(z, m3w[...],
                                preferred_element_type=jnp.float32)
                        + m3b[...], 0.0)
        o_ref[...] = (jnp.dot(z, m4w[...],
                              preferred_element_type=jnp.float32)
                      + m4b[...])


def _post_pool_mlp(agg, hp, dinvf, b, g, be, batchr,
                   m1w, m1b, m2w, m2b, m3w, m3b, m4w, m4b):
    full = pl.BlockSpec((_D, _D), lambda i: (0, 0))
    vec = pl.BlockSpec((1, _D), lambda i: (0, 0))
    gd = pl.BlockSpec((_G, _D), lambda i: (0, 0))
    out, _, _ = pl.pallas_call(
        _post_pool_body,
        grid=(_NBLK,),
        in_specs=[
            pl.BlockSpec((_NC, _R, _D), lambda i: (0, i, 0)),
            pl.BlockSpec((_R, _D), lambda i: (i, 0)),
            pl.BlockSpec((_R, _D), lambda i: (i, 0)),
            vec, vec, vec,
            pl.BlockSpec((1, 1, _R), lambda i: (i, 0, 0)),
            full, vec, full, vec, full, vec, full, vec,
        ],
        out_specs=[gd, gd, gd],
        out_shape=[
            jax.ShapeDtypeStruct((_G, _D), jnp.float32),
            jax.ShapeDtypeStruct((_G, _D), jnp.float32),
            jax.ShapeDtypeStruct((_G, _D), jnp.float32),
        ],
    )(agg, hp, dinvf, b, g, be, batchr,
      m1w, m1b, m2w, m2b, m3w, m3b, m4w, m4b)
    return out



def _pad2(m, rows, cols):
    return jnp.pad(m, ((0, rows - m.shape[0]), (0, cols - m.shape[1])))


def kernel(x, edge_index, batch, W1, b1, g1, be1, W2, b2, g2, be2,
           W3, b3, g3, be3, M1w, M1b, M2w, M2b, M3w, M3b, M4w, M4b):
    pad_rows = _N + (jnp.arange(_NW * (_EPWP - _EPW), dtype=jnp.int32)
                     % (_NP - _N)).reshape(_NW, _EPWP - _EPW)
    srcr = jnp.concatenate([edge_index[0].reshape(_NW, _EPW), pad_rows], 1)
    dstr = jnp.concatenate([edge_index[1].reshape(_NW, _EPW), pad_rows], 1)
    epack = jnp.stack([srcr.reshape(_NW, _NCHUNK, _CH),
                       dstr.reshape(_NW, _NCHUNK, _CH)], axis=2)
    batchr = jnp.pad(batch, (0, _NP - _N), constant_values=_G
                     ).reshape(_NBLK, 1, _R)

    b1r, g1r, be1r = b1.reshape(1, _D), g1.reshape(1, _D), be1.reshape(1, _D)
    b2r, g2r, be2r = b2.reshape(1, _D), g2.reshape(1, _D), be2.reshape(1, _D)
    b3r, g3r, be3r = b3.reshape(1, _D), g3.reshape(1, _D), be3.reshape(1, _D)
    m1b = M1b.reshape(1, _D)
    m2w, m2b = _pad2(M2w, _D, _D), _pad2(M2b.reshape(1, -1), 1, _D)
    m3w, m3b = _pad2(M3w, _D, _D), _pad2(M3b.reshape(1, -1), 1, _D)
    m4w, m4b = _pad2(M4w, _D, _D), _pad2(M4b.reshape(1, -1), 1, _D)

    dstb = edge_index[1].reshape(_NEB, 1, _EBLK)
    h1p, dinvf = _mm_scale(x, W1, dstb)
    agg1 = _agg_kernel()(h1p, epack)
    h2p = _post_mm(agg1, h1p, dinvf, b1r, g1r, be1r, W2)
    agg2 = _agg_kernel()(h2p, epack)
    h3p = _post_mm(agg2, h2p, dinvf, b2r, g2r, be2r, W3)
    agg3 = _agg_kernel()(h3p, epack)
    out = _post_pool_mlp(agg3, h3p, dinvf, b3r, g3r, be3r, batchr,
                         M1w, m1b, m2w, m2b, m3w, m3b, m4w, m4b)
    return out[:, :2]

# --- scband reference (transcript-rebuilt; emitter-appended) ---
"""Pipeline reference for scband-gcn-17841294147604 (READ-ONLY COPY).

The authoritative reference and input builder live on the scoring server;
editing this copy changes nothing except your own understanding.
"""

import jax, jax.numpy as jnp
import numpy as np

N = 10000
E = 320000
D = 128
H = 128
G = 64


def _gcn_conv(x, W, b, src, dst, n):
    # PyG GCNConv: add self loops, symmetric normalization, linear, scatter-add aggregate
    h = x @ W
    sl = jnp.arange(n)
    s = jnp.concatenate([src, sl])
    d = jnp.concatenate([dst, sl])
    w = jnp.ones(s.shape[0], dtype=x.dtype)
    deg = jnp.zeros((n,), x.dtype).at[d].add(w)
    dinv = jnp.where(deg > 0, jax.lax.rsqrt(deg), 0.0)
    norm = dinv[s] * dinv[d]
    msg = h[s] * norm[:, None]
    out = jnp.zeros_like(h).at[d].add(msg)
    return out + b


def _bn_eval(x, g, b, eps=1e-5):
    # eval-mode BatchNorm1d with fresh running stats (mean=0, var=1)
    return x / jnp.sqrt(1.0 + eps) * g + b


def setup_inputs(seed: int = 0):
    key = jax.random.key(seed)
    ks = jax.random.split(key, 24)
    inp = {}
    inp["x"] = jax.random.normal(ks[0], (N, D), jnp.float32)
    inp["edge_index"] = jax.random.randint(ks[1], (2, E), 0, N)
    inp["batch"] = jnp.sort(jax.random.randint(ks[2], (N,), 0, G))
    inp["W1"] = jax.random.normal(ks[3], (D, H), jnp.float32) * 0.05
    inp["b1"] = jnp.zeros((H,), jnp.float32)
    inp["g1"] = jnp.ones((H,), jnp.float32)
    inp["be1"] = jnp.zeros((H,), jnp.float32)
    inp["W2"] = jax.random.normal(ks[4], (H, H), jnp.float32) * 0.05
    inp["b2"] = jnp.zeros((H,), jnp.float32)
    inp["g2"] = jnp.ones((H,), jnp.float32)
    inp["be2"] = jnp.zeros((H,), jnp.float32)
    inp["W3"] = jax.random.normal(ks[5], (H, H), jnp.float32) * 0.05
    inp["b3"] = jnp.zeros((H,), jnp.float32)
    inp["g3"] = jnp.ones((H,), jnp.float32)
    inp["be3"] = jnp.zeros((H,), jnp.float32)
    inp["M1w"] = jax.random.normal(ks[6], (H, H), jnp.float32) * 0.05
    inp["M1b"] = jnp.zeros((H,), jnp.float32)
    inp["M2w"] = jax.random.normal(ks[7], (H, 64), jnp.float32) * 0.05
    inp["M2b"] = jnp.zeros((64,), jnp.float32)
    inp["M3w"] = jax.random.normal(ks[8], (64, 32), jnp.float32) * 0.05
    inp["M3b"] = jnp.zeros((32,), jnp.float32)
    inp["M4w"] = jax.random.normal(ks[9], (32, 2), jnp.float32) * 0.05
    inp["M4b"] = jnp.zeros((2,), jnp.float32)
    return inp


def reference(x, edge_index, batch, W1, b1, g1, be1, W2, b2, g2, be2, W3, b3, g3, be3,
              M1w, M1b, M2w, M2b, M3w, M3b, M4w, M4b):
    src = edge_index[0]
    dst = edge_index[1]
    h = _gcn_conv(x, W1, b1, src, dst, N)
    h = jax.nn.relu(_bn_eval(h, g1, be1))
    # dropout is identity in eval mode
    h = _gcn_conv(h, W2, b2, src, dst, N)
    h = jax.nn.relu(_bn_eval(h, g2, be2))
    h = _gcn_conv(h, W3, b3, src, dst, N)
    h = jax.nn.relu(_bn_eval(h, g3, be3))
    sums = jax.ops.segment_sum(h, batch, num_segments=G)
    cnt = jax.ops.segment_sum(jnp.ones((N,), h.dtype), batch, num_segments=G)
    pooled = sums / jnp.maximum(cnt, 1.0)[:, None]
    z = jax.nn.relu(pooled @ M1w + M1b)
    z = jax.nn.relu(z @ M2w + M2b)
    z = jax.nn.relu(z @ M3w + M3b)
    return z @ M4w + M4b

if __name__ == "__main__":
    import jax
    _d = setup_inputs()
    print(jax.jit(kernel)(*tuple(_d.values())))

</pallas_src>

<mosaic_0001>
#map = affine_map<(d0, d1) -> (0, 0)>
#map1 = affine_map<(d0, d1) -> (0, 0, 0, 0)>
#map2 = affine_map<(d0, d1) -> (0, 0, 0)>
module attributes {stable_mosaic.version = 14 : i64} {
  func.func @_agg_body(%arg0: i32, %arg1: i32, %arg2: memref<10240x128xf32, #tpu.memory_space<hbm>>, %arg3: memref<32x79x2x128xi32, #tpu.memory_space<hbm>>, %arg4: memref<2x10240x128xf32, #tpu.memory_space<hbm>>, %arg5: memref<10240x128xf32, #tpu.memory_space<vmem_shared>>, %arg6: memref<4x2x128xi32, #tpu.memory_space<vmem>>, %arg7: memref<2x128x128xf32, #tpu.memory_space<vmem>>, %arg8: memref<!tpu.dma_semaphore, #tpu.memory_space<semaphore_mem>>, %arg9: memref<!tpu.dma_semaphore, #tpu.memory_space<semaphore_mem>>, %arg10: memref<!tpu.dma_semaphore, #tpu.memory_space<semaphore_mem>>) attributes {dimension_semantics = [#tpu.dimension_semantics<core_parallel>, #tpu.dimension_semantics<subcore_parallel>], iteration_bounds = array<i64: 2, 16>, scalar_prefetch = 0 : i64, scratch_operands = 6 : i64, tpu.core_type = #tpu.core_type<sc_vector_subcore>, window_params = [{transform_indices = #map}, {transform_indices = #map1}, {transform_indices = #map2}]} {
    %mul3A = arith.constant 16 : i32
    %mul3A_0 = arith.muli %arg0, %mul3A : i32
    %add3A = arith.addi %mul3A_0, %arg1 : i32
    %scan3A = arith.constant 0 : i32
    %scan3A_1 = arith.constant 0 : i32
    %scan3A_2 = arith.constant 1024 : i32
    %scan3A_3 = arith.addi %scan3A_1, %scan3A_2 : i32
    %scan3A_4 = arith.constant 1 : i32
    %scan3A_5 = scf.for %scan3A_127 = %scan3A_1 to %scan3A_3 step %scan3A_4 iter_args(%scan3A_128 = %scan3A) -> (i32)  : i32 {
      %jit3A = arith.constant 8 : i32
      %div3A = arith.divsi %scan3A_127, %jit3A : i32
      %sign3A = arith.constant 0 : i32
      %sign3A_129 = arith.cmpi sgt, %scan3A_127, %sign3A : i32
      %sign3A_130 = arith.extui %sign3A_129 : i1 to i32
      %sign3A_131 = arith.constant 0 : i32
      %sign3A_132 = arith.cmpi slt, %scan3A_127, %sign3A_131 : i32
      %sign3A_133 = arith.extui %sign3A_132 : i1 to i32
      %sign3A_134 = arith.subi %sign3A_130, %sign3A_133 : i32
      %sign3A_135 = arith.constant 0 : i32
      %sign3A_136 = arith.cmpi sgt, %jit3A, %sign3A_135 : i32
      %sign3A_137 = arith.extui %sign3A_136 : i1 to i32
      %sign3A_138 = arith.constant 0 : i32
      %sign3A_139 = arith.cmpi slt, %jit3A, %sign3A_138 : i32
      %sign3A_140 = arith.extui %sign3A_139 : i1 to i32
      %sign3A_141 = arith.subi %sign3A_137, %sign3A_140 : i32
      %ne3A = arith.cmpi ne, %sign3A_134, %sign3A_141 : i32
      %rem3A = arith.remsi %scan3A_127, %jit3A : i32
      %ne3A_142 = arith.constant 0 : i32
      %ne3A_143 = arith.cmpi ne, %rem3A, %ne3A_142 : i32
      %and3A = arith.andi %ne3A, %ne3A_143 : i1
      %sub3A = arith.constant 1 : i32
      %sub3A_144 = arith.subi %div3A, %sub3A : i32
      %select_n3A = arith.select %and3A, %sub3A_144, %div3A : i32
      %jit3A_145 = arith.constant 8 : i32
      %eq3A = arith.constant 0 : i32
      %eq3A_146 = arith.cmpi eq, %jit3A_145, %eq3A : i32
      %jit3A_147 = arith.constant 1 : i32
      %select_n3A_148 = arith.select %eq3A_146, %jit3A_147, %jit3A_145 : i32
      %rem3A_149 = arith.remsi %scan3A_127, %select_n3A_148 : i32
      %ne3A_150 = arith.constant 0 : i32
      %ne3A_151 = arith.cmpi ne, %rem3A_149, %ne3A_150 : i32
      %lt3A = arith.constant 0 : i32
      %lt3A_152 = arith.cmpi slt, %rem3A_149, %lt3A : i32
      %lt3A_153 = arith.constant 0 : i32
      %lt3A_154 = arith.cmpi slt, %select_n3A_148, %lt3A_153 : i32
      %ne3A_155 = arith.xori %lt3A_152, %lt3A_154 : i1
      %and3A_156 = arith.andi %ne3A_155, %ne3A_151 : i1
      %add3A_157 = arith.addi %rem3A_149, %select_n3A_148 : i32
      %select_n3A_158 = arith.select %and3A_156, %add3A_157, %rem3A_149 : i32
      %mul3A_159 = arith.constant 16 : i32
      %mul3A_160 = arith.muli %select_n3A_158, %mul3A_159 : i32
      %broadcast_in_dim3A = arith.constant 0.000000e+00 : f32
      %broadcast_in_dim3A_161 = vector.broadcast %broadcast_in_dim3A : f32 to vector<16xf32>
      %swap3A = arith.constant 0 : i32
      %swap3A_162 = arith.index_cast %swap3A : i32 to index
      %swap3A_163 = arith.index_cast %select_n3A : i32 to index
      %swap3A_164 = arith.index_cast %mul3A_160 : i32 to index
      %swap3A_165 = tpu.vector_load %arg7[%swap3A_162, %swap3A_163, %swap3A_164] {strides = array<i32>} : memref<2x128x128xf32, #tpu.memory_space<vmem>>, vector<1x1x16xf32>,
      %swap3A_166 = vector.shape_cast %swap3A_165 : vector<1x1x16xf32> to vector<16xf32>
      %swap3A_167 = vector.shape_cast %broadcast_in_dim3A_161 : vector<16xf32> to vector<1x1x16xf32>
      tpu.vector_store %arg7[%swap3A_162, %swap3A_163, %swap3A_164], %swap3A_167 {strides = array<i32>} : memref<2x128x128xf32, #tpu.memory_space<vmem>>, vector<1x1x16xf32>,
      %scan3A_168 = arith.constant 0 : i32
      scf.yield %scan3A_168 : i32
    }
    %scan3A_6 = arith.constant 1024 : i32
    %mul3A_7 = arith.constant 640 : i32
    %mul3A_8 = arith.muli %arg1, %mul3A_7 : i32
    %add3A_9 = arith.constant 0 : i32
    %add3A_10 = arith.addi %mul3A_8, %add3A_9 : i32
    %run_scoped3A = arith.constant 0 : i32
    "tpu.region"() ({
      %run_scoped3A_127 = tpu.sem_alloc : memref<!tpu.dma_semaphore, #tpu.memory_space<semaphore_mem>>
      %dma_start3A_128 = arith.constant 0 : i32
      %dma_start3A_129 = arith.constant 0 : i32
      %dma_start3A_130 = tpu.memref_slice %arg7[%run_scoped3A, %dma_start3A_128, %dma_start3A_129] : memref<2x128x128xf32, #tpu.memory_space<vmem>> -> memref<1x128x128xf32, #tpu.memory_space<vmem>>
      %dma_start3A_131 = tpu.memref_squeeze %dma_start3A_130 : memref<1x128x128xf32, #tpu.memory_space<vmem>> -> memref<128x128xf32, #tpu.memory_space<vmem>>
      %dma_start3A_132 = arith.constant 0 : i32
      %dma_start3A_133 = tpu.memref_slice %arg5[%add3A_10, %dma_start3A_132] : memref<10240x128xf32, #tpu.memory_space<vmem_shared>> -> memref<128x128xf32, #tpu.memory_space<vmem_shared>>
      %dma_start3A_134 = arith.constant 0 : i32
      %dma_start3A_135 = tpu.memref_slice %arg5[%add3A_10, %dma_start3A_134] : memref<10240x128xf32, #tpu.memory_space<vmem_shared>> -> memref<128x128xf32, #tpu.memory_space<vmem_shared>>
      %dma_start3A_136 = arith.constant 0 : i32
      %dma_start3A_137 = arith.constant 0 : i32
      %dma_start3A_138 = tpu.memref_slice %arg7[%run_scoped3A, %dma_start3A_136, %dma_start3A_137] : memref<2x128x128xf32, #tpu.memory_space<vmem>> -> memref<1x128x128xf32, #tpu.memory_space<vmem>>
      %dma_start3A_139 = tpu.memref_squeeze %dma_start3A_138 : memref<1x128x128xf32, #tpu.memory_space<vmem>> -> memref<128x128xf32, #tpu.memory_space<vmem>>
      tpu.enqueue_dma source(%dma_start3A_139 : memref<128x128xf32, #tpu.memory_space<vmem>>) target(%dma_start3A_135 : memref<128x128xf32, #tpu.memory_space<vmem_shared>>) target_semaphore(%run_scoped3A_127 : memref<!tpu.dma_semaphore, #tpu.memory_space<semaphore_mem>>)
      %dma_wait3A_140 = arith.constant 0 : i32
      %dma_wait3A_141 = arith.constant 0 : i32
      %dma_wait3A_142 = tpu.memref_slice %arg7[%run_scoped3A, %dma_wait3A_140, %dma_wait3A_141] : memref<2x128x128xf32, #tpu.memory_space<vmem>> -> memref<1x128x128xf32, #tpu.memory_space<vmem>>
      %dma_wait3A_143 = tpu.memref_squeeze %dma_wait3A_142 : memref<1x128x128xf32, #tpu.memory_space<vmem>> -> memref<128x128xf32, #tpu.memory_space<vmem>>
      %dma_wait3A_144 = arith.constant 0 : i32
      %dma_wait3A_145 = tpu.memref_slice %arg5[%add3A_10, %dma_wait3A_144] : memref<10240x128xf32, #tpu.memory_space<vmem_shared>> -> memref<128x128xf32, #tpu.memory_space<vmem_shared>>
      %dma_wait3A_146 = arith.constant 0 : i32
      %dma_wait3A_147 = tpu.memref_slice %arg5[%add3A_10, %dma_wait3A_146] : memref<10240x128xf32, #tpu.memory_space<vmem_shared>> -> memref<128x128xf32, #tpu.memory_space<vmem_shared>>
      %dma_wait3A_148 = arith.constant 0 : i32
      %dma_wait3A_149 = arith.constant 0 : i32
      %dma_wait3A_150 = tpu.memref_slice %arg7[%run_scoped3A, %dma_wait3A_148, %dma_wait3A_149] : memref<2x128x128xf32, #tpu.memory_space<vmem>> -> memref<1x128x128xf32, #tpu.memory_space<vmem>>
      %dma_wait3A_151 = tpu.memref_squeeze %dma_wait3A_150 : memref<1x128x128xf32, #tpu.memory_space<vmem>> -> memref<128x128xf32, #tpu.memory_space<vmem>>
      tpu.wait_dma2 semaphore(%run_scoped3A_127 : memref<!tpu.dma_semaphore, #tpu.memory_space<semaphore_mem>>) src(%dma_wait3A_151 : memref<128x128xf32, #tpu.memory_space<vmem>>) dst(%dma_wait3A_147 : memref<128x128xf32, #tpu.memory_space<vmem_shared>>)
      tpu.yield
    }) : () -> ()
    %add3A_11 = arith.constant 128 : i32
    %add3A_12 = arith.addi %mul3A_8, %add3A_11 : i32
    %run_scoped3A_13 = arith.constant 0 : i32
    "tpu.region"() ({
      %run_scoped3A_127 = tpu.sem_alloc : memref<!tpu.dma_semaphore, #tpu.memory_space<semaphore_mem>>
      %dma_start3A_128 = arith.constant 0 : i32
      %dma_start3A_129 = arith.constant 0 : i32
      %dma_start3A_130 = tpu.memref_slice %arg7[%run_scoped3A_13, %dma_start3A_128, %dma_start3A_129] : memref<2x128x128xf32, #tpu.memory_space<vmem>> -> memref<1x128x128xf32, #tpu.memory_space<vmem>>
      %dma_start3A_131 = tpu.memref_squeeze %dma_start3A_130 : memref<1x128x128xf32, #tpu.memory_space<vmem>> -> memref<128x128xf32, #tpu.memory_space<vmem>>
      %dma_start3A_132 = arith.constant 0 : i32
      %dma_start3A_133 = tpu.memref_slice %arg5[%add3A_12, %dma_start3A_132] : memref<10240x128xf32, #tpu.memory_space<vmem_shared>> -> memref<128x128xf32, #tpu.memory_space<vmem_shared>>
      %dma_start3A_134 = arith.constant 0 : i32
      %dma_start3A_135 = tpu.memref_slice %arg5[%add3A_12, %dma_start3A_134] : memref<10240x128xf32, #tpu.memory_space<vmem_shared>> -> memref<128x128xf32, #tpu.memory_space<vmem_shared>>
      %dma_start3A_136 = arith.constant 0 : i32
      %dma_start3A_137 = arith.constant 0 : i32
      %dma_start3A_138 = tpu.memref_slice %arg7[%run_scoped3A_13, %dma_start3A_136, %dma_start3A_137] : memref<2x128x128xf32, #tpu.memory_space<vmem>> -> memref<1x128x128xf32, #tpu.memory_space<vmem>>
      %dma_start3A_139 = tpu.memref_squeeze %dma_start3A_138 : memref<1x128x128xf32, #tpu.memory_space<vmem>> -> memref<128x128xf32, #tpu.memory_space<vmem>>
      tpu.enqueue_dma source(%dma_start3A_139 : memref<128x128xf32, #tpu.memory_space<vmem>>) target(%dma_start3A_135 : memref<128x128xf32, #tpu.memory_space<vmem_shared>>) target_semaphore(%run_scoped3A_127 : memref<!tpu.dma_semaphore, #tpu.memory_space<semaphore_mem>>)
      %dma_wait3A_140 = arith.constant 0 : i32
      %dma_wait3A_141 = arith.constant 0 : i32
      %dma_wait3A_142 = tpu.memref_slice %arg7[%run_scoped3A_13, %dma_wait3A_140, %dma_wait3A_141] : memref<2x128x128xf32, #tpu.memory_space<vmem>> -> memref<1x128x128xf32, #tpu.memory_space<vmem>>
      %dma_wait3A_143 = tpu.memref_squeeze %dma_wait3A_142 : memref<1x128x128xf32, #tpu.memory_space<vmem>> -> memref<128x128xf32, #tpu.memory_space<vmem>>
      %dma_wait3A_144 = arith.constant 0 : i32
      %dma_wait3A_145 = tpu.memref_slice %arg5[%add3A_12, %dma_wait3A_144] : memref<10240x128xf32, #tpu.memory_space<vmem_shared>> -> memref<128x128xf32, #tpu.memory_space<vmem_shared>>
      %dma_wait3A_146 = arith.constant 0 : i32
      %dma_wait3A_147 = tpu.memref_slice %arg5[%add3A_12, %dma_wait3A_146] : memref<10240x128xf32, #tpu.memory_space<vmem_shared>> -> memref<128x128xf32, #tpu.memory_space<vmem_shared>>
      %dma_wait3A_148 = arith.constant 0 : i32
      %dma_wait3A_149 = arith.constant 0 : i32
      %dma_wait3A_150 = tpu.memref_slice %arg7[%run_scoped3A_13, %dma_wait3A_148, %dma_wait3A_149] : memref<2x128x128xf32, #tpu.memory_space<vmem>> -> memref<1x128x128xf32, #tpu.memory_space<vmem>>
      %dma_wait3A_151 = tpu.memref_squeeze %dma_wait3A_150 : memref<1x128x128xf32, #tpu.memory_space<vmem>> -> memref<128x128xf32, #tpu.memory_space<vmem>>
      tpu.wait_dma2 semaphore(%run_scoped3A_127 : memref<!tpu.dma_semaphore, #tpu.memory_space<semaphore_mem>>) src(%dma_wait3A_151 : memref<128x128xf32, #tpu.memory_space<vmem>>) dst(%dma_wait3A_147 : memref<128x128xf32, #tpu.memory_space<vmem_shared>>)
      tpu.yield
    }) : () -> ()
    %add3A_14 = arith.constant 256 : i32
    %add3A_15 = arith.addi %mul3A_8, %add3A_14 : i32
    %run_scoped3A_16 = arith.constant 0 : i32
    "tpu.region"() ({
      %run_scoped3A_127 = tpu.sem_alloc : memref<!tpu.dma_semaphore, #tpu.memory_space<semaphore_mem>>
      %dma_start3A_128 = arith.constant 0 : i32
      %dma_start3A_129 = arith.constant 0 : i32
      %dma_start3A_130 = tpu.memref_slice %arg7[%run_scoped3A_16, %dma_start3A_128, %dma_start3A_129] : memref<2x128x128xf32, #tpu.memory_space<vmem>> -> memref<1x128x128xf32, #tpu.memory_space<vmem>>
      %dma_start3A_131 = tpu.memref_squeeze %dma_start3A_130 : memref<1x128x128xf32, #tpu.memory_space<vmem>> -> memref<128x128xf32, #tpu.memory_space<vmem>>
      %dma_start3A_132 = arith.constant 0 : i32
      %dma_start3A_133 = tpu.memref_slice %arg5[%add3A_15, %dma_start3A_132] : memref<10240x128xf32, #tpu.memory_space<vmem_shared>> -> memref<128x128xf32, #tpu.memory_space<vmem_shared>>
      %dma_start3A_134 = arith.constant 0 : i32
      %dma_start3A_135 = tpu.memref_slice %arg5[%add3A_15, %dma_start3A_134] : memref<10240x128xf32, #tpu.memory_space<vmem_shared>> -> memref<128x128xf32, #tpu.memory_space<vmem_shared>>
      %dma_start3A_136 = arith.constant 0 : i32
      %dma_start3A_137 = arith.constant 0 : i32
      %dma_start3A_138 = tpu.memref_slice %arg7[%run_scoped3A_16, %dma_start3A_136, %dma_start3A_137] : memref<2x128x128xf32, #tpu.memory_space<vmem>> -> memref<1x128x128xf32, #tpu.memory_space<vmem>>
      %dma_start3A_139 = tpu.memref_squeeze %dma_start3A_138 : memref<1x128x128xf32, #tpu.memory_space<vmem>> -> memref<128x128xf32, #tpu.memory_space<vmem>>
      tpu.enqueue_dma source(%dma_start3A_139 : memref<128x128xf32, #tpu.memory_space<vmem>>) target(%dma_start3A_135 : memref<128x128xf32, #tpu.memory_space<vmem_shared>>) target_semaphore(%run_scoped3A_127 : memref<!tpu.dma_semaphore, #tpu.memory_space<semaphore_mem>>)
      %dma_wait3A_140 = arith.constant 0 : i32
      %dma_wait3A_141 = arith.constant 0 : i32
      %dma_wait3A_142 = tpu.memref_slice %arg7[%run_scoped3A_16, %dma_wait3A_140, %dma_wait3A_141] : memref<2x128x128xf32, #tpu.memory_space<vmem>> -> memref<1x128x128xf32, #tpu.memory_space<vmem>>
      %dma_wait3A_143 = tpu.memref_squeeze %dma_wait3A_142 : memref<1x128x128xf32, #tpu.memory_space<vmem>> -> memref<128x128xf32, #tpu.memory_space<vmem>>
      %dma_wait3A_144 = arith.constant 0 : i32
      %dma_wait3A_145 = tpu.memref_slice %arg5[%add3A_15, %dma_wait3A_144] : memref<10240x128xf32, #tpu.memory_space<vmem_shared>> -> memref<128x128xf32, #tpu.memory_space<vmem_shared>>
      %dma_wait3A_146 = arith.constant 0 : i32
      %dma_wait3A_147 = tpu.memref_slice %arg5[%add3A_15, %dma_wait3A_146] : memref<10240x128xf32, #tpu.memory_space<vmem_shared>> -> memref<128x128xf32, #tpu.memory_space<vmem_shared>>
      %dma_wait3A_148 = arith.constant 0 : i32
      %dma_wait3A_149 = arith.constant 0 : i32
      %dma_wait3A_150 = tpu.memref_slice %arg7[%run_scoped3A_16, %dma_wait3A_148, %dma_wait3A_149] : memref<2x128x128xf32, #tpu.memory_space<vmem>> -> memref<1x128x128xf32, #tpu.memory_space<vmem>>
      %dma_wait3A_151 = tpu.memref_squeeze %dma_wait3A_150 : memref<1x128x128xf32, #tpu.memory_space<vmem>> -> memref<128x128xf32, #tpu.memory_space<vmem>>
      tpu.wait_dma2 semaphore(%run_scoped3A_127 : memref<!tpu.dma_semaphore, #tpu.memory_space<semaphore_mem>>) src(%dma_wait3A_151 : memref<128x128xf32, #tpu.memory_space<vmem>>) dst(%dma_wait3A_147 : memref<128x128xf32, #tpu.memory_space<vmem_shared>>)
      tpu.yield
    }) : () -> ()
    %add3A_17 = arith.constant 384 : i32
    %add3A_18 = arith.addi %mul3A_8, %add3A_17 : i32
    %run_scoped3A_19 = arith.constant 0 : i32
    "tpu.region"() ({
      %run_scoped3A_127 = tpu.sem_alloc : memref<!tpu.dma_semaphore, #tpu.memory_space<semaphore_mem>>
      %dma_start3A_128 = arith.constant 0 : i32
      %dma_start3A_129 = arith.constant 0 : i32
      %dma_start3A_130 = tpu.memref_slice %arg7[%run_scoped3A_19, %dma_start3A_128, %dma_start3A_129] : memref<2x128x128xf32, #tpu.memory_space<vmem>> -> memref<1x128x128xf32, #tpu.memory_space<vmem>>
      %dma_start3A_131 = tpu.memref_squeeze %dma_start3A_130 : memref<1x128x128xf32, #tpu.memory_space<vmem>> -> memref<128x128xf32, #tpu.memory_space<vmem>>
      %dma_start3A_132 = arith.constant 0 : i32
      %dma_start3A_133 = tpu.memref_slice %arg5[%add3A_18, %dma_start3A_132] : memref<10240x128xf32, #tpu.memory_space<vmem_shared>> -> memref<128x128xf32, #tpu.memory_space<vmem_shared>>
      %dma_start3A_134 = arith.constant 0 : i32
      %dma_start3A_135 = tpu.memref_slice %arg5[%add3A_18, %dma_start3A_134] : memref<10240x128xf32, #tpu.memory_space<vmem_shared>> -> memref<128x128xf32, #tpu.memory_space<vmem_shared>>
      %dma_start3A_136 = arith.constant 0 : i32
      %dma_start3A_137 = arith.constant 0 : i32
      %dma_start3A_138 = tpu.memref_slice %arg7[%run_scoped3A_19, %dma_start3A_136, %dma_start3A_137] : memref<2x128x128xf32, #tpu.memory_space<vmem>> -> memref<1x128x128xf32, #tpu.memory_space<vmem>>
      %dma_start3A_139 = tpu.memref_squeeze %dma_start3A_138 : memref<1x128x128xf32, #tpu.memory_space<vmem>> -> memref<128x128xf32, #tpu.memory_space<vmem>>
      tpu.enqueue_dma source(%dma_start3A_139 : memref<128x128xf32, #tpu.memory_space<vmem>>) target(%dma_start3A_135 : memref<128x128xf32, #tpu.memory_space<vmem_shared>>) target_semaphore(%run_scoped3A_127 : memref<!tpu.dma_semaphore, #tpu.memory_space<semaphore_mem>>)
      %dma_wait3A_140 = arith.constant 0 : i32
      %dma_wait3A_141 = arith.constant 0 : i32
      %dma_wait3A_142 = tpu.memref_slice %arg7[%run_scoped3A_19, %dma_wait3A_140, %dma_wait3A_141] : memref<2x128x128xf32, #tpu.memory_space<vmem>> -> memref<1x128x128xf32, #tpu.memory_space<vmem>>
      %dma_wait3A_143 = tpu.memref_squeeze %dma_wait3A_142 : memref<1x128x128xf32, #tpu.memory_space<vmem>> -> memref<128x128xf32, #tpu.memory_space<vmem>>
      %dma_wait3A_144 = arith.constant 0 : i32
      %dma_wait3A_145 = tpu.memref_slice %arg5[%add3A_18, %dma_wait3A_144] : memref<10240x128xf32, #tpu.memory_space<vmem_shared>> -> memref<128x128xf32, #tpu.memory_space<vmem_shared>>
      %dma_wait3A_146 = arith.constant 0 : i32
      %dma_wait3A_147 = tpu.memref_slice %arg5[%add3A_18, %dma_wait3A_146] : memref<10240x128xf32, #tpu.memory_space<vmem_shared>> -> memref<128x128xf32, #tpu.memory_space<vmem_shared>>
      %dma_wait3A_148 = arith.constant 0 : i32
      %dma_wait3A_149 = arith.constant 0 : i32
      %dma_wait3A_150 = tpu.memref_slice %arg7[%run_scoped3A_19, %dma_wait3A_148, %dma_wait3A_149] : memref<2x128x128xf32, #tpu.memory_space<vmem>> -> memref<1x128x128xf32, #tpu.memory_space<vmem>>
      %dma_wait3A_151 = tpu.memref_squeeze %dma_wait3A_150 : memref<1x128x128xf32, #tpu.memory_space<vmem>> -> memref<128x128xf32, #tpu.memory_space<vmem>>
      tpu.wait_dma2 semaphore(%run_scoped3A_127 : memref<!tpu.dma_semaphore, #tpu.memory_space<semaphore_mem>>) src(%dma_wait3A_151 : memref<128x128xf32, #tpu.memory_space<vmem>>) dst(%dma_wait3A_147 : memref<128x128xf32, #tpu.memory_space<vmem_shared>>)
      tpu.yield
    }) : () -> ()
    %add3A_20 = arith.constant 512 : i32
    %add3A_21 = arith.addi %mul3A_8, %add3A_20 : i32
    %run_scoped3A_22 = arith.constant 0 : i32
    "tpu.region"() ({
      %run_scoped3A_127 = tpu.sem_alloc : memref<!tpu.dma_semaphore, #tpu.memory_space<semaphore_mem>>
      %dma_start3A_128 = arith.constant 0 : i32
      %dma_start3A_129 = arith.constant 0 : i32
      %dma_start3A_130 = tpu.memref_slice %arg7[%run_scoped3A_22, %dma_start3A_128, %dma_start3A_129] : memref<2x128x128xf32, #tpu.memory_space<vmem>> -> memref<1x128x128xf32, #tpu.memory_space<vmem>>
      %dma_start3A_131 = tpu.memref_squeeze %dma_start3A_130 : memref<1x128x128xf32, #tpu.memory_space<vmem>> -> memref<128x128xf32, #tpu.memory_space<vmem>>
      %dma_start3A_132 = arith.constant 0 : i32
      %dma_start3A_133 = tpu.memref_slice %arg5[%add3A_21, %dma_start3A_132] : memref<10240x128xf32, #tpu.memory_space<vmem_shared>> -> memref<128x128xf32, #tpu.memory_space<vmem_shared>>
      %dma_start3A_134 = arith.constant 0 : i32
      %dma_start3A_135 = tpu.memref_slice %arg5[%add3A_21, %dma_start3A_134] : memref<10240x128xf32, #tpu.memory_space<vmem_shared>> -> memref<128x128xf32, #tpu.memory_space<vmem_shared>>
      %dma_start3A_136 = arith.constant 0 : i32
      %dma_start3A_137 = arith.constant 0 : i32
      %dma_start3A_138 = tpu.memref_slice %arg7[%run_scoped3A_22, %dma_start3A_136, %dma_start3A_137] : memref<2x128x128xf32, #tpu.memory_space<vmem>> -> memref<1x128x128xf32, #tpu.memory_space<vmem>>
      %dma_start3A_139 = tpu.memref_squeeze %dma_start3A_138 : memref<1x128x128xf32, #tpu.memory_space<vmem>> -> memref<128x128xf32, #tpu.memory_space<vmem>>
      tpu.enqueue_dma source(%dma_start3A_139 : memref<128x128xf32, #tpu.memory_space<vmem>>) target(%dma_start3A_135 : memref<128x128xf32, #tpu.memory_space<vmem_shared>>) target_semaphore(%run_scoped3A_127 : memref<!tpu.dma_semaphore, #tpu.memory_space<semaphore_mem>>)
      %dma_wait3A_140 = arith.constant 0 : i32
      %dma_wait3A_141 = arith.constant 0 : i32
      %dma_wait3A_142 = tpu.memref_slice %arg7[%run_scoped3A_22, %dma_wait3A_140, %dma_wait3A_141] : memref<2x128x128xf32, #tpu.memory_space<vmem>> -> memref<1x128x128xf32, #tpu.memory_space<vmem>>
      %dma_wait3A_143 = tpu.memref_squeeze %dma_wait3A_142 : memref<1x128x128xf32, #tpu.memory_space<vmem>> -> memref<128x128xf32, #tpu.memory_space<vmem>>
      %dma_wait3A_144 = arith.constant 0 : i32
      %dma_wait3A_145 = tpu.memref_slice %arg5[%add3A_21, %dma_wait3A_144] : memref<10240x128xf32, #tpu.memory_space<vmem_shared>> -> memref<128x128xf32, #tpu.memory_space<vmem_shared>>
      %dma_wait3A_146 = arith.constant 0 : i32
      %dma_wait3A_147 = tpu.memref_slice %arg5[%add3A_21, %dma_wait3A_146] : memref<10240x128xf32, #tpu.memory_space<vmem_shared>> -> memref<128x128xf32, #tpu.memory_space<vmem_shared>>
      %dma_wait3A_148 = arith.constant 0 : i32
      %dma_wait3A_149 = arith.constant 0 : i32
      %dma_wait3A_150 = tpu.memref_slice %arg7[%run_scoped3A_22, %dma_wait3A_148, %dma_wait3A_149] : memref<2x128x128xf32, #tpu.memory_space<vmem>> -> memref<1x128x128xf32, #tpu.memory_space<vmem>>
      %dma_wait3A_151 = tpu.memref_squeeze %dma_wait3A_150 : memref<1x128x128xf32, #tpu.memory_space<vmem>> -> memref<128x128xf32, #tpu.memory_space<vmem>>
      tpu.wait_dma2 semaphore(%run_scoped3A_127 : memref<!tpu.dma_semaphore, #tpu.memory_space<semaphore_mem>>) src(%dma_wait3A_151 : memref<128x128xf32, #tpu.memory_space<vmem>>) dst(%dma_wait3A_147 : memref<128x128xf32, #tpu.memory_space<vmem_shared>>)
      tpu.yield
    }) : () -> ()
    %barrier3A = arith.constant 0 : index
    tpu.barrier barrier_id(%barrier3A)
    %dma_start3A = arith.constant 0 : i32
    %dma_start3A_23 = arith.constant 0 : i32
    %dma_start3A_24 = arith.constant 0 : i32
    %dma_start3A_25 = arith.constant 0 : i32
    %dma_start3A_26 = tpu.memref_slice %arg6[%dma_start3A_23, %dma_start3A_24, %dma_start3A_25] : memref<4x2x128xi32, #tpu.memory_space<vmem>> -> memref<1x2x128xi32, #tpu.memory_space<vmem>>
    %dma_start3A_27 = tpu.memref_squeeze %dma_start3A_26 : memref<1x2x128xi32, #tpu.memory_space<vmem>> -> memref<2x128xi32, #tpu.memory_space<vmem>>
    %dma_start3A_28 = arith.constant 0 : i32
    %dma_start3A_29 = arith.constant 0 : i32
    %dma_start3A_30 = tpu.memref_slice %arg3[%add3A, %dma_start3A, %dma_start3A_28, %dma_start3A_29] : memref<32x79x2x128xi32, #tpu.memory_space<hbm>> -> memref<1x1x2x128xi32, #tpu.memory_space<hbm>>
    %dma_start3A_31 = tpu.memref_squeeze %dma_start3A_30 : memref<1x1x2x128xi32, #tpu.memory_space<hbm>> -> memref<2x128xi32, #tpu.memory_space<hbm>>
    %dma_start3A_32 = arith.constant 0 : i32
    %dma_start3A_33 = arith.constant 0 : i32
    %dma_start3A_34 = tpu.memref_slice %arg6[%dma_start3A_23, %dma_start3A_32, %dma_start3A_33] : memref<4x2x128xi32, #tpu.memory_space<vmem>> -> memref<1x2x128xi32, #tpu.memory_space<vmem>>
    %dma_start3A_35 = tpu.memref_squeeze %dma_start3A_34 : memref<1x2x128xi32, #tpu.memory_space<vmem>> -> memref<2x128xi32, #tpu.memory_space<vmem>>
    %dma_start3A_36 = arith.constant 0 : i32
    %dma_start3A_37 = arith.constant 0 : i32
    %dma_start3A_38 = tpu.memref_slice %arg3[%add3A, %dma_start3A, %dma_start3A_36, %dma_start3A_37] : memref<32x79x2x128xi32, #tpu.memory_space<hbm>> -> memref<1x1x2x128xi32, #tpu.memory_space<hbm>>
    %dma_start3A_39 = tpu.memref_squeeze %dma_start3A_38 : memref<1x1x2x128xi32, #tpu.memory_space<hbm>> -> memref<2x128xi32, #tpu.memory_space<hbm>>
    tpu.enqueue_dma source(%dma_start3A_39 : memref<2x128xi32, #tpu.memory_space<hbm>>) target(%dma_start3A_35 : memref<2x128xi32, #tpu.memory_space<vmem>>) target_semaphore(%arg10 : memref<!tpu.dma_semaphore, #tpu.memory_space<semaphore_mem>>)
    %dma_start3A_40 = arith.constant 1 : i32
    %dma_start3A_41 = arith.constant 1 : i32
    %dma_start3A_42 = arith.constant 0 : i32
    %dma_start3A_43 = arith.constant 0 : i32
    %dma_start3A_44 = tpu.memref_slice %arg6[%dma_start3A_41, %dma_start3A_42, %dma_start3A_43] : memref<4x2x128xi32, #tpu.memory_space<vmem>> -> memref<1x2x128xi32, #tpu.memory_space<vmem>>
    %dma_start3A_45 = tpu.memref_squeeze %dma_start3A_44 : memref<1x2x128xi32, #tpu.memory_space<vmem>> -> memref<2x128xi32, #tpu.memory_space<vmem>>
    %dma_start3A_46 = arith.constant 0 : i32
    %dma_start3A_47 = arith.constant 0 : i32
    %dma_start3A_48 = tpu.memref_slice %arg3[%add3A, %dma_start3A_40, %dma_start3A_46, %dma_start3A_47] : memref<32x79x2x128xi32, #tpu.memory_space<hbm>> -> memref<1x1x2x128xi32, #tpu.memory_space<hbm>>
    %dma_start3A_49 = tpu.memref_squeeze %dma_start3A_48 : memref<1x1x2x128xi32, #tpu.memory_space<hbm>> -> memref<2x128xi32, #tpu.memory_space<hbm>>
    %dma_start3A_50 = arith.constant 0 : i32
    %dma_start3A_51 = arith.constant 0 : i32
    %dma_start3A_52 = tpu.memref_slice %arg6[%dma_start3A_41, %dma_start3A_50, %dma_start3A_51] : memref<4x2x128xi32, #tpu.memory_space<vmem>> -> memref<1x2x128xi32, #tpu.memory_space<vmem>>
    %dma_start3A_53 = tpu.memref_squeeze %dma_start3A_52 : memref<1x2x128xi32, #tpu.memory_space<vmem>> -> memref<2x128xi32, #tpu.memory_space<vmem>>
    %dma_start3A_54 = arith.constant 0 : i32
    %dma_start3A_55 = arith.constant 0 : i32
    %dma_start3A_56 = tpu.memref_slice %arg3[%add3A, %dma_start3A_40, %dma_start3A_54, %dma_start3A_55] : memref<32x79x2x128xi32, #tpu.memory_space<hbm>> -> memref<1x1x2x128xi32, #tpu.memory_space<hbm>>
    %dma_start3A_57 = tpu.memref_squeeze %dma_start3A_56 : memref<1x1x2x128xi32, #tpu.memory_space<hbm>> -> memref<2x128xi32, #tpu.memory_space<hbm>>
    tpu.enqueue_dma source(%dma_start3A_57 : memref<2x128xi32, #tpu.memory_space<hbm>>) target(%dma_start3A_53 : memref<2x128xi32, #tpu.memory_space<vmem>>) target_semaphore(%arg10 : memref<!tpu.dma_semaphore, #tpu.memory_space<semaphore_mem>>)
    %dma_start3A_58 = arith.constant 2 : i32
    %dma_start3A_59 = arith.constant 2 : i32
    %dma_start3A_60 = arith.constant 0 : i32
    %dma_start3A_61 = arith.constant 0 : i32
    %dma_start3A_62 = tpu.memref_slice %arg6[%dma_start3A_59, %dma_start3A_60, %dma_start3A_61] : memref<4x2x128xi32, #tpu.memory_space<vmem>> -> memref<1x2x128xi32, #tpu.memory_space<vmem>>
    %dma_start3A_63 = tpu.memref_squeeze %dma_start3A_62 : memref<1x2x128xi32, #tpu.memory_space<vmem>> -> memref<2x128xi32, #tpu.memory_space<vmem>>
    %dma_start3A_64 = arith.constant 0 : i32
    %dma_start3A_65 = arith.constant 0 : i32
    %dma_start3A_66 = tpu.memref_slice %arg3[%add3A, %dma_start3A_58, %dma_start3A_64, %dma_start3A_65] : memref<32x79x2x128xi32, #tpu.memory_space<hbm>> -> memref<1x1x2x128xi32, #tpu.memory_space<hbm>>
    %dma_start3A_67 = tpu.memref_squeeze %dma_start3A_66 : memref<1x1x2x128xi32, #tpu.memory_space<hbm>> -> memref<2x128xi32, #tpu.memory_space<hbm>>
    %dma_start3A_68 = arith.constant 0 : i32
    %dma_start3A_69 = arith.constant 0 : i32
    %dma_start3A_70 = tpu.memref_slice %arg6[%dma_start3A_59, %dma_start3A_68, %dma_start3A_69] : memref<4x2x128xi32, #tpu.memory_space<vmem>> -> memref<1x2x128xi32, #tpu.memory_space<vmem>>
    %dma_start3A_71 = tpu.memref_squeeze %dma_start3A_70 : memref<1x2x128xi32, #tpu.memory_space<vmem>> -> memref<2x128xi32, #tpu.memory_space<vmem>>
    %dma_start3A_72 = arith.constant 0 : i32
    %dma_start3A_73 = arith.constant 0 : i32
    %dma_start3A_74 = tpu.memref_slice %arg3[%add3A, %dma_start3A_58, %dma_start3A_72, %dma_start3A_73] : memref<32x79x2x128xi32, #tpu.memory_space<hbm>> -> memref<1x1x2x128xi32, #tpu.memory_space<hbm>>
    %dma_start3A_75 = tpu.memref_squeeze %dma_start3A_74 : memref<1x1x2x128xi32, #tpu.memory_space<hbm>> -> memref<2x128xi32, #tpu.memory_space<hbm>>
    tpu.enqueue_dma source(%dma_start3A_75 : memref<2x128xi32, #tpu.memory_space<hbm>>) target(%dma_start3A_71 : memref<2x128xi32, #tpu.memory_space<vmem>>) target_semaphore(%arg10 : memref<!tpu.dma_semaphore, #tpu.memory_space<semaphore_mem>>)
    %dma_wait3A = arith.constant 0 : i32
    %dma_wait3A_76 = arith.constant 0 : i32
    %dma_wait3A_77 = arith.constant 0 : i32
    %dma_wait3A_78 = arith.constant 0 : i32
    %dma_wait3A_79 = tpu.memref_slice %arg6[%dma_wait3A_76, %dma_wait3A_77, %dma_wait3A_78] : memref<4x2x128xi32, #tpu.memory_space<vmem>> -> memref<1x2x128xi32, #tpu.memory_space<vmem>>
    %dma_wait3A_80 = tpu.memref_squeeze %dma_wait3A_79 : memref<1x2x128xi32, #tpu.memory_space<vmem>> -> memref<2x128xi32, #tpu.memory_space<vmem>>
    %dma_wait3A_81 = arith.constant 0 : i32
    %dma_wait3A_82 = arith.constant 0 : i32
    %dma_wait3A_83 = tpu.memref_slice %arg3[%add3A, %dma_wait3A, %dma_wait3A_81, %dma_wait3A_82] : memref<32x79x2x128xi32, #tpu.memory_space<hbm>> -> memref<1x1x2x128xi32, #tpu.memory_space<hbm>>
    %dma_wait3A_84 = tpu.memref_squeeze %dma_wait3A_83 : memref<1x1x2x128xi32, #tpu.memory_space<hbm>> -> memref<2x128xi32, #tpu.memory_space<hbm>>
    %dma_wait3A_85 = arith.constant 0 : i32
    %dma_wait3A_86 = arith.constant 0 : i32
    %dma_wait3A_87 = tpu.memref_slice %arg6[%dma_wait3A_76, %dma_wait3A_85, %dma_wait3A_86] : memref<4x2x128xi32, #tpu.memory_space<vmem>> -> memref<1x2x128xi32, #tpu.memory_space<vmem>>
    %dma_wait3A_88 = tpu.memref_squeeze %dma_wait3A_87 : memref<1x2x128xi32, #tpu.memory_space<vmem>> -> memref<2x128xi32, #tpu.memory_space<vmem>>
    %dma_wait3A_89 = arith.constant 0 : i32
    %dma_wait3A_90 = arith.constant 0 : i32
    %dma_wait3A_91 = tpu.memref_slice %arg3[%add3A, %dma_wait3A, %dma_wait3A_89, %dma_wait3A_90] : memref<32x79x2x128xi32, #tpu.memory_space<hbm>> -> memref<1x1x2x128xi32, #tpu.memory_space<hbm>>
    %dma_wait3A_92 = tpu.memref_squeeze %dma_wait3A_91 : memref<1x1x2x128xi32, #tpu.memory_space<hbm>> -> memref<2x128xi32, #tpu.memory_space<hbm>>
    tpu.wait_dma2 semaphore(%arg10 : memref<!tpu.dma_semaphore, #tpu.memory_space<semaphore_mem>>) src(%dma_wait3A_92 : memref<2x128xi32, #tpu.memory_space<hbm>>) dst(%dma_wait3A_88 : memref<2x128xi32, #tpu.memory_space<vmem>>)
    %dma_start3A_93 = arith.constant 0 : i32
    %dma_start3A_94 = arith.constant 0 : i32
    %dma_start3A_95 = arith.constant 0 : i32
    %dma_start3A_96 = arith.constant 0 : i32
    %dma_start3A_97 = arith.constant 0 : i32
    %dma_start3A_98 = tpu.memref_slice %arg7[%dma_start3A_95, %dma_start3A_96, %dma_start3A_97] : memref<2x128x128xf32, #tpu.memory_space<vmem>> -> memref<1x128x128xf32, #tpu.memory_space<vmem>>
    %dma_start3A_99 = tpu.memref_squeeze %dma_start3A_98 : memref<1x128x128xf32, #tpu.memory_space<vmem>> -> memref<128x128xf32, #tpu.memory_space<vmem>>
    %dma_start3A_100 = arith.constant 0 : i32
    %dma_start3A_101 = tpu.memref_slice %arg6[%dma_start3A_93, %dma_start3A_94, %dma_start3A_100] : memref<4x2x128xi32, #tpu.memory_space<vmem>> -> memref<1x1x128xi32, #tpu.memory_space<vmem>>
    %dma_start3A_102 = tpu.memref_squeeze %dma_start3A_101 : memref<1x1x128xi32, #tpu.memory_space<vmem>> -> memref<128xi32, #tpu.memory_space<vmem>>
    %dma_start3A_103 = arith.constant 0 : i32
    %dma_start3A_104 = arith.constant 0 : i32
    %dma_start3A_105 = tpu.memref_slice %arg2[%dma_start3A_103, %dma_start3A_104] : memref<10240x128xf32, #tpu.memory_space<hbm>> -> memref<10240x128xf32, #tpu.memory_space<hbm>>
    tpu.enqueue_indirect_dma source(%dma_start3A_105 : memref<10240x128xf32, #tpu.memory_space<hbm>>) target(%dma_start3A_99 : memref<128x128xf32, #tpu.memory_space<vmem>>) offsets(%dma_start3A_102 : memref<128xi32, #tpu.memory_space<vmem>>) semaphore(%arg8 : memref<!tpu.dma_semaphore, #tpu.memory_space<semaphore_mem>>)
    %scan3A_106 = arith.constant 0 : i32
    %scan3A_107 = arith.constant 0 : i32
    %scan3A_108 = arith.constant 79 : i32
    %scan3A_109 = arith.addi %scan3A_107, %scan3A_108 : i32
    %scan3A_110 = arith.constant 1 : i32
    %scan3A_111 = scf.for %scan3A_127 = %scan3A_107 to %scan3A_109 step %scan3A_110 iter_args(%scan3A_128 = %scan3A_106) -> (i32)  : i32 {
      %ge3A = arith.constant 1 : i32
      %ge3A_129 = arith.cmpi sge, %scan3A_127, %ge3A : i32
      %convert_element_type3A = arith.extui %ge3A_129 : i1 to i32
      %cond3A = arith.constant 0 : i32
      %cond3A_130 = arith.cmpi ne, %convert_element_type3A, %cond3A : i32
      scf.if %cond3A_130 {
        %sub3A = arith.constant 1 : i32
        %sub3A_225 = arith.subi %scan3A_127, %sub3A : i32
        %jit3A_226 = arith.constant 2 : i32
        %eq3A_227 = arith.constant 0 : i32
        %eq3A_228 = arith.cmpi eq, %jit3A_226, %eq3A_227 : i32
        %jit3A_229 = arith.constant 1 : i32
        %select_n3A_230 = arith.select %eq3A_228, %jit3A_229, %jit3A_226 : i32
        %rem3A_231 = arith.remsi %sub3A_225, %select_n3A_230 : i32
        %ne3A_232 = arith.constant 0 : i32
        %ne3A_233 = arith.cmpi ne, %rem3A_231, %ne3A_232 : i32
        %lt3A_234 = arith.constant 0 : i32
        %lt3A_235 = arith.cmpi slt, %rem3A_231, %lt3A_234 : i32
        %lt3A_236 = arith.constant 0 : i32
        %lt3A_237 = arith.cmpi slt, %select_n3A_230, %lt3A_236 : i32
        %ne3A_238 = arith.xori %lt3A_235, %lt3A_237 : i1
        %and3A_239 = arith.andi %ne3A_238, %ne3A_233 : i1
        %add3A_240 = arith.addi %rem3A_231, %select_n3A_230 : i32
        %select_n3A_241 = arith.select %and3A_239, %add3A_240, %rem3A_231 : i32
        %jit3A_242 = arith.constant 4 : i32
        %eq3A_243 = arith.constant 0 : i32
        %eq3A_244 = arith.cmpi eq, %jit3A_242, %eq3A_243 : i32
        %jit3A_245 = arith.constant 1 : i32
        %select_n3A_246 = arith.select %eq3A_244, %jit3A_245, %jit3A_242 : i32
        %rem3A_247 = arith.remsi %sub3A_225, %select_n3A_246 : i32
        %ne3A_248 = arith.constant 0 : i32
        %ne3A_249 = arith.cmpi ne, %rem3A_247, %ne3A_248 : i32
        %lt3A_250 = arith.constant 0 : i32
        %lt3A_251 = arith.cmpi slt, %rem3A_247, %lt3A_250 : i32
        %lt3A_252 = arith.constant 0 : i32
        %lt3A_253 = arith.cmpi slt, %select_n3A_246, %lt3A_252 : i32
        %ne3A_254 = arith.xori %lt3A_251, %lt3A_253 : i1
        %and3A_255 = arith.andi %ne3A_254, %ne3A_249 : i1
        %add3A_256 = arith.addi %rem3A_247, %select_n3A_246 : i32
        %select_n3A_257 = arith.select %and3A_255, %add3A_256, %rem3A_247 : i32
        %dma_wait3A_258 = arith.constant 1 : i32
        %dma_wait3A_259 = arith.constant 0 : i32
        %dma_wait3A_260 = arith.constant 0 : i32
        %dma_wait3A_261 = tpu.memref_slice %arg7[%select_n3A_241, %dma_wait3A_259, %dma_wait3A_260] : memref<2x128x128xf32, #tpu.memory_space<vmem>> -> memref<1x128x128xf32, #tpu.memory_space<vmem>>
        %dma_wait3A_262 = tpu.memref_squeeze %dma_wait3A_261 : memref<1x128x128xf32, #tpu.memory_space<vmem>> -> memref<128x128xf32, #tpu.memory_space<vmem>>
        %dma_wait3A_263 = arith.constant 0 : i32
        %dma_wait3A_264 = tpu.memref_slice %arg6[%select_n3A_257, %dma_wait3A_258, %dma_wait3A_263] : memref<4x2x128xi32, #tpu.memory_space<vmem>> -> memref<1x1x128xi32, #tpu.memory_space<vmem>>
        %dma_wait3A_265 = tpu.memref_squeeze %dma_wait3A_264 : memref<1x1x128xi32, #tpu.memory_space<vmem>> -> memref<128xi32, #tpu.memory_space<vmem>>
        %dma_wait3A_266 = arith.constant 0 : i32
        %dma_wait3A_267 = arith.constant 0 : i32
        %dma_wait3A_268 = tpu.memref_slice %arg5[%dma_wait3A_266, %dma_wait3A_267] : memref<10240x128xf32, #tpu.memory_space<vmem_shared>> -> memref<10240x128xf32, #tpu.memory_space<vmem_shared>>
        tpu.wait_indirect_dma semaphore(%arg9 : memref<!tpu.dma_semaphore, #tpu.memory_space<semaphore_mem>>) src(%dma_wait3A_262 : memref<128x128xf32, #tpu.memory_space<vmem>>) dst(%dma_wait3A_268 : memref<10240x128xf32, #tpu.memory_space<vmem_shared>>)
      } else {
      }
      %add3A_131 = arith.constant 3 : i32
      %add3A_132 = arith.addi %scan3A_127, %add3A_131 : i32
      %lt3A = arith.constant 79 : i32
      %lt3A_133 = arith.cmpi slt, %add3A_132, %lt3A : i32
      %convert_element_type3A_134 = arith.extui %lt3A_133 : i1 to i32
      %cond3A_135 = arith.constant 0 : i32
      %cond3A_136 = arith.cmpi ne, %convert_element_type3A_134, %cond3A_135 : i32
      scf.if %cond3A_136 {
        %add3A_225 = arith.constant 3 : i32
        %add3A_226 = arith.addi %scan3A_127, %add3A_225 : i32
        %jit3A_227 = arith.constant 4 : i32
        %eq3A_228 = arith.constant 0 : i32
        %eq3A_229 = arith.cmpi eq, %jit3A_227, %eq3A_228 : i32
        %jit3A_230 = arith.constant 1 : i32
        %select_n3A_231 = arith.select %eq3A_229, %jit3A_230, %jit3A_227 : i32
        %rem3A_232 = arith.remsi %add3A_226, %select_n3A_231 : i32
        %ne3A_233 = arith.constant 0 : i32
        %ne3A_234 = arith.cmpi ne, %rem3A_232, %ne3A_233 : i32
        %lt3A_235 = arith.constant 0 : i32
        %lt3A_236 = arith.cmpi slt, %rem3A_232, %lt3A_235 : i32
        %lt3A_237 = arith.constant 0 : i32
        %lt3A_238 = arith.cmpi slt, %select_n3A_231, %lt3A_237 : i32
        %ne3A_239 = arith.xori %lt3A_236, %lt3A_238 : i1
        %and3A_240 = arith.andi %ne3A_239, %ne3A_234 : i1
        %add3A_241 = arith.addi %rem3A_232, %select_n3A_231 : i32
        %select_n3A_242 = arith.select %and3A_240, %add3A_241, %rem3A_232 : i32
        %dma_start3A_243 = arith.constant 0 : i32
        %dma_start3A_244 = arith.constant 0 : i32
        %dma_start3A_245 = tpu.memref_slice %arg6[%select_n3A_242, %dma_start3A_243, %dma_start3A_244] : memref<4x2x128xi32, #tpu.memory_space<vmem>> -> memref<1x2x128xi32, #tpu.memory_space<vmem>>
        %dma_start3A_246 = tpu.memref_squeeze %dma_start3A_245 : memref<1x2x128xi32, #tpu.memory_space<vmem>> -> memref<2x128xi32, #tpu.memory_space<vmem>>
        %dma_start3A_247 = arith.constant 0 : i32
        %dma_start3A_248 = arith.constant 0 : i32
        %dma_start3A_249 = tpu.memref_slice %arg3[%add3A, %add3A_226, %dma_start3A_247, %dma_start3A_248] : memref<32x79x2x128xi32, #tpu.memory_space<hbm>> -> memref<1x1x2x128xi32, #tpu.memory_space<hbm>>
        %dma_start3A_250 = tpu.memref_squeeze %dma_start3A_249 : memref<1x1x2x128xi32, #tpu.memory_space<hbm>> -> memref<2x128xi32, #tpu.memory_space<hbm>>
        %dma_start3A_251 = arith.constant 0 : i32
        %dma_start3A_252 = arith.constant 0 : i32
        %dma_start3A_253 = tpu.memref_slice %arg6[%select_n3A_242, %dma_start3A_251, %dma_start3A_252] : memref<4x2x128xi32, #tpu.memory_space<vmem>> -> memref<1x2x128xi32, #tpu.memory_space<vmem>>
        %dma_start3A_254 = tpu.memref_squeeze %dma_start3A_253 : memref<1x2x128xi32, #tpu.memory_space<vmem>> -> memref<2x128xi32, #tpu.memory_space<vmem>>
        %dma_start3A_255 = arith.constant 0 : i32
        %dma_start3A_256 = arith.constant 0 : i32
        %dma_start3A_257 = tpu.memref_slice %arg3[%add3A, %add3A_226, %dma_start3A_255, %dma_start3A_256] : memref<32x79x2x128xi32, #tpu.memory_space<hbm>> -> memref<1x1x2x128xi32, #tpu.memory_space<hbm>>
        %dma_start3A_258 = tpu.memref_squeeze %dma_start3A_257 : memref<1x1x2x128xi32, #tpu.memory_space<hbm>> -> memref<2x128xi32, #tpu.memory_space<hbm>>
        tpu.enqueue_dma source(%dma_start3A_258 : memref<2x128xi32, #tpu.memory_space<hbm>>) target(%dma_start3A_254 : memref<2x128xi32, #tpu.memory_space<vmem>>) target_semaphore(%arg10 : memref<!tpu.dma_semaphore, #tpu.memory_space<semaphore_mem>>)
      } else {
      }
      %add3A_137 = arith.constant 1 : i32
      %add3A_138 = arith.addi %scan3A_127, %add3A_137 : i32
      %lt3A_139 = arith.constant 79 : i32
      %lt3A_140 = arith.cmpi slt, %add3A_138, %lt3A_139 : i32
      %convert_element_type3A_141 = arith.extui %lt3A_140 : i1 to i32
      %cond3A_142 = arith.constant 0 : i32
      %cond3A_143 = arith.cmpi ne, %convert_element_type3A_141, %cond3A_142 : i32
      scf.if %cond3A_143 {
        %add3A_225 = arith.constant 1 : i32
        %add3A_226 = arith.addi %scan3A_127, %add3A_225 : i32
        %jit3A_227 = arith.constant 4 : i32
        %eq3A_228 = arith.constant 0 : i32
        %eq3A_229 = arith.cmpi eq, %jit3A_227, %eq3A_228 : i32
        %jit3A_230 = arith.constant 1 : i32
        %select_n3A_231 = arith.select %eq3A_229, %jit3A_230, %jit3A_227 : i32
        %rem3A_232 = arith.remsi %add3A_226, %select_n3A_231 : i32
        %ne3A_233 = arith.constant 0 : i32
        %ne3A_234 = arith.cmpi ne, %rem3A_232, %ne3A_233 : i32
        %lt3A_235 = arith.constant 0 : i32
        %lt3A_236 = arith.cmpi slt, %rem3A_232, %lt3A_235 : i32
        %lt3A_237 = arith.constant 0 : i32
        %lt3A_238 = arith.cmpi slt, %select_n3A_231, %lt3A_237 : i32
        %ne3A_239 = arith.xori %lt3A_236, %lt3A_238 : i1
        %and3A_240 = arith.andi %ne3A_239, %ne3A_234 : i1
        %add3A_241 = arith.addi %rem3A_232, %select_n3A_231 : i32
        %select_n3A_242 = arith.select %and3A_240, %add3A_241, %rem3A_232 : i32
        %dma_wait3A_243 = arith.constant 0 : i32
        %dma_wait3A_244 = arith.constant 0 : i32
        %dma_wait3A_245 = tpu.memref_slice %arg6[%select_n3A_242, %dma_wait3A_243, %dma_wait3A_244] : memref<4x2x128xi32, #tpu.memory_space<vmem>> -> memref<1x2x128xi32, #tpu.memory_space<vmem>>
        %dma_wait3A_246 = tpu.memref_squeeze %dma_wait3A_245 : memref<1x2x128xi32, #tpu.memory_space<vmem>> -> memref<2x128xi32, #tpu.memory_space<vmem>>
        %dma_wait3A_247 = arith.constant 0 : i32
        %dma_wait3A_248 = arith.constant 0 : i32
        %dma_wait3A_249 = tpu.memref_slice %arg3[%add3A, %add3A_226, %dma_wait3A_247, %dma_wait3A_248] : memref<32x79x2x128xi32, #tpu.memory_space<hbm>> -> memref<1x1x2x128xi32, #tpu.memory_space<hbm>>
        %dma_wait3A_250 = tpu.memref_squeeze %dma_wait3A_249 : memref<1x1x2x128xi32, #tpu.memory_space<hbm>> -> memref<2x128xi32, #tpu.memory_space<hbm>>
        %dma_wait3A_251 = arith.constant 0 : i32
        %dma_wait3A_252 = arith.constant 0 : i32
        %dma_wait3A_253 = tpu.memref_slice %arg6[%select_n3A_242, %dma_wait3A_251, %dma_wait3A_252] : memref<4x2x128xi32, #tpu.memory_space<vmem>> -> memref<1x2x128xi32, #tpu.memory_space<vmem>>
        %dma_wait3A_254 = tpu.memref_squeeze %dma_wait3A_253 : memref<1x2x128xi32, #tpu.memory_space<vmem>> -> memref<2x128xi32, #tpu.memory_space<vmem>>
        %dma_wait3A_255 = arith.constant 0 : i32
        %dma_wait3A_256 = arith.constant 0 : i32
        %dma_wait3A_257 = tpu.memref_slice %arg3[%add3A, %add3A_226, %dma_wait3A_255, %dma_wait3A_256] : memref<32x79x2x128xi32, #tpu.memory_space<hbm>> -> memref<1x1x2x128xi32, #tpu.memory_space<hbm>>
        %dma_wait3A_258 = tpu.memref_squeeze %dma_wait3A_257 : memref<1x1x2x128xi32, #tpu.memory_space<hbm>> -> memref<2x128xi32, #tpu.memory_space<hbm>>
        tpu.wait_dma2 semaphore(%arg10 : memref<!tpu.dma_semaphore, #tpu.memory_space<semaphore_mem>>) src(%dma_wait3A_258 : memref<2x128xi32, #tpu.memory_space<hbm>>) dst(%dma_wait3A_254 : memref<2x128xi32, #tpu.memory_space<vmem>>)
        %add3A_259 = arith.constant 1 : i32
        %add3A_260 = arith.addi %scan3A_127, %add3A_259 : i32
        %jit3A_261 = arith.constant 4 : i32
        %eq3A_262 = arith.constant 0 : i32
        %eq3A_263 = arith.cmpi eq, %jit3A_261, %eq3A_262 : i32
        %jit3A_264 = arith.constant 1 : i32
        %select_n3A_265 = arith.select %eq3A_263, %jit3A_264, %jit3A_261 : i32
        %rem3A_266 = arith.remsi %add3A_260, %select_n3A_265 : i32
        %ne3A_267 = arith.constant 0 : i32
        %ne3A_268 = arith.cmpi ne, %rem3A_266, %ne3A_267 : i32
        %lt3A_269 = arith.constant 0 : i32
        %lt3A_270 = arith.cmpi slt, %rem3A_266, %lt3A_269 : i32
        %lt3A_271 = arith.constant 0 : i32
        %lt3A_272 = arith.cmpi slt, %select_n3A_265, %lt3A_271 : i32
        %ne3A_273 = arith.xori %lt3A_270, %lt3A_272 : i1
        %and3A_274 = arith.andi %ne3A_273, %ne3A_268 : i1
        %add3A_275 = arith.addi %rem3A_266, %select_n3A_265 : i32
        %select_n3A_276 = arith.select %and3A_274, %add3A_275, %rem3A_266 : i32
        %jit3A_277 = arith.constant 2 : i32
        %eq3A_278 = arith.constant 0 : i32
        %eq3A_279 = arith.cmpi eq, %jit3A_277, %eq3A_278 : i32
        %jit3A_280 = arith.constant 1 : i32
        %select_n3A_281 = arith.select %eq3A_279, %jit3A_280, %jit3A_277 : i32
        %rem3A_282 = arith.remsi %add3A_260, %select_n3A_281 : i32
        %ne3A_283 = arith.constant 0 : i32
        %ne3A_284 = arith.cmpi ne, %rem3A_282, %ne3A_283 : i32
        %lt3A_285 = arith.constant 0 : i32
        %lt3A_286 = arith.cmpi slt, %rem3A_282, %lt3A_285 : i32
        %lt3A_287 = arith.constant 0 : i32
        %lt3A_288 = arith.cmpi slt, %select_n3A_281, %lt3A_287 : i32
        %ne3A_289 = arith.xori %lt3A_286, %lt3A_288 : i1
        %and3A_290 = arith.andi %ne3A_289, %ne3A_284 : i1
        %add3A_291 = arith.addi %rem3A_282, %select_n3A_281 : i32
        %select_n3A_292 = arith.select %and3A_290, %add3A_291, %rem3A_282 : i32
        %dma_start3A_293 = arith.constant 0 : i32
        %dma_start3A_294 = arith.constant 0 : i32
        %dma_start3A_295 = arith.constant 0 : i32
        %dma_start3A_296 = tpu.memref_slice %arg7[%select_n3A_292, %dma_start3A_294, %dma_start3A_295] : memref<2x128x128xf32, #tpu.memory_space<vmem>> -> memref<1x128x128xf32, #tpu.memory_space<vmem>>
        %dma_start3A_297 = tpu.memref_squeeze %dma_start3A_296 : memref<1x128x128xf32, #tpu.memory_space<vmem>> -> memref<128x128xf32, #tpu.memory_space<vmem>>
        %dma_start3A_298 = arith.constant 0 : i32
        %dma_start3A_299 = tpu.memref_slice %arg6[%select_n3A_276, %dma_start3A_293, %dma_start3A_298] : memref<4x2x128xi32, #tpu.memory_space<vmem>> -> memref<1x1x128xi32, #tpu.memory_space<vmem>>
        %dma_start3A_300 = tpu.memref_squeeze %dma_start3A_299 : memref<1x1x128xi32, #tpu.memory_space<vmem>> -> memref<128xi32, #tpu.memory_space<vmem>>
        %dma_start3A_301 = arith.constant 0 : i32
        %dma_start3A_302 = arith.constant 0 : i32
        %dma_start3A_303 = tpu.memref_slice %arg2[%dma_start3A_301, %dma_start3A_302] : memref<10240x128xf32, #tpu.memory_space<hbm>> -> memref<10240x128xf32, #tpu.memory_space<hbm>>
        tpu.enqueue_indirect_dma source(%dma_start3A_303 : memref<10240x128xf32, #tpu.memory_space<hbm>>) target(%dma_start3A_297 : memref<128x128xf32, #tpu.memory_space<vmem>>) offsets(%dma_start3A_300 : memref<128xi32, #tpu.memory_space<vmem>>) semaphore(%arg8 : memref<!tpu.dma_semaphore, #tpu.memory_space<semaphore_mem>>)
      } else {
      }
      %jit3A = arith.constant 4 : i32
      %eq3A = arith.constant 0 : i32
      %eq3A_144 = arith.cmpi eq, %jit3A, %eq3A : i32
      %jit3A_145 = arith.constant 1 : i32
      %select_n3A = arith.select %eq3A_144, %jit3A_145, %jit3A : i32
      %rem3A = arith.remsi %scan3A_127, %select_n3A : i32
      %ne3A = arith.constant 0 : i32
      %ne3A_146 = arith.cmpi ne, %rem3A, %ne3A : i32
      %lt3A_147 = arith.constant 0 : i32
      %lt3A_148 = arith.cmpi slt, %rem3A, %lt3A_147 : i32
      %lt3A_149 = arith.constant 0 : i32
      %lt3A_150 = arith.cmpi slt, %select_n3A, %lt3A_149 : i32
      %ne3A_151 = arith.xori %lt3A_148, %lt3A_150 : i1
      %and3A = arith.andi %ne3A_151, %ne3A_146 : i1
      %add3A_152 = arith.addi %rem3A, %select_n3A : i32
      %select_n3A_153 = arith.select %and3A, %add3A_152, %rem3A : i32
      %jit3A_154 = arith.constant 2 : i32
      %eq3A_155 = arith.constant 0 : i32
      %eq3A_156 = arith.cmpi eq, %jit3A_154, %eq3A_155 : i32
      %jit3A_157 = arith.constant 1 : i32
      %select_n3A_158 = arith.select %eq3A_156, %jit3A_157, %jit3A_154 : i32
      %rem3A_159 = arith.remsi %scan3A_127, %select_n3A_158 : i32
      %ne3A_160 = arith.constant 0 : i32
      %ne3A_161 = arith.cmpi ne, %rem3A_159, %ne3A_160 : i32
      %lt3A_162 = arith.constant 0 : i32
      %lt3A_163 = arith.cmpi slt, %rem3A_159, %lt3A_162 : i32
      %lt3A_164 = arith.constant 0 : i32
      %lt3A_165 = arith.cmpi slt, %select_n3A_158, %lt3A_164 : i32
      %ne3A_166 = arith.xori %lt3A_163, %lt3A_165 : i1
      %and3A_167 = arith.andi %ne3A_166, %ne3A_161 : i1
      %add3A_168 = arith.addi %rem3A_159, %select_n3A_158 : i32
      %select_n3A_169 = arith.select %and3A_167, %add3A_168, %rem3A_159 : i32
      %dma_wait3A_170 = arith.constant 0 : i32
      %dma_wait3A_171 = arith.constant 0 : i32
      %dma_wait3A_172 = arith.constant 0 : i32
      %dma_wait3A_173 = tpu.memref_slice %arg7[%select_n3A_169, %dma_wait3A_171, %dma_wait3A_172] : memref<2x128x128xf32, #tpu.memory_space<vmem>> -> memref<1x128x128xf32, #tpu.memory_space<vmem>>
      %dma_wait3A_174 = tpu.memref_squeeze %dma_wait3A_173 : memref<1x128x128xf32, #tpu.memory_space<vmem>> -> memref<128x128xf32, #tpu.memory_space<vmem>>
      %dma_wait3A_175 = arith.constant 0 : i32
      %dma_wait3A_176 = tpu.memref_slice %arg6[%select_n3A_153, %dma_wait3A_170, %dma_wait3A_175] : memref<4x2x128xi32, #tpu.memory_space<vmem>> -> memref<1x1x128xi32, #tpu.memory_space<vmem>>
      %dma_wait3A_177 = tpu.memref_squeeze %dma_wait3A_176 : memref<1x1x128xi32, #tpu.memory_space<vmem>> -> memref<128xi32, #tpu.memory_space<vmem>>
      %dma_wait3A_178 = arith.constant 0 : i32
      %dma_wait3A_179 = arith.constant 0 : i32
      %dma_wait3A_180 = tpu.memref_slice %arg2[%dma_wait3A_178, %dma_wait3A_179] : memref<10240x128xf32, #tpu.memory_space<hbm>> -> memref<10240x128xf32, #tpu.memory_space<hbm>>
      tpu.wait_indirect_dma semaphore(%arg8 : memref<!tpu.dma_semaphore, #tpu.memory_space<semaphore_mem>>) src(%dma_wait3A_180 : memref<10240x128xf32, #tpu.memory_space<hbm>>) dst(%dma_wait3A_174 : memref<128x128xf32, #tpu.memory_space<vmem>>)
      %jit3A_181 = arith.constant 2 : i32
      %eq3A_182 = arith.constant 0 : i32
      %eq3A_183 = arith.cmpi eq, %jit3A_181, %eq3A_182 : i32
      %jit3A_184 = arith.constant 1 : i32
      %select_n3A_185 = arith.select %eq3A_183, %jit3A_184, %jit3A_181 : i32
      %rem3A_186 = arith.remsi %scan3A_127, %select_n3A_185 : i32
      %ne3A_187 = arith.constant 0 : i32
      %ne3A_188 = arith.cmpi ne, %rem3A_186, %ne3A_187 : i32
      %lt3A_189 = arith.constant 0 : i32
      %lt3A_190 = arith.cmpi slt, %rem3A_186, %lt3A_189 : i32
      %lt3A_191 = arith.constant 0 : i32
      %lt3A_192 = arith.cmpi slt, %select_n3A_185, %lt3A_191 : i32
      %ne3A_193 = arith.xori %lt3A_190, %lt3A_192 : i1
      %and3A_194 = arith.andi %ne3A_193, %ne3A_188 : i1
      %add3A_195 = arith.addi %rem3A_186, %select_n3A_185 : i32
      %select_n3A_196 = arith.select %and3A_194, %add3A_195, %rem3A_186 : i32
      %jit3A_197 = arith.constant 4 : i32
      %eq3A_198 = arith.constant 0 : i32
      %eq3A_199 = arith.cmpi eq, %jit3A_197, %eq3A_198 : i32
      %jit3A_200 = arith.constant 1 : i32
      %select_n3A_201 = arith.select %eq3A_199, %jit3A_200, %jit3A_197 : i32
      %rem3A_202 = arith.remsi %scan3A_127, %select_n3A_201 : i32
      %ne3A_203 = arith.constant 0 : i32
      %ne3A_204 = arith.cmpi ne, %rem3A_202, %ne3A_203 : i32
      %lt3A_205 = arith.constant 0 : i32
      %lt3A_206 = arith.cmpi slt, %rem3A_202, %lt3A_205 : i32
      %lt3A_207 = arith.constant 0 : i32
      %lt3A_208 = arith.cmpi slt, %select_n3A_201, %lt3A_207 : i32
      %ne3A_209 = arith.xori %lt3A_206, %lt3A_208 : i1
      %and3A_210 = arith.andi %ne3A_209, %ne3A_204 : i1
      %add3A_211 = arith.addi %rem3A_202, %select_n3A_201 : i32
      %select_n3A_212 = arith.select %and3A_210, %add3A_211, %rem3A_202 : i32
      %dma_start3A_213 = arith.constant 1 : i32
      %dma_start3A_214 = arith.constant 0 : i32
      %dma_start3A_215 = arith.constant 0 : i32
      %dma_start3A_216 = tpu.memref_slice %arg7[%select_n3A_196, %dma_start3A_214, %dma_start3A_215] : memref<2x128x128xf32, #tpu.memory_space<vmem>> -> memref<1x128x128xf32, #tpu.memory_space<vmem>>
      %dma_start3A_217 = tpu.memref_squeeze %dma_start3A_216 : memref<1x128x128xf32, #tpu.memory_space<vmem>> -> memref<128x128xf32, #tpu.memory_space<vmem>>
      %dma_start3A_218 = arith.constant 0 : i32
      %dma_start3A_219 = tpu.memref_slice %arg6[%select_n3A_212, %dma_start3A_213, %dma_start3A_218] : memref<4x2x128xi32, #tpu.memory_space<vmem>> -> memref<1x1x128xi32, #tpu.memory_space<vmem>>
      %dma_start3A_220 = tpu.memref_squeeze %dma_start3A_219 : memref<1x1x128xi32, #tpu.memory_space<vmem>> -> memref<128xi32, #tpu.memory_space<vmem>>
      %dma_start3A_221 = arith.constant 0 : i32
      %dma_start3A_222 = arith.constant 0 : i32
      %dma_start3A_223 = tpu.memref_slice %arg5[%dma_start3A_221, %dma_start3A_222] : memref<10240x128xf32, #tpu.memory_space<vmem_shared>> -> memref<10240x128xf32, #tpu.memory_space<vmem_shared>>
      tpu.enqueue_indirect_dma source(%dma_start3A_217 : memref<128x128xf32, #tpu.memory_space<vmem>>) target(%dma_start3A_223 : memref<10240x128xf32, #tpu.memory_space<vmem_shared>>) offsets(%dma_start3A_220 : memref<128xi32, #tpu.memory_space<vmem>>) semaphore(%arg9 : memref<!tpu.dma_semaphore, #tpu.memory_space<semaphore_mem>>) {add = true}
      %scan3A_224 = arith.constant 0 : i32
      scf.yield %scan3A_224 : i32
    }
    %scan3A_112 = arith.constant 79 : i32
    %dma_wait3A_113 = arith.constant 0 : i32
    %dma_wait3A_114 = arith.constant 2 : i32
    %dma_wait3A_115 = arith.constant 1 : i32
    %dma_wait3A_116 = arith.constant 0 : i32
    %dma_wait3A_117 = arith.constant 0 : i32
    %dma_wait3A_118 = tpu.memref_slice %arg7[%dma_wait3A_113, %dma_wait3A_116, %dma_wait3A_117] : memref<2x128x128xf32, #tpu.memory_space<vmem>> -> memref<1x128x128xf32, #tpu.memory_space<vmem>>
    %dma_wait3A_119 = tpu.memref_squeeze %dma_wait3A_118 : memref<1x128x128xf32, #tpu.memory_space<vmem>> -> memref<128x128xf32, #tpu.memory_space<vmem>>
    %dma_wait3A_120 = arith.constant 0 : i32
    %dma_wait3A_121 = tpu.memref_slice %arg6[%dma_wait3A_114, %dma_wait3A_115, %dma_wait3A_120] : memref<4x2x128xi32, #tpu.memory_space<vmem>> -> memref<1x1x128xi32, #tpu.memory_space<vmem>>
    %dma_wait3A_122 = tpu.memref_squeeze %dma_wait3A_121 : memref<1x1x128xi32, #tpu.memory_space<vmem>> -> memref<128xi32, #tpu.memory_space<vmem>>
    %dma_wait3A_123 = arith.constant 0 : i32
    %dma_wait3A_124 = arith.constant 0 : i32
    %dma_wait3A_125 = tpu.memref_slice %arg5[%dma_wait3A_123, %dma_wait3A_124] : memref<10240x128xf32, #tpu.memory_space<vmem_shared>> -> memref<10240x128xf32, #tpu.memory_space<vmem_shared>>
    tpu.wait_indirect_dma semaphore(%arg9 : memref<!tpu.dma_semaphore, #tpu.memory_space<semaphore_mem>>) src(%dma_wait3A_119 : memref<128x128xf32, #tpu.memory_space<vmem>>) dst(%dma_wait3A_125 : memref<10240x128xf32, #tpu.memory_space<vmem_shared>>)
    %barrier3A_126 = arith.constant 0 : index
    tpu.barrier barrier_id(%barrier3A_126)
    "tpu.region"() ({
      %run_scoped3A_127 = tpu.sem_alloc : memref<!tpu.dma_semaphore, #tpu.memory_space<semaphore_mem>>
      %dma_start3A_128 = arith.constant 0 : i32
      %dma_start3A_129 = tpu.memref_slice %arg4[%arg0, %mul3A_8, %dma_start3A_128] : memref<2x10240x128xf32, #tpu.memory_space<hbm>> -> memref<1x640x128xf32, #tpu.memory_space<hbm>>
      %dma_start3A_130 = tpu.memref_squeeze %dma_start3A_129 : memref<1x640x128xf32, #tpu.memory_space<hbm>> -> memref<640x128xf32, #tpu.memory_space<hbm>>
      %dma_start3A_131 = arith.constant 0 : i32
      %dma_start3A_132 = tpu.memref_slice %arg5[%mul3A_8, %dma_start3A_131] : memref<10240x128xf32, #tpu.memory_space<vmem_shared>> -> memref<640x128xf32, #tpu.memory_space<vmem_shared>>
      tpu.enqueue_dma source(%dma_start3A_132 : memref<640x128xf32, #tpu.memory_space<vmem_shared>>) target(%dma_start3A_130 : memref<640x128xf32, #tpu.memory_space<hbm>>) target_semaphore(%run_scoped3A_127 : memref<!tpu.dma_semaphore, #tpu.memory_space<semaphore_mem>>)
      %dma_wait3A_133 = arith.constant 0 : i32
      %dma_wait3A_134 = tpu.memref_slice %arg4[%arg0, %mul3A_8, %dma_wait3A_133] : memref<2x10240x128xf32, #tpu.memory_space<hbm>> -> memref<1x640x128xf32, #tpu.memory_space<hbm>>
      %dma_wait3A_135 = tpu.memref_squeeze %dma_wait3A_134 : memref<1x640x128xf32, #tpu.memory_space<hbm>> -> memref<640x128xf32, #tpu.memory_space<hbm>>
      %dma_wait3A_136 = arith.constant 0 : i32
      %dma_wait3A_137 = tpu.memref_slice %arg5[%mul3A_8, %dma_wait3A_136] : memref<10240x128xf32, #tpu.memory_space<vmem_shared>> -> memref<640x128xf32, #tpu.memory_space<vmem_shared>>
      tpu.wait_dma2 semaphore(%run_scoped3A_127 : memref<!tpu.dma_semaphore, #tpu.memory_space<semaphore_mem>>) src(%dma_wait3A_137 : memref<640x128xf32, #tpu.memory_space<vmem_shared>>) dst(%dma_wait3A_135 : memref<640x128xf32, #tpu.memory_space<hbm>>)
      tpu.yield
    }) : () -> ()
    return
  }
}

#map = affine_map<(d0, d1) -> (0, 0)>
#map1 = affine_map<(d0, d1) -> (0, 0, 0, 0)>
#map2 = affine_map<(d0, d1) -> (0, 0, 0)>
module attributes {stable_mosaic.version = 14 : i64} {
  func.func @_agg_body(%arg0: i32, %arg1: i32, %arg2: memref<10240x128xf32, #tpu.memory_space<hbm>>, %arg3: memref<32x79x2x128xi32, #tpu.memory_space<hbm>>, %arg4: memref<2x10240x128xf32, #tpu.memory_space<hbm>>, %arg5: memref<10240x128xf32, #tpu.memory_space<vmem_shared>>, %arg6: memref<4x2x128xi32, #tpu.memory_space<vmem>>, %arg7: memref<2x128x128xf32, #tpu.memory_space<vmem>>, %arg8: memref<!tpu.dma_semaphore, #tpu.memory_space<semaphore_mem>>, %arg9: memref<!tpu.dma_semaphore, #tpu.memory_space<semaphore_mem>>, %arg10: memref<!tpu.dma_semaphore, #tpu.memory_space<semaphore_mem>>) attributes {dimension_semantics = [#tpu.dimension_semantics<core_parallel>, #tpu.dimension_semantics<subcore_parallel>], iteration_bounds = array<i64: 2, 16>, scalar_prefetch = 0 : i64, scratch_operands = 6 : i64, tpu.core_type = #tpu.core_type<sc_vector_subcore>, window_params = [{transform_indices = #map}, {transform_indices = #map1}, {transform_indices = #map2}]} {
    %mul3A = arith.constant 16 : i32
    %mul3A_0 = arith.muli %arg0, %mul3A : i32
    %add3A = arith.addi %mul3A_0, %arg1 : i32
    %scan3A = arith.constant 0 : i32
    %scan3A_1 = arith.constant 0 : i32
    %scan3A_2 = arith.constant 1024 : i32
    %scan3A_3 = arith.addi %scan3A_1, %scan3A_2 : i32
    %scan3A_4 = arith.constant 1 : i32
    %scan3A_5 = scf.for %scan3A_127 = %scan3A_1 to %scan3A_3 step %scan3A_4 iter_args(%scan3A_128 = %scan3A) -> (i32)  : i32 {
      %jit3A = arith.constant 8 : i32
      %div3A = arith.divsi %scan3A_127, %jit3A : i32
      %sign3A = arith.constant 0 : i32
      %sign3A_129 = arith.cmpi sgt, %scan3A_127, %sign3A : i32
      %sign3A_130 = arith.extui %sign3A_129 : i1 to i32
      %sign3A_131 = arith.constant 0 : i32
      %sign3A_132 = arith.cmpi slt, %scan3A_127, %sign3A_131 : i32
      %sign3A_133 = arith.extui %sign3A_132 : i1 to i32
      %sign3A_134 = arith.subi %sign3A_130, %sign3A_133 : i32
      %sign3A_135 = arith.constant 0 : i32
      %sign3A_136 = arith.cmpi sgt, %jit3A, %sign3A_135 : i32
      %sign3A_137 = arith.extui %sign3A_136 : i1 to i32
      %sign3A_138 = arith.constant 0 : i32
      %sign3A_139 = arith.cmpi slt, %jit3A, %sign3A_138 : i32
      %sign3A_140 = arith.extui %sign3A_139 : i1 to i32
      %sign3A_141 = arith.subi %sign3A_137, %sign3A_140 : i32
      %ne3A = arith.cmpi ne, %sign3A_134, %sign3A_141 : i32
      %rem3A = arith.remsi %scan3A_127, %jit3A : i32
      %ne3A_142 = arith.constant 0 : i32
      %ne3A_143 = arith.cmpi ne, %rem3A, %ne3A_142 : i32
      %and3A = arith.andi %ne3A, %ne3A_143 : i1
      %sub3A = arith.constant 1 : i32
      %sub3A_144 = arith.subi %div3A, %sub3A : i32
      %select_n3A = arith.select %and3A, %sub3A_144, %div3A : i32
      %jit3A_145 = arith.constant 8 : i32
      %eq3A = arith.constant 0 : i32
      %eq3A_146 = arith.cmpi eq, %jit3A_145, %eq3A : i32
      %jit3A_147 = arith.constant 1 : i32
      %select_n3A_148 = arith.select %eq3A_146, %jit3A_147, %jit3A_145 : i32
      %rem3A_149 = arith.remsi %scan3A_127, %select_n3A_148 : i32
      %ne3A_150 = arith.constant 0 : i32
      %ne3A_151 = arith.cmpi ne, %rem3A_149, %ne3A_150 : i32
      %lt3A = arith.constant 0 : i32
      %lt3A_152 = arith.cmpi slt, %rem3A_149, %lt3A : i32
      %lt3A_153 = arith.constant 0 : i32
      %lt3A_154 = arith.cmpi slt, %select_n3A_148, %lt3A_153 : i32
      %ne3A_155 = arith.xori %lt3A_152, %lt3A_154 : i1
      %and3A_156 = arith.andi %ne3A_155, %ne3A_151 : i1
      %add3A_157 = arith.addi %rem3A_149, %select_n3A_148 : i32
      %select_n3A_158 = arith.select %and3A_156, %add3A_157, %rem3A_149 : i32
      %mul3A_159 = arith.constant 16 : i32
      %mul3A_160 = arith.muli %select_n3A_158, %mul3A_159 : i32
      %broadcast_in_dim3A = arith.constant 0.000000e+00 : f32
      %broadcast_in_dim3A_161 = vector.broadcast %broadcast_in_dim3A : f32 to vector<16xf32>
      %swap3A = arith.constant 0 : i32
      %swap3A_162 = arith.index_cast %swap3A : i32 to index
      %swap3A_163 = arith.index_cast %select_n3A : i32 to index
      %swap3A_164 = arith.index_cast %mul3A_160 : i32 to index
      %swap3A_165 = tpu.vector_load %arg7[%swap3A_162, %swap3A_163, %swap3A_164] {strides = array<i32>} : memref<2x128x128xf32, #tpu.memory_space<vmem>>, vector<1x1x16xf32>,
      %swap3A_166 = vector.shape_cast %swap3A_165 : vector<1x1x16xf32> to vector<16xf32>
      %swap3A_167 = vector.shape_cast %broadcast_in_dim3A_161 : vector<16xf32> to vector<1x1x16xf32>
      tpu.vector_store %arg7[%swap3A_162, %swap3A_163, %swap3A_164], %swap3A_167 {strides = array<i32>} : memref<2x128x128xf32, #tpu.memory_space<vmem>>, vector<1x1x16xf32>,
      %scan3A_168 = arith.constant 0 : i32
      scf.yield %scan3A_168 : i32
    }
    %scan3A_6 = arith.constant 1024 : i32
    %mul3A_7 = arith.constant 640 : i32
    %mul3A_8 = arith.muli %arg1, %mul3A_7 : i32
    %add3A_9 = arith.constant 0 : i32
    %add3A_10 = arith.addi %mul3A_8, %add3A_9 : i32
    %run_scoped3A = arith.constant 0 : i32
    "tpu.region"() ({
      %run_scoped3A_127 = tpu.sem_alloc : memref<!tpu.dma_semaphore, #tpu.memory_space<semaphore_mem>>
      %dma_start3A_128 = arith.constant 0 : i32
      %dma_start3A_129 = arith.constant 0 : i32
      %dma_start3A_130 = tpu.memref_slice %arg7[%run_scoped3A, %dma_start3A_128, %dma_start3A_129] : memref<2x128x128xf32, #tpu.memory_space<vmem>> -> memref<1x128x128xf32, #tpu.memory_space<vmem>>
      %dma_start3A_131 = tpu.memref_squeeze %dma_start3A_130 : memref<1x128x128xf32, #tpu.memory_space<vmem>> -> memref<128x128xf32, #tpu.memory_space<vmem>>
      %dma_start3A_132 = arith.constant 0 : i32
      %dma_start3A_133 = tpu.memref_slice %arg5[%add3A_10, %dma_start3A_132] : memref<10240x128xf32, #tpu.memory_space<vmem_shared>> -> memref<128x128xf32, #tpu.memory_space<vmem_shared>>
      %dma_start3A_134 = arith.constant 0 : i32
      %dma_start3A_135 = tpu.memref_slice %arg5[%add3A_10, %dma_start3A_134] : memref<10240x128xf32, #tpu.memory_space<vmem_shared>> -> memref<128x128xf32, #tpu.memory_space<vmem_shared>>
      %dma_start3A_136 = arith.constant 0 : i32
      %dma_start3A_137 = arith.constant 0 : i32
      %dma_start3A_138 = tpu.memref_slice %arg7[%run_scoped3A, %dma_start3A_136, %dma_start3A_137] : memref<2x128x128xf32, #tpu.memory_space<vmem>> -> memref<1x128x128xf32, #tpu.memory_space<vmem>>
      %dma_start3A_139 = tpu.memref_squeeze %dma_start3A_138 : memref<1x128x128xf32, #tpu.memory_space<vmem>> -> memref<128x128xf32, #tpu.memory_space<vmem>>
      tpu.enqueue_dma source(%dma_start3A_139 : memref<128x128xf32, #tpu.memory_space<vmem>>) target(%dma_start3A_135 : memref<128x128xf32, #tpu.memory_space<vmem_shared>>) target_semaphore(%run_scoped3A_127 : memref<!tpu.dma_semaphore, #tpu.memory_space<semaphore_mem>>)
      %dma_wait3A_140 = arith.constant 0 : i32
      %dma_wait3A_141 = arith.constant 0 : i32
      %dma_wait3A_142 = tpu.memref_slice %arg7[%run_scoped3A, %dma_wait3A_140, %dma_wait3A_141] : memref<2x128x128xf32, #tpu.memory_space<vmem>> -> memref<1x128x128xf32, #tpu.memory_space<vmem>>
      %dma_wait3A_143 = tpu.memref_squeeze %dma_wait3A_142 : memref<1x128x128xf32, #tpu.memory_space<vmem>> -> memref<128x128xf32, #tpu.memory_space<vmem>>
      %dma_wait3A_144 = arith.constant 0 : i32
      %dma_wait3A_145 = tpu.memref_slice %arg5[%add3A_10, %dma_wait3A_144] : memref<10240x128xf32, #tpu.memory_space<vmem_shared>> -> memref<128x128xf32, #tpu.memory_space<vmem_shared>>
      %dma_wait3A_146 = arith.constant 0 : i32
      %dma_wait3A_147 = tpu.memref_slice %arg5[%add3A_10, %dma_wait3A_146] : memref<10240x128xf32, #tpu.memory_space<vmem_shared>> -> memref<128x128xf32, #tpu.memory_space<vmem_shared>>
      %dma_wait3A_148 = arith.constant 0 : i32
      %dma_wait3A_149 = arith.constant 0 : i32
      %dma_wait3A_150 = tpu.memref_slice %arg7[%run_scoped3A, %dma_wait3A_148, %dma_wait3A_149] : memref<2x128x128xf32, #tpu.memory_space<vmem>> -> memref<1x128x128xf32, #tpu.memory_space<vmem>>
      %dma_wait3A_151 = tpu.memref_squeeze %dma_wait3A_150 : memref<1x128x128xf32, #tpu.memory_space<vmem>> -> memref<128x128xf32, #tpu.memory_space<vmem>>
      tpu.wait_dma2 semaphore(%run_scoped3A_127 : memref<!tpu.dma_semaphore, #tpu.memory_space<semaphore_mem>>) src(%dma_wait3A_151 : memref<128x128xf32, #tpu.memory_space<vmem>>) dst(%dma_wait3A_147 : memref<128x128xf32, #tpu.memory_space<vmem_shared>>)
      tpu.yield
    }) : () -> ()
    %add3A_11 = arith.constant 128 : i32
    %add3A_12 = arith.addi %mul3A_8, %add3A_11 : i32
    %run_scoped3A_13 = arith.constant 0 : i32
    "tpu.region"() ({
      %run_scoped3A_127 = tpu.sem_alloc : memref<!tpu.dma_semaphore, #tpu.memory_space<semaphore_mem>>
      %dma_start3A_128 = arith.constant 0 : i32
      %dma_start3A_129 = arith.constant 0 : i32
      %dma_start3A_130 = tpu.memref_slice %arg7[%run_scoped3A_13, %dma_start3A_128, %dma_start3A_129] : memref<2x128x128xf32, #tpu.memory_space<vmem>> -> memref<1x128x128xf32, #tpu.memory_space<vmem>>
      %dma_start3A_131 = tpu.memref_squeeze %dma_start3A_130 : memref<1x128x128xf32, #tpu.memory_space<vmem>> -> memref<128x128xf32, #tpu.memory_space<vmem>>
      %dma_start3A_132 = arith.constant 0 : i32
      %dma_start3A_133 = tpu.memref_slice %arg5[%add3A_12, %dma_start3A_132] : memref<10240x128xf32, #tpu.memory_space<vmem_shared>> -> memref<128x128xf32, #tpu.memory_space<vmem_shared>>
      %dma_start3A_134 = arith.constant 0 : i32
      %dma_start3A_135 = tpu.memref_slice %arg5[%add3A_12, %dma_start3A_134] : memref<10240x128xf32, #tpu.memory_space<vmem_shared>> -> memref<128x128xf32, #tpu.memory_space<vmem_shared>>
      %dma_start3A_136 = arith.constant 0 : i32
      %dma_start3A_137 = arith.constant 0 : i32
      %dma_start3A_138 = tpu.memref_slice %arg7[%run_scoped3A_13, %dma_start3A_136, %dma_start3A_137] : memref<2x128x128xf32, #tpu.memory_space<vmem>> -> memref<1x128x128xf32, #tpu.memory_space<vmem>>
      %dma_start3A_139 = tpu.memref_squeeze %dma_start3A_138 : memref<1x128x128xf32, #tpu.memory_space<vmem>> -> memref<128x128xf32, #tpu.memory_space<vmem>>
      tpu.enqueue_dma source(%dma_start3A_139 : memref<128x128xf32, #tpu.memory_space<vmem>>) target(%dma_start3A_135 : memref<128x128xf32, #tpu.memory_space<vmem_shared>>) target_semaphore(%run_scoped3A_127 : memref<!tpu.dma_semaphore, #tpu.memory_space<semaphore_mem>>)
      %dma_wait3A_140 = arith.constant 0 : i32
      %dma_wait3A_141 = arith.constant 0 : i32
      %dma_wait3A_142 = tpu.memref_slice %arg7[%run_scoped3A_13, %dma_wait3A_140, %dma_wait3A_141] : memref<2x128x128xf32, #tpu.memory_space<vmem>> -> memref<1x128x128xf32, #tpu.memory_space<vmem>>
      %dma_wait3A_143 = tpu.memref_squeeze %dma_wait3A_142 : memref<1x128x128xf32, #tpu.memory_space<vmem>> -> memref<128x128xf32, #tpu.memory_space<vmem>>
      %dma_wait3A_144 = arith.constant 0 : i32
      %dma_wait3A_145 = tpu.memref_slice %arg5[%add3A_12, %dma_wait3A_144] : memref<10240x128xf32, #tpu.memory_space<vmem_shared>> -> memref<128x128xf32, #tpu.memory_space<vmem_shared>>
      %dma_wait3A_146 = arith.constant 0 : i32
      %dma_wait3A_147 = tpu.memref_slice %arg5[%add3A_12, %dma_wait3A_146] : memref<10240x128xf32, #tpu.memory_space<vmem_shared>> -> memref<128x128xf32, #tpu.memory_space<vmem_shared>>
      %dma_wait3A_148 = arith.constant 0 : i32
      %dma_wait3A_149 = arith.constant 0 : i32
      %dma_wait3A_150 = tpu.memref_slice %arg7[%run_scoped3A_13, %dma_wait3A_148, %dma_wait3A_149] : memref<2x128x128xf32, #tpu.memory_space<vmem>> -> memref<1x128x128xf32, #tpu.memory_space<vmem>>
      %dma_wait3A_151 = tpu.memref_squeeze %dma_wait3A_150 : memref<1x128x128xf32, #tpu.memory_space<vmem>> -> memref<128x128xf32, #tpu.memory_space<vmem>>
      tpu.wait_dma2 semaphore(%run_scoped3A_127 : memref<!tpu.dma_semaphore, #tpu.memory_space<semaphore_mem>>) src(%dma_wait3A_151 : memref<128x128xf32, #tpu.memory_space<vmem>>) dst(%dma_wait3A_147 : memref<128x128xf32, #tpu.memory_space<vmem_shared>>)
      tpu.yield
    }) : () -> ()
    %add3A_14 = arith.constant 256 : i32
    %add3A_15 = arith.addi %mul3A_8, %add3A_14 : i32
    %run_scoped3A_16 = arith.constant 0 : i32
    "tpu.region"() ({
      %run_scoped3A_127 = tpu.sem_alloc : memref<!tpu.dma_semaphore, #tpu.memory_space<semaphore_mem>>
      %dma_start3A_128 = arith.constant 0 : i32
      %dma_start3A_129 = arith.constant 0 : i32
      %dma_start3A_130 = tpu.memref_slice %arg7[%run_scoped3A_16, %dma_start3A_128, %dma_start3A_129] : memref<2x128x128xf32, #tpu.memory_space<vmem>> -> memref<1x128x128xf32, #tpu.memory_space<vmem>>
      %dma_start3A_131 = tpu.memref_squeeze %dma_start3A_130 : memref<1x128x128xf32, #tpu.memory_space<vmem>> -> memref<128x128xf32, #tpu.memory_space<vmem>>
      %dma_start3A_132 = arith.constant 0 : i32
      %dma_start3A_133 = tpu.memref_slice %arg5[%add3A_15, %dma_start3A_132] : memref<10240x128xf32, #tpu.memory_space<vmem_shared>> -> memref<128x128xf32, #tpu.memory_space<vmem_shared>>
      %dma_start3A_134 = arith.constant 0 : i32
      %dma_start3A_135 = tpu.memref_slice %arg5[%add3A_15, %dma_start3A_134] : memref<10240x128xf32, #tpu.memory_space<vmem_shared>> -> memref<128x128xf32, #tpu.memory_space<vmem_shared>>
      %dma_start3A_136 = arith.constant 0 : i32
      %dma_start3A_137 = arith.constant 0 : i32
      %dma_start3A_138 = tpu.memref_slice %arg7[%run_scoped3A_16, %dma_start3A_136, %dma_start3A_137] : memref<2x128x128xf32, #tpu.memory_space<vmem>> -> memref<1x128x128xf32, #tpu.memory_space<vmem>>
      %dma_start3A_139 = tpu.memref_squeeze %dma_start3A_138 : memref<1x128x128xf32, #tpu.memory_space<vmem>> -> memref<128x128xf32, #tpu.memory_space<vmem>>
      tpu.enqueue_dma source(%dma_start3A_139 : memref<128x128xf32, #tpu.memory_space<vmem>>) target(%dma_start3A_135 : memref<128x128xf32, #tpu.memory_space<vmem_shared>>) target_semaphore(%run_scoped3A_127 : memref<!tpu.dma_semaphore, #tpu.memory_space<semaphore_mem>>)
      %dma_wait3A_140 = arith.constant 0 : i32
      %dma_wait3A_141 = arith.constant 0 : i32
      %dma_wait3A_142 = tpu.memref_slice %arg7[%run_scoped3A_16, %dma_wait3A_140, %dma_wait3A_141] : memref<2x128x128xf32, #tpu.memory_space<vmem>> -> memref<1x128x128xf32, #tpu.memory_space<vmem>>
      %dma_wait3A_143 = tpu.memref_squeeze %dma_wait3A_142 : memref<1x128x128xf32, #tpu.memory_space<vmem>> -> memref<128x128xf32, #tpu.memory_space<vmem>>
      %dma_wait3A_144 = arith.constant 0 : i32
      %dma_wait3A_145 = tpu.memref_slice %arg5[%add3A_15, %dma_wait3A_144] : memref<10240x128xf32, #tpu.memory_space<vmem_shared>> -> memref<128x128xf32, #tpu.memory_space<vmem_shared>>
      %dma_wait3A_146 = arith.constant 0 : i32
      %dma_wait3A_147 = tpu.memref_slice %arg5[%add3A_15, %dma_wait3A_146] : memref<10240x128xf32, #tpu.memory_space<vmem_shared>> -> memref<128x128xf32, #tpu.memory_space<vmem_shared>>
      %dma_wait3A_148 = arith.constant 0 : i32
      %dma_wait3A_149 = arith.constant 0 : i32
      %dma_wait3A_150 = tpu.memref_slice %arg7[%run_scoped3A_16, %dma_wait3A_148, %dma_wait3A_149] : memref<2x128x128xf32, #tpu.memory_space<vmem>> -> memref<1x128x128xf32, #tpu.memory_space<vmem>>
      %dma_wait3A_151 = tpu.memref_squeeze %dma_wait3A_150 : memref<1x128x128xf32, #tpu.memory_space<vmem>> -> memref<128x128xf32, #tpu.memory_space<vmem>>
      tpu.wait_dma2 semaphore(%run_scoped3A_127 : memref<!tpu.dma_semaphore, #tpu.memory_space<semaphore_mem>>) src(%dma_wait3A_151 : memref<128x128xf32, #tpu.memory_space<vmem>>) dst(%dma_wait3A_147 : memref<128x128xf32, #tpu.memory_space<vmem_shared>>)
      tpu.yield
    }) : () -> ()
    %add3A_17 = arith.constant 384 : i32
    %add3A_18 = arith.addi %mul3A_8, %add3A_17 : i32
    %run_scoped3A_19 = arith.constant 0 : i32
    "tpu.region"() ({
      %run_scoped3A_127 = tpu.sem_alloc : memref<!tpu.dma_semaphore, #tpu.memory_space<semaphore_mem>>
      %dma_start3A_128 = arith.constant 0 : i32
      %dma_start3A_129 = arith.constant 0 : i32
      %dma_start3A_130 = tpu.memref_slice %arg7[%run_scoped3A_19, %dma_start3A_128, %dma_start3A_129] : memref<2x128x128xf32, #tpu.memory_space<vmem>> -> memref<1x128x128xf32, #tpu.memory_space<vmem>>
      %dma_start3A_131 = tpu.memref_squeeze %dma_start3A_130 : memref<1x128x128xf32, #tpu.memory_space<vmem>> -> memref<128x128xf32, #tpu.memory_space<vmem>>
      %dma_start3A_132 = arith.constant 0 : i32
      %dma_start3A_133 = tpu.memref_slice %arg5[%add3A_18, %dma_start3A_132] : memref<10240x128xf32, #tpu.memory_space<vmem_shared>> -> memref<128x128xf32, #tpu.memory_space<vmem_shared>>
      %dma_start3A_134 = arith.constant 0 : i32
      %dma_start3A_135 = tpu.memref_slice %arg5[%add3A_18, %dma_start3A_134] : memref<10240x128xf32, #tpu.memory_space<vmem_shared>> -> memref<128x128xf32, #tpu.memory_space<vmem_shared>>
      %dma_start3A_136 = arith.constant 0 : i32
      %dma_start3A_137 = arith.constant 0 : i32
      %dma_start3A_138 = tpu.memref_slice %arg7[%run_scoped3A_19, %dma_start3A_136, %dma_start3A_137] : memref<2x128x128xf32, #tpu.memory_space<vmem>> -> memref<1x128x128xf32, #tpu.memory_space<vmem>>
      %dma_start3A_139 = tpu.memref_squeeze %dma_start3A_138 : memref<1x128x128xf32, #tpu.memory_space<vmem>> -> memref<128x128xf32, #tpu.memory_space<vmem>>
      tpu.enqueue_dma source(%dma_start3A_139 : memref<128x128xf32, #tpu.memory_space<vmem>>) target(%dma_start3A_135 : memref<128x128xf32, #tpu.memory_space<vmem_shared>>) target_semaphore(%run_scoped3A_127 : memref<!tpu.dma_semaphore, #tpu.memory_space<semaphore_mem>>)
      %dma_wait3A_140 = arith.constant 0 : i32
      %dma_wait3A_141 = arith.constant 0 : i32
      %dma_wait3A_142 = tpu.memref_slice %arg7[%run_scoped3A_19, %dma_wait3A_140, %dma_wait3A_141] : memref<2x128x128xf32, #tpu.memory_space<vmem>> -> memref<1x128x128xf32, #tpu.memory_space<vmem>>
      %dma_wait3A_143 = tpu.memref_squeeze %dma_wait3A_142 : memref<1x128x128xf32, #tpu.memory_space<vmem>> -> memref<128x128xf32, #tpu.memory_space<vmem>>
      %dma_wait3A_144 = arith.constant 0 : i32
      %dma_wait3A_145 = tpu.memref_slice %arg5[%add3A_18, %dma_wait3A_144] : memref<10240x128xf32, #tpu.memory_space<vmem_shared>> -> memref<128x128xf32, #tpu.memory_space<vmem_shared>>
      %dma_wait3A_146 = arith.constant 0 : i32
      %dma_wait3A_147 = tpu.memref_slice %arg5[%add3A_18, %dma_wait3A_146] : memref<10240x128xf32, #tpu.memory_space<vmem_shared>> -> memref<128x128xf32, #tpu.memory_space<vmem_shared>>
      %dma_wait3A_148 = arith.constant 0 : i32
      %dma_wait3A_149 = arith.constant 0 : i32
      %dma_wait3A_150 = tpu.memref_slice %arg7[%run_scoped3A_19, %dma_wait3A_148, %dma_wait3A_149] : memref<2x128x128xf32, #tpu.memory_space<vmem>> -> memref<1x128x128xf32, #tpu.memory_space<vmem>>
      %dma_wait3A_151 = tpu.memref_squeeze %dma_wait3A_150 : memref<1x128x128xf32, #tpu.memory_space<vmem>> -> memref<128x128xf32, #tpu.memory_space<vmem>>
      tpu.wait_dma2 semaphore(%run_scoped3A_127 : memref<!tpu.dma_semaphore, #tpu.memory_space<semaphore_mem>>) src(%dma_wait3A_151 : memref<128x128xf32, #tpu.memory_space<vmem>>) dst(%dma_wait3A_147 : memref<128x128xf32, #tpu.memory_space<vmem_shared>>)
      tpu.yield
    }) : () -> ()
    %add3A_20 = arith.constant 512 : i32
    %add3A_21 = arith.addi %mul3A_8, %add3A_20 : i32
    %run_scoped3A_22 = arith.constant 0 : i32
    "tpu.region"() ({
      %run_scoped3A_127 = tpu.sem_alloc : memref<!tpu.dma_semaphore, #tpu.memory_space<semaphore_mem>>
      %dma_start3A_128 = arith.constant 0 : i32
      %dma_start3A_129 = arith.constant 0 : i32
      %dma_start3A_130 = tpu.memref_slice %arg7[%run_scoped3A_22, %dma_start3A_128, %dma_start3A_129] : memref<2x128x128xf32, #tpu.memory_space<vmem>> -> memref<1x128x128xf32, #tpu.memory_space<vmem>>
      %dma_start3A_131 = tpu.memref_squeeze %dma_start3A_130 : memref<1x128x128xf32, #tpu.memory_space<vmem>> -> memref<128x128xf32, #tpu.memory_space<vmem>>
      %dma_start3A_132 = arith.constant 0 : i32
      %dma_start3A_133 = tpu.memref_slice %arg5[%add3A_21, %dma_start3A_132] : memref<10240x128xf32, #tpu.memory_space<vmem_shared>> -> memref<128x128xf32, #tpu.memory_space<vmem_shared>>
      %dma_start3A_134 = arith.constant 0 : i32
      %dma_start3A_135 = tpu.memref_slice %arg5[%add3A_21, %dma_start3A_134] : memref<10240x128xf32, #tpu.memory_space<vmem_shared>> -> memref<128x128xf32, #tpu.memory_space<vmem_shared>>
      %dma_start3A_136 = arith.constant 0 : i32
      %dma_start3A_137 = arith.constant 0 : i32
      %dma_start3A_138 = tpu.memref_slice %arg7[%run_scoped3A_22, %dma_start3A_136, %dma_start3A_137] : memref<2x128x128xf32, #tpu.memory_space<vmem>> -> memref<1x128x128xf32, #tpu.memory_space<vmem>>
      %dma_start3A_139 = tpu.memref_squeeze %dma_start3A_138 : memref<1x128x128xf32, #tpu.memory_space<vmem>> -> memref<128x128xf32, #tpu.memory_space<vmem>>
      tpu.enqueue_dma source(%dma_start3A_139 : memref<128x128xf32, #tpu.memory_space<vmem>>) target(%dma_start3A_135 : memref<128x128xf32, #tpu.memory_space<vmem_shared>>) target_semaphore(%run_scoped3A_127 : memref<!tpu.dma_semaphore, #tpu.memory_space<semaphore_mem>>)
      %dma_wait3A_140 = arith.constant 0 : i32
      %dma_wait3A_141 = arith.constant 0 : i32
      %dma_wait3A_142 = tpu.memref_slice %arg7[%run_scoped3A_22, %dma_wait3A_140, %dma_wait3A_141] : memref<2x128x128xf32, #tpu.memory_space<vmem>> -> memref<1x128x128xf32, #tpu.memory_space<vmem>>
      %dma_wait3A_143 = tpu.memref_squeeze %dma_wait3A_142 : memref<1x128x128xf32, #tpu.memory_space<vmem>> -> memref<128x128xf32, #tpu.memory_space<vmem>>
      %dma_wait3A_144 = arith.constant 0 : i32
      %dma_wait3A_145 = tpu.memref_slice %arg5[%add3A_21, %dma_wait3A_144] : memref<10240x128xf32, #tpu.memory_space<vmem_shared>> -> memref<128x128xf32, #tpu.memory_space<vmem_shared>>
      %dma_wait3A_146 = arith.constant 0 : i32
      %dma_wait3A_147 = tpu.memref_slice %arg5[%add3A_21, %dma_wait3A_146] : memref<10240x128xf32, #tpu.memory_space<vmem_shared>> -> memref<128x128xf32, #tpu.memory_space<vmem_shared>>
      %dma_wait3A_148 = arith.constant 0 : i32
      %dma_wait3A_149 = arith.constant 0 : i32
      %dma_wait3A_150 = tpu.memref_slice %arg7[%run_scoped3A_22, %dma_wait3A_148, %dma_wait3A_149] : memref<2x128x128xf32, #tpu.memory_space<vmem>> -> memref<1x128x128xf32, #tpu.memory_space<vmem>>
      %dma_wait3A_151 = tpu.memref_squeeze %dma_wait3A_150 : memref<1x128x128xf32, #tpu.memory_space<vmem>> -> memref<128x128xf32, #tpu.memory_space<vmem>>
      tpu.wait_dma2 semaphore(%run_scoped3A_127 : memref<!tpu.dma_semaphore, #tpu.memory_space<semaphore_mem>>) src(%dma_wait3A_151 : memref<128x128xf32, #tpu.memory_space<vmem>>) dst(%dma_wait3A_147 : memref<128x128xf32, #tpu.memory_space<vmem_shared>>)
      tpu.yield
    }) : () -> ()
    %barrier3A = arith.constant 0 : index
    tpu.barrier barrier_id(%barrier3A)
    %dma_start3A = arith.constant 0 : i32
    %dma_start3A_23 = arith.constant 0 : i32
    %dma_start3A_24 = arith.constant 0 : i32
    %dma_start3A_25 = arith.constant 0 : i32
    %dma_start3A_26 = tpu.memref_slice %arg6[%dma_start3A_23, %dma_start3A_24, %dma_start3A_25] : memref<4x2x128xi32, #tpu.memory_space<vmem>> -> memref<1x2x128xi32, #tpu.memory_space<vmem>>
    %dma_start3A_27 = tpu.memref_squeeze %dma_start3A_26 : memref<1x2x128xi32, #tpu.memory_space<vmem>> -> memref<2x128xi32, #tpu.memory_space<vmem>>
    %dma_start3A_28 = arith.constant 0 : i32
    %dma_start3A_29 = arith.constant 0 : i32
    %dma_start3A_30 = tpu.memref_slice %arg3[%add3A, %dma_start3A, %dma_start3A_28, %dma_start3A_29] : memref<32x79x2x128xi32, #tpu.memory_space<hbm>> -> memref<1x1x2x128xi32, #tpu.memory_space<hbm>>
    %dma_start3A_31 = tpu.memref_squeeze %dma_start3A_30 : memref<1x1x2x128xi32, #tpu.memory_space<hbm>> -> memref<2x128xi32, #tpu.memory_space<hbm>>
    %dma_start3A_32 = arith.constant 0 : i32
    %dma_start3A_33 = arith.constant 0 : i32
    %dma_start3A_34 = tpu.memref_slice %arg6[%dma_start3A_23, %dma_start3A_32, %dma_start3A_33] : memref<4x2x128xi32, #tpu.memory_space<vmem>> -> memref<1x2x128xi32, #tpu.memory_space<vmem>>
    %dma_start3A_35 = tpu.memref_squeeze %dma_start3A_34 : memref<1x2x128xi32, #tpu.memory_space<vmem>> -> memref<2x128xi32, #tpu.memory_space<vmem>>
    %dma_start3A_36 = arith.constant 0 : i32
    %dma_start3A_37 = arith.constant 0 : i32
    %dma_start3A_38 = tpu.memref_slice %arg3[%add3A, %dma_start3A, %dma_start3A_36, %dma_start3A_37] : memref<32x79x2x128xi32, #tpu.memory_space<hbm>> -> memref<1x1x2x128xi32, #tpu.memory_space<hbm>>
    %dma_start3A_39 = tpu.memref_squeeze %dma_start3A_38 : memref<1x1x2x128xi32, #tpu.memory_space<hbm>> -> memref<2x128xi32, #tpu.memory_space<hbm>>
    tpu.enqueue_dma source(%dma_start3A_39 : memref<2x128xi32, #tpu.memory_space<hbm>>) target(%dma_start3A_35 : memref<2x128xi32, #tpu.memory_space<vmem>>) target_semaphore(%arg10 : memref<!tpu.dma_semaphore, #tpu.memory_space<semaphore_mem>>)
    %dma_start3A_40 = arith.constant 1 : i32
    %dma_start3A_41 = arith.constant 1 : i32
    %dma_start3A_42 = arith.constant 0 : i32
    %dma_start3A_43 = arith.constant 0 : i32
    %dma_start3A_44 = tpu.memref_slice %arg6[%dma_start3A_41, %dma_start3A_42, %dma_start3A_43] : memref<4x2x128xi32, #tpu.memory_space<vmem>> -> memref<1x2x128xi32, #tpu.memory_space<vmem>>
    %dma_start3A_45 = tpu.memref_squeeze %dma_start3A_44 : memref<1x2x128xi32, #tpu.memory_space<vmem>> -> memref<2x128xi32, #tpu.memory_space<vmem>>
    %dma_start3A_46 = arith.constant 0 : i32
    %dma_start3A_47 = arith.constant 0 : i32
    %dma_start3A_48 = tpu.memref_slice %arg3[%add3A, %dma_start3A_40, %dma_start3A_46, %dma_start3A_47] : memref<32x79x2x128xi32, #tpu.memory_space<hbm>> -> memref<1x1x2x128xi32, #tpu.memory_space<hbm>>
    %dma_start3A_49 = tpu.memref_squeeze %dma_start3A_48 : memref<1x1x2x128xi32, #tpu.memory_space<hbm>> -> memref<2x128xi32, #tpu.memory_space<hbm>>
    %dma_start3A_50 = arith.constant 0 : i32
    %dma_start3A_51 = arith.constant 0 : i32
    %dma_start3A_52 = tpu.memref_slice %arg6[%dma_start3A_41, %dma_start3A_50, %dma_start3A_51] : memref<4x2x128xi32, #tpu.memory_space<vmem>> -> memref<1x2x128xi32, #tpu.memory_space<vmem>>
    %dma_start3A_53 = tpu.memref_squeeze %dma_start3A_52 : memref<1x2x128xi32, #tpu.memory_space<vmem>> -> memref<2x128xi32, #tpu.memory_space<vmem>>
    %dma_start3A_54 = arith.constant 0 : i32
    %dma_start3A_55 = arith.constant 0 : i32
    %dma_start3A_56 = tpu.memref_slice %arg3[%add3A, %dma_start3A_40, %dma_start3A_54, %dma_start3A_55] : memref<32x79x2x128xi32, #tpu.memory_space<hbm>> -> memref<1x1x2x128xi32, #tpu.memory_space<hbm>>
    %dma_start3A_57 = tpu.memref_squeeze %dma_start3A_56 : memref<1x1x2x128xi32, #tpu.memory_space<hbm>> -> memref<2x128xi32, #tpu.memory_space<hbm>>
    tpu.enqueue_dma source(%dma_start3A_57 : memref<2x128xi32, #tpu.memory_space<hbm>>) target(%dma_start3A_53 : memref<2x128xi32, #tpu.memory_space<vmem>>) target_semaphore(%arg10 : memref<!tpu.dma_semaphore, #tpu.memory_space<semaphore_mem>>)
    %dma_start3A_58 = arith.constant 2 : i32
    %dma_start3A_59 = arith.constant 2 : i32
    %dma_start3A_60 = arith.constant 0 : i32
    %dma_start3A_61 = arith.constant 0 : i32
    %dma_start3A_62 = tpu.memref_slice %arg6[%dma_start3A_59, %dma_start3A_60, %dma_start3A_61] : memref<4x2x128xi32, #tpu.memory_space<vmem>> -> memref<1x2x128xi32, #tpu.memory_space<vmem>>
    %dma_start3A_63 = tpu.memref_squeeze %dma_start3A_62 : memref<1x2x128xi32, #tpu.memory_space<vmem>> -> memref<2x128xi32, #tpu.memory_space<vmem>>
    %dma_start3A_64 = arith.constant 0 : i32
    %dma_start3A_65 = arith.constant 0 : i32
    %dma_start3A_66 = tpu.memref_slice %arg3[%add3A, %dma_start3A_58, %dma_start3A_64, %dma_start3A_65] : memref<32x79x2x128xi32, #tpu.memory_space<hbm>> -> memref<1x1x2x128xi32, #tpu.memory_space<hbm>>
    %dma_start3A_67 = tpu.memref_squeeze %dma_start3A_66 : memref<1x1x2x128xi32, #tpu.memory_space<hbm>> -> memref<2x128xi32, #tpu.memory_space<hbm>>
    %dma_start3A_68 = arith.constant 0 : i32
    %dma_start3A_69 = arith.constant 0 : i32
    %dma_start3A_70 = tpu.memref_slice %arg6[%dma_start3A_59, %dma_start3A_68, %dma_start3A_69] : memref<4x2x128xi32, #tpu.memory_space<vmem>> -> memref<1x2x128xi32, #tpu.memory_space<vmem>>
    %dma_start3A_71 = tpu.memref_squeeze %dma_start3A_70 : memref<1x2x128xi32, #tpu.memory_space<vmem>> -> memref<2x128xi32, #tpu.memory_space<vmem>>
    %dma_start3A_72 = arith.constant 0 : i32
    %dma_start3A_73 = arith.constant 0 : i32
    %dma_start3A_74 = tpu.memref_slice %arg3[%add3A, %dma_start3A_58, %dma_start3A_72, %dma_start3A_73] : memref<32x79x2x128xi32, #tpu.memory_space<hbm>> -> memref<1x1x2x128xi32, #tpu.memory_space<hbm>>
    %dma_start3A_75 = tpu.memref_squeeze %dma_start3A_74 : memref<1x1x2x128xi32, #tpu.memory_space<hbm>> -> memref<2x128xi32, #tpu.memory_space<hbm>>
    tpu.enqueue_dma source(%dma_start3A_75 : memref<2x128xi32, #tpu.memory_space<hbm>>) target(%dma_start3A_71 : memref<2x128xi32, #tpu.memory_space<vmem>>) target_semaphore(%arg10 : memref<!tpu.dma_semaphore, #tpu.memory_space<semaphore_mem>>)
    %dma_wait3A = arith.constant 0 : i32
    %dma_wait3A_76 = arith.constant 0 : i32
    %dma_wait3A_77 = arith.constant 0 : i32
    %dma_wait3A_78 = arith.constant 0 : i32
    %dma_wait3A_79 = tpu.memref_slice %arg6[%dma_wait3A_76, %dma_wait3A_77, %dma_wait3A_78] : memref<4x2x128xi32, #tpu.memory_space<vmem>> -> memref<1x2x128xi32, #tpu.memory_space<vmem>>
    %dma_wait3A_80 = tpu.memref_squeeze %dma_wait3A_79 : memref<1x2x128xi32, #tpu.memory_space<vmem>> -> memref<2x128xi32, #tpu.memory_space<vmem>>
    %dma_wait3A_81 = arith.constant 0 : i32
    %dma_wait3A_82 = arith.constant 0 : i32
    %dma_wait3A_83 = tpu.memref_slice %arg3[%add3A, %dma_wait3A, %dma_wait3A_81, %dma_wait3A_82] : memref<32x79x2x128xi32, #tpu.memory_space<hbm>> -> memref<1x1x2x128xi32, #tpu.memory_space<hbm>>
    %dma_wait3A_84 = tpu.memref_squeeze %dma_wait3A_83 : memref<1x1x2x128xi32, #tpu.memory_space<hbm>> -> memref<2x128xi32, #tpu.memory_space<hbm>>
    %dma_wait3A_85 = arith.constant 0 : i32
    %dma_wait3A_86 = arith.constant 0 : i32
    %dma_wait3A_87 = tpu.memref_slice %arg6[%dma_wait3A_76, %dma_wait3A_85, %dma_wait3A_86] : memref<4x2x128xi32, #tpu.memory_space<vmem>> -> memref<1x2x128xi32, #tpu.memory_space<vmem>>
    %dma_wait3A_88 = tpu.memref_squeeze %dma_wait3A_87 : memref<1x2x128xi32, #tpu.memory_space<vmem>> -> memref<2x128xi32, #tpu.memory_space<vmem>>
    %dma_wait3A_89 = arith.constant 0 : i32
    %dma_wait3A_90 = arith.constant 0 : i32
    %dma_wait3A_91 = tpu.memref_slice %arg3[%add3A, %dma_wait3A, %dma_wait3A_89, %dma_wait3A_90] : memref<32x79x2x128xi32, #tpu.memory_space<hbm>> -> memref<1x1x2x128xi32, #tpu.memory_space<hbm>>
    %dma_wait3A_92 = tpu.memref_squeeze %dma_wait3A_91 : memref<1x1x2x128xi32, #tpu.memory_space<hbm>> -> memref<2x128xi32, #tpu.memory_space<hbm>>
    tpu.wait_dma2 semaphore(%arg10 : memref<!tpu.dma_semaphore, #tpu.memory_space<semaphore_mem>>) src(%dma_wait3A_92 : memref<2x128xi32, #tpu.memory_space<hbm>>) dst(%dma_wait3A_88 : memref<2x128xi32, #tpu.memory_space<vmem>>)
    %dma_start3A_93 = arith.constant 0 : i32
    %dma_start3A_94 = arith.constant 0 : i32
    %dma_start3A_95 = arith.constant 0 : i32
    %dma_start3A_96 = arith.constant 0 : i32
    %dma_start3A_97 = arith.constant 0 : i32
    %dma_start3A_98 = tpu.memref_slice %arg7[%dma_start3A_95, %dma_start3A_96, %dma_start3A_97] : memref<2x128x128xf32, #tpu.memory_space<vmem>> -> memref<1x128x128xf32, #tpu.memory_space<vmem>>
    %dma_start3A_99 = tpu.memref_squeeze %dma_start3A_98 : memref<1x128x128xf32, #tpu.memory_space<vmem>> -> memref<128x128xf32, #tpu.memory_space<vmem>>
    %dma_start3A_100 = arith.constant 0 : i32
    %dma_start3A_101 = tpu.memref_slice %arg6[%dma_start3A_93, %dma_start3A_94, %dma_start3A_100] : memref<4x2x128xi32, #tpu.memory_space<vmem>> -> memref<1x1x128xi32, #tpu.memory_space<vmem>>
    %dma_start3A_102 = tpu.memref_squeeze %dma_start3A_101 : memref<1x1x128xi32, #tpu.memory_space<vmem>> -> memref<128xi32, #tpu.memory_space<vmem>>
    %dma_start3A_103 = arith.constant 0 : i32
    %dma_start3A_104 = arith.constant 0 : i32
    %dma_start3A_105 = tpu.memref_slice %arg2[%dma_start3A_103, %dma_start3A_104] : memref<10240x128xf32, #tpu.memory_space<hbm>> -> memref<10240x128xf32, #tpu.memory_space<hbm>>
    tpu.enqueue_indirect_dma source(%dma_start3A_105 : memref<10240x128xf32, #tpu.memory_space<hbm>>) target(%dma_start3A_99 : memref<128x128xf32, #tpu.memory_space<vmem>>) offsets(%dma_start3A_102 : memref<128xi32, #tpu.memory_space<vmem>>) semaphore(%arg8 : memref<!tpu.dma_semaphore, #tpu.memory_space<semaphore_mem>>)
    %scan3A_106 = arith.constant 0 : i32
    %scan3A_107 = arith.constant 0 : i32
    %scan3A_108 = arith.constant 79 : i32
    %scan3A_109 = arith.addi %scan3A_107, %scan3A_108 : i32
    %scan3A_110 = arith.constant 1 : i32
    %scan3A_111 = scf.for %scan3A_127 = %scan3A_107 to %scan3A_109 step %scan3A_110 iter_args(%scan3A_128 = %scan3A_106) -> (i32)  : i32 {
      %ge3A = arith.constant 1 : i32
      %ge3A_129 = arith.cmpi sge, %scan3A_127, %ge3A : i32
      %convert_element_type3A = arith.extui %ge3A_129 : i1 to i32
      %cond3A = arith.constant 0 : i32
      %cond3A_130 = arith.cmpi ne, %convert_element_type3A, %cond3A : i32
      scf.if %cond3A_130 {
        %sub3A = arith.constant 1 : i32
        %sub3A_225 = arith.subi %scan3A_127, %sub3A : i32
        %jit3A_226 = arith.constant 2 : i32
        %eq3A_227 = arith.constant 0 : i32
        %eq3A_228 = arith.cmpi eq, %jit3A_226, %eq3A_227 : i32
        %jit3A_229 = arith.constant 1 : i32
        %select_n3A_230 = arith.select %eq3A_228, %jit3A_229, %jit3A_226 : i32
        %rem3A_231 = arith.remsi %sub3A_225, %select_n3A_230 : i32
        %ne3A_232 = arith.constant 0 : i32
        %ne3A_233 = arith.cmpi ne, %rem3A_231, %ne3A_232 : i32
        %lt3A_234 = arith.constant 0 : i32
        %lt3A_235 = arith.cmpi slt, %rem3A_231, %lt3A_234 : i32
        %lt3A_236 = arith.constant 0 : i32
        %lt3A_237 = arith.cmpi slt, %select_n3A_230, %lt3A_236 : i32
        %ne3A_238 = arith.xori %lt3A_235, %lt3A_237 : i1
        %and3A_239 = arith.andi %ne3A_238, %ne3A_233 : i1
        %add3A_240 = arith.addi %rem3A_231, %select_n3A_230 : i32
        %select_n3A_241 = arith.select %and3A_239, %add3A_240, %rem3A_231 : i32
        %jit3A_242 = arith.constant 4 : i32
        %eq3A_243 = arith.constant 0 : i32
        %eq3A_244 = arith.cmpi eq, %jit3A_242, %eq3A_243 : i32
        %jit3A_245 = arith.constant 1 : i32
        %select_n3A_246 = arith.select %eq3A_244, %jit3A_245, %jit3A_242 : i32
        %rem3A_247 = arith.remsi %sub3A_225, %select_n3A_246 : i32
        %ne3A_248 = arith.constant 0 : i32
        %ne3A_249 = arith.cmpi ne, %rem3A_247, %ne3A_248 : i32
        %lt3A_250 = arith.constant 0 : i32
        %lt3A_251 = arith.cmpi slt, %rem3A_247, %lt3A_250 : i32
        %lt3A_252 = arith.constant 0 : i32
        %lt3A_253 = arith.cmpi slt, %select_n3A_246, %lt3A_252 : i32
        %ne3A_254 = arith.xori %lt3A_251, %lt3A_253 : i1
        %and3A_255 = arith.andi %ne3A_254, %ne3A_249 : i1
        %add3A_256 = arith.addi %rem3A_247, %select_n3A_246 : i32
        %select_n3A_257 = arith.select %and3A_255, %add3A_256, %rem3A_247 : i32
        %dma_wait3A_258 = arith.constant 1 : i32
        %dma_wait3A_259 = arith.constant 0 : i32
        %dma_wait3A_260 = arith.constant 0 : i32
        %dma_wait3A_261 = tpu.memref_slice %arg7[%select_n3A_241, %dma_wait3A_259, %dma_wait3A_260] : memref<2x128x128xf32, #tpu.memory_space<vmem>> -> memref<1x128x128xf32, #tpu.memory_space<vmem>>
        %dma_wait3A_262 = tpu.memref_squeeze %dma_wait3A_261 : memref<1x128x128xf32, #tpu.memory_space<vmem>> -> memref<128x128xf32, #tpu.memory_space<vmem>>
        %dma_wait3A_263 = arith.constant 0 : i32
        %dma_wait3A_264 = tpu.memref_slice %arg6[%select_n3A_257, %dma_wait3A_258, %dma_wait3A_263] : memref<4x2x128xi32, #tpu.memory_space<vmem>> -> memref<1x1x128xi32, #tpu.memory_space<vmem>>
        %dma_wait3A_265 = tpu.memref_squeeze %dma_wait3A_264 : memref<1x1x128xi32, #tpu.memory_space<vmem>> -> memref<128xi32, #tpu.memory_space<vmem>>
        %dma_wait3A_266 = arith.constant 0 : i32
        %dma_wait3A_267 = arith.constant 0 : i32
        %dma_wait3A_268 = tpu.memref_slice %arg5[%dma_wait3A_266, %dma_wait3A_267] : memref<10240x128xf32, #tpu.memory_space<vmem_shared>> -> memref<10240x128xf32, #tpu.memory_space<vmem_shared>>
        tpu.wait_indirect_dma semaphore(%arg9 : memref<!tpu.dma_semaphore, #tpu.memory_space<semaphore_mem>>) src(%dma_wait3A_262 : memref<128x128xf32, #tpu.memory_space<vmem>>) dst(%dma_wait3A_268 : memref<10240x128xf32, #tpu.memory_space<vmem_shared>>)
      } else {
      }
      %add3A_131 = arith.constant 3 : i32
      %add3A_132 = arith.addi %scan3A_127, %add3A_131 : i32
      %lt3A = arith.constant 79 : i32
      %lt3A_133 = arith.cmpi slt, %add3A_132, %lt3A : i32
      %convert_element_type3A_134 = arith.extui %lt3A_133 : i1 to i32
      %cond3A_135 = arith.constant 0 : i32
      %cond3A_136 = arith.cmpi ne, %convert_element_type3A_134, %cond3A_135 : i32
      scf.if %cond3A_136 {
        %add3A_225 = arith.constant 3 : i32
        %add3A_226 = arith.addi %scan3A_127, %add3A_225 : i32
        %jit3A_227 = arith.constant 4 : i32
        %eq3A_228 = arith.constant 0 : i32
        %eq3A_229 = arith.cmpi eq, %jit3A_227, %eq3A_228 : i32
        %jit3A_230 = arith.constant 1 : i32
        %select_n3A_231 = arith.select %eq3A_229, %jit3A_230, %jit3A_227 : i32
        %rem3A_232 = arith.remsi %add3A_226, %select_n3A_231 : i32
        %ne3A_233 = arith.constant 0 : i32
        %ne3A_234 = arith.cmpi ne, %rem3A_232, %ne3A_233 : i32
        %lt3A_235 = arith.constant 0 : i32
        %lt3A_236 = arith.cmpi slt, %rem3A_232, %lt3A_235 : i32
        %lt3A_237 = arith.constant 0 : i32
        %lt3A_238 = arith.cmpi slt, %select_n3A_231, %lt3A_237 : i32
        %ne3A_239 = arith.xori %lt3A_236, %lt3A_238 : i1
        %and3A_240 = arith.andi %ne3A_239, %ne3A_234 : i1
        %add3A_241 = arith.addi %rem3A_232, %select_n3A_231 : i32
        %select_n3A_242 = arith.select %and3A_240, %add3A_241, %rem3A_232 : i32
        %dma_start3A_243 = arith.constant 0 : i32
        %dma_start3A_244 = arith.constant 0 : i32
        %dma_start3A_245 = tpu.memref_slice %arg6[%select_n3A_242, %dma_start3A_243, %dma_start3A_244] : memref<4x2x128xi32, #tpu.memory_space<vmem>> -> memref<1x2x128xi32, #tpu.memory_space<vmem>>
        %dma_start3A_246 = tpu.memref_squeeze %dma_start3A_245 : memref<1x2x128xi32, #tpu.memory_space<vmem>> -> memref<2x128xi32, #tpu.memory_space<vmem>>
        %dma_start3A_247 = arith.constant 0 : i32
        %dma_start3A_248 = arith.constant 0 : i32
        %dma_start3A_249 = tpu.memref_slice %arg3[%add3A, %add3A_226, %dma_start3A_247, %dma_start3A_248] : memref<32x79x2x128xi32, #tpu.memory_space<hbm>> -> memref<1x1x2x128xi32, #tpu.memory_space<hbm>>
        %dma_start3A_250 = tpu.memref_squeeze %dma_start3A_249 : memref<1x1x2x128xi32, #tpu.memory_space<hbm>> -> memref<2x128xi32, #tpu.memory_space<hbm>>
        %dma_start3A_251 = arith.constant 0 : i32
        %dma_start3A_252 = arith.constant 0 : i32
        %dma_start3A_253 = tpu.memref_slice %arg6[%select_n3A_242, %dma_start3A_251, %dma_start3A_252] : memref<4x2x128xi32, #tpu.memory_space<vmem>> -> memref<1x2x128xi32, #tpu.memory_space<vmem>>
        %dma_start3A_254 = tpu.memref_squeeze %dma_start3A_253 : memref<1x2x128xi32, #tpu.memory_space<vmem>> -> memref<2x128xi32, #tpu.memory_space<vmem>>
        %dma_start3A_255 = arith.constant 0 : i32
        %dma_start3A_256 = arith.constant 0 : i32
        %dma_start3A_257 = tpu.memref_slice %arg3[%add3A, %add3A_226, %dma_start3A_255, %dma_start3A_256] : memref<32x79x2x128xi32, #tpu.memory_space<hbm>> -> memref<1x1x2x128xi32, #tpu.memory_space<hbm>>
        %dma_start3A_258 = tpu.memref_squeeze %dma_start3A_257 : memref<1x1x2x128xi32, #tpu.memory_space<hbm>> -> memref<2x128xi32, #tpu.memory_space<hbm>>
        tpu.enqueue_dma source(%dma_start3A_258 : memref<2x128xi32, #tpu.memory_space<hbm>>) target(%dma_start3A_254 : memref<2x128xi32, #tpu.memory_space<vmem>>) target_semaphore(%arg10 : memref<!tpu.dma_semaphore, #tpu.memory_space<semaphore_mem>>)
      } else {
      }
      %add3A_137 = arith.constant 1 : i32
      %add3A_138 = arith.addi %scan3A_127, %add3A_137 : i32
      %lt3A_139 = arith.constant 79 : i32
      %lt3A_140 = arith.cmpi slt, %add3A_138, %lt3A_139 : i32
      %convert_element_type3A_141 = arith.extui %lt3A_140 : i1 to i32
      %cond3A_142 = arith.constant 0 : i32
      %cond3A_143 = arith.cmpi ne, %convert_element_type3A_141, %cond3A_142 : i32
      scf.if %cond3A_143 {
        %add3A_225 = arith.constant 1 : i32
        %add3A_226 = arith.addi %scan3A_127, %add3A_225 : i32
        %jit3A_227 = arith.constant 4 : i32
        %eq3A_228 = arith.constant 0 : i32
        %eq3A_229 = arith.cmpi eq, %jit3A_227, %eq3A_228 : i32
        %jit3A_230 = arith.constant 1 : i32
        %select_n3A_231 = arith.select %eq3A_229, %jit3A_230, %jit3A_227 : i32
        %rem3A_232 = arith.remsi %add3A_226, %select_n3A_231 : i32
        %ne3A_233 = arith.constant 0 : i32
        %ne3A_234 = arith.cmpi ne, %rem3A_232, %ne3A_233 : i32
        %lt3A_235 = arith.constant 0 : i32
        %lt3A_236 = arith.cmpi slt, %rem3A_232, %lt3A_235 : i32
        %lt3A_237 = arith.constant 0 : i32
        %lt3A_238 = arith.cmpi slt, %select_n3A_231, %lt3A_237 : i32
        %ne3A_239 = arith.xori %lt3A_236, %lt3A_238 : i1
        %and3A_240 = arith.andi %ne3A_239, %ne3A_234 : i1
        %add3A_241 = arith.addi %rem3A_232, %select_n3A_231 : i32
        %select_n3A_242 = arith.select %and3A_240, %add3A_241, %rem3A_232 : i32
        %dma_wait3A_243 = arith.constant 0 : i32
        %dma_wait3A_244 = arith.constant 0 : i32
        %dma_wait3A_245 = tpu.memref_slice %arg6[%select_n3A_242, %dma_wait3A_243, %dma_wait3A_244] : memref<4x2x128xi32, #tpu.memory_space<vmem>> -> memref<1x2x128xi32, #tpu.memory_space<vmem>>
        %dma_wait3A_246 = tpu.memref_squeeze %dma_wait3A_245 : memref<1x2x128xi32, #tpu.memory_space<vmem>> -> memref<2x128xi32, #tpu.memory_space<vmem>>
        %dma_wait3A_247 = arith.constant 0 : i32
        %dma_wait3A_248 = arith.constant 0 : i32
        %dma_wait3A_249 = tpu.memref_slice %arg3[%add3A, %add3A_226, %dma_wait3A_247, %dma_wait3A_248] : memref<32x79x2x128xi32, #tpu.memory_space<hbm>> -> memref<1x1x2x128xi32, #tpu.memory_space<hbm>>
        %dma_wait3A_250 = tpu.memref_squeeze %dma_wait3A_249 : memref<1x1x2x128xi32, #tpu.memory_space<hbm>> -> memref<2x128xi32, #tpu.memory_space<hbm>>
        %dma_wait3A_251 = arith.constant 0 : i32
        %dma_wait3A_252 = arith.constant 0 : i32
        %dma_wait3A_253 = tpu.memref_slice %arg6[%select_n3A_242, %dma_wait3A_251, %dma_wait3A_252] : memref<4x2x128xi32, #tpu.memory_space<vmem>> -> memref<1x2x128xi32, #tpu.memory_space<vmem>>
        %dma_wait3A_254 = tpu.memref_squeeze %dma_wait3A_253 : memref<1x2x128xi32, #tpu.memory_space<vmem>> -> memref<2x128xi32, #tpu.memory_space<vmem>>
        %dma_wait3A_255 = arith.constant 0 : i32
        %dma_wait3A_256 = arith.constant 0 : i32
        %dma_wait3A_257 = tpu.memref_slice %arg3[%add3A, %add3A_226, %dma_wait3A_255, %dma_wait3A_256] : memref<32x79x2x128xi32, #tpu.memory_space<hbm>> -> memref<1x1x2x128xi32, #tpu.memory_space<hbm>>
        %dma_wait3A_258 = tpu.memref_squeeze %dma_wait3A_257 : memref<1x1x2x128xi32, #tpu.memory_space<hbm>> -> memref<2x128xi32, #tpu.memory_space<hbm>>
        tpu.wait_dma2 semaphore(%arg10 : memref<!tpu.dma_semaphore, #tpu.memory_space<semaphore_mem>>) src(%dma_wait3A_258 : memref<2x128xi32, #tpu.memory_space<hbm>>) dst(%dma_wait3A_254 : memref<2x128xi32, #tpu.memory_space<vmem>>)
        %add3A_259 = arith.constant 1 : i32
        %add3A_260 = arith.addi %scan3A_127, %add3A_259 : i32
        %jit3A_261 = arith.constant 4 : i32
        %eq3A_262 = arith.constant 0 : i32
        %eq3A_263 = arith.cmpi eq, %jit3A_261, %eq3A_262 : i32
        %jit3A_264 = arith.constant 1 : i32
        %select_n3A_265 = arith.select %eq3A_263, %jit3A_264, %jit3A_261 : i32
        %rem3A_266 = arith.remsi %add3A_260, %select_n3A_265 : i32
        %ne3A_267 = arith.constant 0 : i32
        %ne3A_268 = arith.cmpi ne, %rem3A_266, %ne3A_267 : i32
        %lt3A_269 = arith.constant 0 : i32
        %lt3A_270 = arith.cmpi slt, %rem3A_266, %lt3A_269 : i32
        %lt3A_271 = arith.constant 0 : i32
        %lt3A_272 = arith.cmpi slt, %select_n3A_265, %lt3A_271 : i32
        %ne3A_273 = arith.xori %lt3A_270, %lt3A_272 : i1
        %and3A_274 = arith.andi %ne3A_273, %ne3A_268 : i1
        %add3A_275 = arith.addi %rem3A_266, %select_n3A_265 : i32
        %select_n3A_276 = arith.select %and3A_274, %add3A_275, %rem3A_266 : i32
        %jit3A_277 = arith.constant 2 : i32
        %eq3A_278 = arith.constant 0 : i32
        %eq3A_279 = arith.cmpi eq, %jit3A_277, %eq3A_278 : i32
        %jit3A_280 = arith.constant 1 : i32
        %select_n3A_281 = arith.select %eq3A_279, %jit3A_280, %jit3A_277 : i32
        %rem3A_282 = arith.remsi %add3A_260, %select_n3A_281 : i32
        %ne3A_283 = arith.constant 0 : i32
        %ne3A_284 = arith.cmpi ne, %rem3A_282, %ne3A_283 : i32
        %lt3A_285 = arith.constant 0 : i32
        %lt3A_286 = arith.cmpi slt, %rem3A_282, %lt3A_285 : i32
        %lt3A_287 = arith.constant 0 : i32
        %lt3A_288 = arith.cmpi slt, %select_n3A_281, %lt3A_287 : i32
        %ne3A_289 = arith.xori %lt3A_286, %lt3A_288 : i1
        %and3A_290 = arith.andi %ne3A_289, %ne3A_284 : i1
        %add3A_291 = arith.addi %rem3A_282, %select_n3A_281 : i32
        %select_n3A_292 = arith.select %and3A_290, %add3A_291, %rem3A_282 : i32
        %dma_start3A_293 = arith.constant 0 : i32
        %dma_start3A_294 = arith.constant 0 : i32
        %dma_start3A_295 = arith.constant 0 : i32
        %dma_start3A_296 = tpu.memref_slice %arg7[%select_n3A_292, %dma_start3A_294, %dma_start3A_295] : memref<2x128x128xf32, #tpu.memory_space<vmem>> -> memref<1x128x128xf32, #tpu.memory_space<vmem>>
        %dma_start3A_297 = tpu.memref_squeeze %dma_start3A_296 : memref<1x128x128xf32, #tpu.memory_space<vmem>> -> memref<128x128xf32, #tpu.memory_space<vmem>>
        %dma_start3A_298 = arith.constant 0 : i32
        %dma_start3A_299 = tpu.memref_slice %arg6[%select_n3A_276, %dma_start3A_293, %dma_start3A_298] : memref<4x2x128xi32, #tpu.memory_space<vmem>> -> memref<1x1x128xi32, #tpu.memory_space<vmem>>
        %dma_start3A_300 = tpu.memref_squeeze %dma_start3A_299 : memref<1x1x128xi32, #tpu.memory_space<vmem>> -> memref<128xi32, #tpu.memory_space<vmem>>
        %dma_start3A_301 = arith.constant 0 : i32
        %dma_start3A_302 = arith.constant 0 : i32
        %dma_start3A_303 = tpu.memref_slice %arg2[%dma_start3A_301, %dma_start3A_302] : memref<10240x128xf32, #tpu.memory_space<hbm>> -> memref<10240x128xf32, #tpu.memory_space<hbm>>
        tpu.enqueue_indirect_dma source(%dma_start3A_303 : memref<10240x128xf32, #tpu.memory_space<hbm>>) target(%dma_start3A_297 : memref<128x128xf32, #tpu.memory_space<vmem>>) offsets(%dma_start3A_300 : memref<128xi32, #tpu.memory_space<vmem>>) semaphore(%arg8 : memref<!tpu.dma_semaphore, #tpu.memory_space<semaphore_mem>>)
      } else {
      }
      %jit3A = arith.constant 4 : i32
      %eq3A = arith.constant 0 : i32
      %eq3A_144 = arith.cmpi eq, %jit3A, %eq3A : i32
      %jit3A_145 = arith.constant 1 : i32
      %select_n3A = arith.select %eq3A_144, %jit3A_145, %jit3A : i32
      %rem3A = arith.remsi %scan3A_127, %select_n3A : i32
      %ne3A = arith.constant 0 : i32
      %ne3A_146 = arith.cmpi ne, %rem3A, %ne3A : i32
      %lt3A_147 = arith.constant 0 : i32
      %lt3A_148 = arith.cmpi slt, %rem3A, %lt3A_147 : i32
      %lt3A_149 = arith.constant 0 : i32
      %lt3A_150 = arith.cmpi slt, %select_n3A, %lt3A_149 : i32
      %ne3A_151 = arith.xori %lt3A_148, %lt3A_150 : i1
      %and3A = arith.andi %ne3A_151, %ne3A_146 : i1
      %add3A_152 = arith.addi %rem3A, %select_n3A : i32
      %select_n3A_153 = arith.select %and3A, %add3A_152, %rem3A : i32
      %jit3A_154 = arith.constant 2 : i32
      %eq3A_155 = arith.constant 0 : i32
      %eq3A_156 = arith.cmpi eq, %jit3A_154, %eq3A_155 : i32
      %jit3A_157 = arith.constant 1 : i32
      %select_n3A_158 = arith.select %eq3A_156, %jit3A_157, %jit3A_154 : i32
      %rem3A_159 = arith.remsi %scan3A_127, %select_n3A_158 : i32
      %ne3A_160 = arith.constant 0 : i32
      %ne3A_161 = arith.cmpi ne, %rem3A_159, %ne3A_160 : i32
      %lt3A_162 = arith.constant 0 : i32
      %lt3A_163 = arith.cmpi slt, %rem3A_159, %lt3A_162 : i32
      %lt3A_164 = arith.constant 0 : i32
      %lt3A_165 = arith.cmpi slt, %select_n3A_158, %lt3A_164 : i32
      %ne3A_166 = arith.xori %lt3A_163, %lt3A_165 : i1
      %and3A_167 = arith.andi %ne3A_166, %ne3A_161 : i1
      %add3A_168 = arith.addi %rem3A_159, %select_n3A_158 : i32
      %select_n3A_169 = arith.select %and3A_167, %add3A_168, %rem3A_159 : i32
      %dma_wait3A_170 = arith.constant 0 : i32
      %dma_wait3A_171 = arith.constant 0 : i32
      %dma_wait3A_172 = arith.constant 0 : i32
      %dma_wait3A_173 = tpu.memref_slice %arg7[%select_n3A_169, %dma_wait3A_171, %dma_wait3A_172] : memref<2x128x128xf32, #tpu.memory_space<vmem>> -> memref<1x128x128xf32, #tpu.memory_space<vmem>>
      %dma_wait3A_174 = tpu.memref_squeeze %dma_wait3A_173 : memref<1x128x128xf32, #tpu.memory_space<vmem>> -> memref<128x128xf32, #tpu.memory_space<vmem>>
      %dma_wait3A_175 = arith.constant 0 : i32
      %dma_wait3A_176 = tpu.memref_slice %arg6[%select_n3A_153, %dma_wait3A_170, %dma_wait3A_175] : memref<4x2x128xi32, #tpu.memory_space<vmem>> -> memref<1x1x128xi32, #tpu.memory_space<vmem>>
      %dma_wait3A_177 = tpu.memref_squeeze %dma_wait3A_176 : memref<1x1x128xi32, #tpu.memory_space<vmem>> -> memref<128xi32, #tpu.memory_space<vmem>>
      %dma_wait3A_178 = arith.constant 0 : i32
      %dma_wait3A_179 = arith.constant 0 : i32
      %dma_wait3A_180 = tpu.memref_slice %arg2[%dma_wait3A_178, %dma_wait3A_179] : memref<10240x128xf32, #tpu.memory_space<hbm>> -> memref<10240x128xf32, #tpu.memory_space<hbm>>
      tpu.wait_indirect_dma semaphore(%arg8 : memref<!tpu.dma_semaphore, #tpu.memory_space<semaphore_mem>>) src(%dma_wait3A_180 : memref<10240x128xf32, #tpu.memory_space<hbm>>) dst(%dma_wait3A_174 : memref<128x128xf32, #tpu.memory_space<vmem>>)
      %jit3A_181 = arith.constant 2 : i32
      %eq3A_182 = arith.constant 0 : i32
      %eq3A_183 = arith.cmpi eq, %jit3A_181, %eq3A_182 : i32
      %jit3A_184 = arith.constant 1 : i32
      %select_n3A_185 = arith.select %eq3A_183, %jit3A_184, %jit3A_181 : i32
      %rem3A_186 = arith.remsi %scan3A_127, %select_n3A_185 : i32
      %ne3A_187 = arith.constant 0 : i32
      %ne3A_188 = arith.cmpi ne, %rem3A_186, %ne3A_187 : i32
      %lt3A_189 = arith.constant 0 : i32
      %lt3A_190 = arith.cmpi slt, %rem3A_186, %lt3A_189 : i32
      %lt3A_191 = arith.constant 0 : i32
      %lt3A_192 = arith.cmpi slt, %select_n3A_185, %lt3A_191 : i32
      %ne3A_193 = arith.xori %lt3A_190, %lt3A_192 : i1
      %and3A_194 = arith.andi %ne3A_193, %ne3A_188 : i1
      %add3A_195 = arith.addi %rem3A_186, %select_n3A_185 : i32
      %select_n3A_196 = arith.select %and3A_194, %add3A_195, %rem3A_186 : i32
      %jit3A_197 = arith.constant 4 : i32
      %eq3A_198 = arith.constant 0 : i32
      %eq3A_199 = arith.cmpi eq, %jit3A_197, %eq3A_198 : i32
      %jit3A_200 = arith.constant 1 : i32
      %select_n3A_201 = arith.select %eq3A_199, %jit3A_200, %jit3A_197 : i32
      %rem3A_202 = arith.remsi %scan3A_127, %select_n3A_201 : i32
      %ne3A_203 = arith.constant 0 : i32
      %ne3A_204 = arith.cmpi ne, %rem3A_202, %ne3A_203 : i32
      %lt3A_205 = arith.constant 0 : i32
      %lt3A_206 = arith.cmpi slt, %rem3A_202, %lt3A_205 : i32
      %lt3A_207 = arith.constant 0 : i32
      %lt3A_208 = arith.cmpi slt, %select_n3A_201, %lt3A_207 : i32
      %ne3A_209 = arith.xori %lt3A_206, %lt3A_208 : i1
      %and3A_210 = arith.andi %ne3A_209, %ne3A_204 : i1
      %add3A_211 = arith.addi %rem3A_202, %select_n3A_201 : i32
      %select_n3A_212 = arith.select %and3A_210, %add3A_211, %rem3A_202 : i32
      %dma_start3A_213 = arith.constant 1 : i32
      %dma_start3A_214 = arith.constant 0 : i32
      %dma_start3A_215 = arith.constant 0 : i32
      %dma_start3A_216 = tpu.memref_slice %arg7[%select_n3A_196, %dma_start3A_214, %dma_start3A_215] : memref<2x128x128xf32, #tpu.memory_space<vmem>> -> memref<1x128x128xf32, #tpu.memory_space<vmem>>
      %dma_start3A_217 = tpu.memref_squeeze %dma_start3A_216 : memref<1x128x128xf32, #tpu.memory_space<vmem>> -> memref<128x128xf32, #tpu.memory_space<vmem>>
      %dma_start3A_218 = arith.constant 0 : i32
      %dma_start3A_219 = tpu.memref_slice %arg6[%select_n3A_212, %dma_start3A_213, %dma_start3A_218] : memref<4x2x128xi32, #tpu.memory_space<vmem>> -> memref<1x1x128xi32, #tpu.memory_space<vmem>>
      %dma_start3A_220 = tpu.memref_squeeze %dma_start3A_219 : memref<1x1x128xi32, #tpu.memory_space<vmem>> -> memref<128xi32, #tpu.memory_space<vmem>>
      %dma_start3A_221 = arith.constant 0 : i32
      %dma_start3A_222 = arith.constant 0 : i32
      %dma_start3A_223 = tpu.memref_slice %arg5[%dma_start3A_221, %dma_start3A_222] : memref<10240x128xf32, #tpu.memory_space<vmem_shared>> -> memref<10240x128xf32, #tpu.memory_space<vmem_shared>>
      tpu.enqueue_indirect_dma source(%dma_start3A_217 : memref<128x128xf32, #tpu.memory_space<vmem>>) target(%dma_start3A_223 : memref<10240x128xf32, #tpu.memory_space<vmem_shared>>) offsets(%dma_start3A_220 : memref<128xi32, #tpu.memory_space<vmem>>) semaphore(%arg9 : memref<!tpu.dma_semaphore, #tpu.memory_space<semaphore_mem>>) {add = true}
      %scan3A_224 = arith.constant 0 : i32
      scf.yield %scan3A_224 : i32
    }
    %scan3A_112 = arith.constant 79 : i32
    %dma_wait3A_113 = arith.constant 0 : i32
    %dma_wait3A_114 = arith.constant 2 : i32
    %dma_wait3A_115 = arith.constant 1 : i32
    %dma_wait3A_116 = arith.constant 0 : i32
    %dma_wait3A_117 = arith.constant 0 : i32
    %dma_wait3A_118 = tpu.memref_slice %arg7[%dma_wait3A_113, %dma_wait3A_116, %dma_wait3A_117] : memref<2x128x128xf32, #tpu.memory_space<vmem>> -> memref<1x128x128xf32, #tpu.memory_space<vmem>>
    %dma_wait3A_119 = tpu.memref_squeeze %dma_wait3A_118 : memref<1x128x128xf32, #tpu.memory_space<vmem>> -> memref<128x128xf32, #tpu.memory_space<vmem>>
    %dma_wait3A_120 = arith.constant 0 : i32
    %dma_wait3A_121 = tpu.memref_slice %arg6[%dma_wait3A_114, %dma_wait3A_115, %dma_wait3A_120] : memref<4x2x128xi32, #tpu.memory_space<vmem>> -> memref<1x1x128xi32, #tpu.memory_space<vmem>>
    %dma_wait3A_122 = tpu.memref_squeeze %dma_wait3A_121 : memref<1x1x128xi32, #tpu.memory_space<vmem>> -> memref<128xi32, #tpu.memory_space<vmem>>
    %dma_wait3A_123 = arith.constant 0 : i32
    %dma_wait3A_124 = arith.constant 0 : i32
    %dma_wait3A_125 = tpu.memref_slice %arg5[%dma_wait3A_123, %dma_wait3A_124] : memref<10240x128xf32, #tpu.memory_space<vmem_shared>> -> memref<10240x128xf32, #tpu.memory_space<vmem_shared>>
    tpu.wait_indirect_dma semaphore(%arg9 : memref<!tpu.dma_semaphore, #tpu.memory_space<semaphore_mem>>) src(%dma_wait3A_119 : memref<128x128xf32, #tpu.memory_space<vmem>>) dst(%dma_wait3A_125 : memref<10240x128xf32, #tpu.memory_space<vmem_shared>>)
    %barrier3A_126 = arith.constant 0 : index
    tpu.barrier barrier_id(%barrier3A_126)
    "tpu.region"() ({
      %run_scoped3A_127 = tpu.sem_alloc : memref<!tpu.dma_semaphore, #tpu.memory_space<semaphore_mem>>
      %dma_start3A_128 = arith.constant 0 : i32
      %dma_start3A_129 = tpu.memref_slice %arg4[%arg0, %mul3A_8, %dma_start3A_128] : memref<2x10240x128xf32, #tpu.memory_space<hbm>> -> memref<1x640x128xf32, #tpu.memory_space<hbm>>
      %dma_start3A_130 = tpu.memref_squeeze %dma_start3A_129 : memref<1x640x128xf32, #tpu.memory_space<hbm>> -> memref<640x128xf32, #tpu.memory_space<hbm>>
      %dma_start3A_131 = arith.constant 0 : i32
      %dma_start3A_132 = tpu.memref_slice %arg5[%mul3A_8, %dma_start3A_131] : memref<10240x128xf32, #tpu.memory_space<vmem_shared>> -> memref<640x128xf32, #tpu.memory_space<vmem_shared>>
      tpu.enqueue_dma source(%dma_start3A_132 : memref<640x128xf32, #tpu.memory_space<vmem_shared>>) target(%dma_start3A_130 : memref<640x128xf32, #tpu.memory_space<hbm>>) target_semaphore(%run_scoped3A_127 : memref<!tpu.dma_semaphore, #tpu.memory_space<semaphore_mem>>)
      %dma_wait3A_133 = arith.constant 0 : i32
      %dma_wait3A_134 = tpu.memref_slice %arg4[%arg0, %mul3A_8, %dma_wait3A_133] : memref<2x10240x128xf32, #tpu.memory_space<hbm>> -> memref<1x640x128xf32, #tpu.memory_space<hbm>>
      %dma_wait3A_135 = tpu.memref_squeeze %dma_wait3A_134 : memref<1x640x128xf32, #tpu.memory_space<hbm>> -> memref<640x128xf32, #tpu.memory_space<hbm>>
      %dma_wait3A_136 = arith.constant 0 : i32
      %dma_wait3A_137 = tpu.memref_slice %arg5[%mul3A_8, %dma_wait3A_136] : memref<10240x128xf32, #tpu.memory_space<vmem_shared>> -> memref<640x128xf32, #tpu.memory_space<vmem_shared>>
      tpu.wait_dma2 semaphore(%run_scoped3A_127 : memref<!tpu.dma_semaphore, #tpu.memory_space<semaphore_mem>>) src(%dma_wait3A_137 : memref<640x128xf32, #tpu.memory_space<vmem_shared>>) dst(%dma_wait3A_135 : memref<640x128xf32, #tpu.memory_space<hbm>>)
      tpu.yield
    }) : () -> ()
    return
  }
}

#map = affine_map<(d0, d1) -> (0, 0)>
#map1 = affine_map<(d0, d1) -> (0, 0, 0, 0)>
#map2 = affine_map<(d0, d1) -> (0, 0, 0)>
module attributes {stable_mosaic.version = 14 : i64} {
  func.func @_agg_body(%arg0: i32, %arg1: i32, %arg2: memref<10240x128xf32, #tpu.memory_space<hbm>>, %arg3: memref<32x79x2x128xi32, #tpu.memory_space<hbm>>, %arg4: memref<2x10240x128xf32, #tpu.memory_space<hbm>>, %arg5: memref<10240x128xf32, #tpu.memory_space<vmem_shared>>, %arg6: memref<4x2x128xi32, #tpu.memory_space<vmem>>, %arg7: memref<2x128x128xf32, #tpu.memory_space<vmem>>, %arg8: memref<!tpu.dma_semaphore, #tpu.memory_space<semaphore_mem>>, %arg9: memref<!tpu.dma_semaphore, #tpu.memory_space<semaphore_mem>>, %arg10: memref<!tpu.dma_semaphore, #tpu.memory_space<semaphore_mem>>) attributes {dimension_semantics = [#tpu.dimension_semantics<core_parallel>, #tpu.dimension_semantics<subcore_parallel>], iteration_bounds = array<i64: 2, 16>, scalar_prefetch = 0 : i64, scratch_operands = 6 : i64, tpu.core_type = #tpu.core_type<sc_vector_subcore>, window_params = [{transform_indices = #map}, {transform_indices = #map1}, {transform_indices = #map2}]} {
    %mul3A = arith.constant 16 : i32
    %mul3A_0 = arith.muli %arg0, %mul3A : i32
    %add3A = arith.addi %mul3A_0, %arg1 : i32
    %scan3A = arith.constant 0 : i32
    %scan3A_1 = arith.constant 0 : i32
    %scan3A_2 = arith.constant 1024 : i32
    %scan3A_3 = arith.addi %scan3A_1, %scan3A_2 : i32
    %scan3A_4 = arith.constant 1 : i32
    %scan3A_5 = scf.for %scan3A_127 = %scan3A_1 to %scan3A_3 step %scan3A_4 iter_args(%scan3A_128 = %scan3A) -> (i32)  : i32 {
      %jit3A = arith.constant 8 : i32
      %div3A = arith.divsi %scan3A_127, %jit3A : i32
      %sign3A = arith.constant 0 : i32
      %sign3A_129 = arith.cmpi sgt, %scan3A_127, %sign3A : i32
      %sign3A_130 = arith.extui %sign3A_129 : i1 to i32
      %sign3A_131 = arith.constant 0 : i32
      %sign3A_132 = arith.cmpi slt, %scan3A_127, %sign3A_131 : i32
      %sign3A_133 = arith.extui %sign3A_132 : i1 to i32
      %sign3A_134 = arith.subi %sign3A_130, %sign3A_133 : i32
      %sign3A_135 = arith.constant 0 : i32
      %sign3A_136 = arith.cmpi sgt, %jit3A, %sign3A_135 : i32
      %sign3A_137 = arith.extui %sign3A_136 : i1 to i32
      %sign3A_138 = arith.constant 0 : i32
      %sign3A_139 = arith.cmpi slt, %jit3A, %sign3A_138 : i32
      %sign3A_140 = arith.extui %sign3A_139 : i1 to i32
      %sign3A_141 = arith.subi %sign3A_137, %sign3A_140 : i32
      %ne3A = arith.cmpi ne, %sign3A_134, %sign3A_141 : i32
      %rem3A = arith.remsi %scan3A_127, %jit3A : i32
      %ne3A_142 = arith.constant 0 : i32
      %ne3A_143 = arith.cmpi ne, %rem3A, %ne3A_142 : i32
      %and3A = arith.andi %ne3A, %ne3A_143 : i1
      %sub3A = arith.constant 1 : i32
      %sub3A_144 = arith.subi %div3A, %sub3A : i32
      %select_n3A = arith.select %and3A, %sub3A_144, %div3A : i32
      %jit3A_145 = arith.constant 8 : i32
      %eq3A = arith.constant 0 : i32
      %eq3A_146 = arith.cmpi eq, %jit3A_145, %eq3A : i32
      %jit3A_147 = arith.constant 1 : i32
      %select_n3A_148 = arith.select %eq3A_146, %jit3A_147, %jit3A_145 : i32
      %rem3A_149 = arith.remsi %scan3A_127, %select_n3A_148 : i32
      %ne3A_150 = arith.constant 0 : i32
      %ne3A_151 = arith.cmpi ne, %rem3A_149, %ne3A_150 : i32
      %lt3A = arith.constant 0 : i32
      %lt3A_152 = arith.cmpi slt, %rem3A_149, %lt3A : i32
      %lt3A_153 = arith.constant 0 : i32
      %lt3A_154 = arith.cmpi slt, %select_n3A_148, %lt3A_153 : i32
      %ne3A_155 = arith.xori %lt3A_152, %lt3A_154 : i1
      %and3A_156 = arith.andi %ne3A_155, %ne3A_151 : i1
      %add3A_157 = arith.addi %rem3A_149, %select_n3A_148 : i32
      %select_n3A_158 = arith.select %and3A_156, %add3A_157, %rem3A_149 : i32
      %mul3A_159 = arith.constant 16 : i32
      %mul3A_160 = arith.muli %select_n3A_158, %mul3A_159 : i32
      %broadcast_in_dim3A = arith.constant 0.000000e+00 : f32
      %broadcast_in_dim3A_161 = vector.broadcast %broadcast_in_dim3A : f32 to vector<16xf32>
      %swap3A = arith.constant 0 : i32
      %swap3A_162 = arith.index_cast %swap3A : i32 to index
      %swap3A_163 = arith.index_cast %select_n3A : i32 to index
      %swap3A_164 = arith.index_cast %mul3A_160 : i32 to index
      %swap3A_165 = tpu.vector_load %arg7[%swap3A_162, %swap3A_163, %swap3A_164] {strides = array<i32>} : memref<2x128x128xf32, #tpu.memory_space<vmem>>, vector<1x1x16xf32>,
      %swap3A_166 = vector.shape_cast %swap3A_165 : vector<1x1x16xf32> to vector<16xf32>
      %swap3A_167 = vector.shape_cast %broadcast_in_dim3A_161 : vector<16xf32> to vector<1x1x16xf32>
      tpu.vector_store %arg7[%swap3A_162, %swap3A_163, %swap3A_164], %swap3A_167 {strides = array<i32>} : memref<2x128x128xf32, #tpu.memory_space<vmem>>, vector<1x1x16xf32>,
      %scan3A_168 = arith.constant 0 : i32
      scf.yield %scan3A_168 : i32
    }
    %scan3A_6 = arith.constant 1024 : i32
    %mul3A_7 = arith.constant 640 : i32
    %mul3A_8 = arith.muli %arg1, %mul3A_7 : i32
    %add3A_9 = arith.constant 0 : i32
    %add3A_10 = arith.addi %mul3A_8, %add3A_9 : i32
    %run_scoped3A = arith.constant 0 : i32
    "tpu.region"() ({
      %run_scoped3A_127 = tpu.sem_alloc : memref<!tpu.dma_semaphore, #tpu.memory_space<semaphore_mem>>
      %dma_start3A_128 = arith.constant 0 : i32
      %dma_start3A_129 = arith.constant 0 : i32
      %dma_start3A_130 = tpu.memref_slice %arg7[%run_scoped3A, %dma_start3A_128, %dma_start3A_129] : memref<2x128x128xf32, #tpu.memory_space<vmem>> -> memref<1x128x128xf32, #tpu.memory_space<vmem>>
      %dma_start3A_131 = tpu.memref_squeeze %dma_start3A_130 : memref<1x128x128xf32, #tpu.memory_space<vmem>> -> memref<128x128xf32, #tpu.memory_space<vmem>>
      %dma_start3A_132 = arith.constant 0 : i32
      %dma_start3A_133 = tpu.memref_slice %arg5[%add3A_10, %dma_start3A_132] : memref<10240x128xf32, #tpu.memory_space<vmem_shared>> -> memref<128x128xf32, #tpu.memory_space<vmem_shared>>
      %dma_start3A_134 = arith.constant 0 : i32
      %dma_start3A_135 = tpu.memref_slice %arg5[%add3A_10, %dma_start3A_134] : memref<10240x128xf32, #tpu.memory_space<vmem_shared>> -> memref<128x128xf32, #tpu.memory_space<vmem_shared>>
      %dma_start3A_136 = arith.constant 0 : i32
      %dma_start3A_137 = arith.constant 0 : i32
      %dma_start3A_138 = tpu.memref_slice %arg7[%run_scoped3A, %dma_start3A_136, %dma_start3A_137] : memref<2x128x128xf32, #tpu.memory_space<vmem>> -> memref<1x128x128xf32, #tpu.memory_space<vmem>>
      %dma_start3A_139 = tpu.memref_squeeze %dma_start3A_138 : memref<1x128x128xf32, #tpu.memory_space<vmem>> -> memref<128x128xf32, #tpu.memory_space<vmem>>
      tpu.enqueue_dma source(%dma_start3A_139 : memref<128x128xf32, #tpu.memory_space<vmem>>) target(%dma_start3A_135 : memref<128x128xf32, #tpu.memory_space<vmem_shared>>) target_semaphore(%run_scoped3A_127 : memref<!tpu.dma_semaphore, #tpu.memory_space<semaphore_mem>>)
      %dma_wait3A_140 = arith.constant 0 : i32
      %dma_wait3A_141 = arith.constant 0 : i32
      %dma_wait3A_142 = tpu.memref_slice %arg7[%run_scoped3A, %dma_wait3A_140, %dma_wait3A_141] : memref<2x128x128xf32, #tpu.memory_space<vmem>> -> memref<1x128x128xf32, #tpu.memory_space<vmem>>
      %dma_wait3A_143 = tpu.memref_squeeze %dma_wait3A_142 : memref<1x128x128xf32, #tpu.memory_space<vmem>> -> memref<128x128xf32, #tpu.memory_space<vmem>>
      %dma_wait3A_144 = arith.constant 0 : i32
      %dma_wait3A_145 = tpu.memref_slice %arg5[%add3A_10, %dma_wait3A_144] : memref<10240x128xf32, #tpu.memory_space<vmem_shared>> -> memref<128x128xf32, #tpu.memory_space<vmem_shared>>
      %dma_wait3A_146 = arith.constant 0 : i32
      %dma_wait3A_147 = tpu.memref_slice %arg5[%add3A_10, %dma_wait3A_146] : memref<10240x128xf32, #tpu.memory_space<vmem_shared>> -> memref<128x128xf32, #tpu.memory_space<vmem_shared>>
      %dma_wait3A_148 = arith.constant 0 : i32
      %dma_wait3A_149 = arith.constant 0 : i32
      %dma_wait3A_150 = tpu.memref_slice %arg7[%run_scoped3A, %dma_wait3A_148, %dma_wait3A_149] : memref<2x128x128xf32, #tpu.memory_space<vmem>> -> memref<1x128x128xf32, #tpu.memory_space<vmem>>
      %dma_wait3A_151 = tpu.memref_squeeze %dma_wait3A_150 : memref<1x128x128xf32, #tpu.memory_space<vmem>> -> memref<128x128xf32, #tpu.memory_space<vmem>>
      tpu.wait_dma2 semaphore(%run_scoped3A_127 : memref<!tpu.dma_semaphore, #tpu.memory_space<semaphore_mem>>) src(%dma_wait3A_151 : memref<128x128xf32, #tpu.memory_space<vmem>>) dst(%dma_wait3A_147 : memref<128x128xf32, #tpu.memory_space<vmem_shared>>)
      tpu.yield
    }) : () -> ()
    %add3A_11 = arith.constant 128 : i32
    %add3A_12 = arith.addi %mul3A_8, %add3A_11 : i32
    %run_scoped3A_13 = arith.constant 0 : i32
    "tpu.region"() ({
      %run_scoped3A_127 = tpu.sem_alloc : memref<!tpu.dma_semaphore, #tpu.memory_space<semaphore_mem>>
      %dma_start3A_128 = arith.constant 0 : i32
      %dma_start3A_129 = arith.constant 0 : i32
      %dma_start3A_130 = tpu.memref_slice %arg7[%run_scoped3A_13, %dma_start3A_128, %dma_start3A_129] : memref<2x128x128xf32, #tpu.memory_space<vmem>> -> memref<1x128x128xf32, #tpu.memory_space<vmem>>
      %dma_start3A_131 = tpu.memref_squeeze %dma_start3A_130 : memref<1x128x128xf32, #tpu.memory_space<vmem>> -> memref<128x128xf32, #tpu.memory_space<vmem>>
      %dma_start3A_132 = arith.constant 0 : i32
      %dma_start3A_133 = tpu.memref_slice %arg5[%add3A_12, %dma_start3A_132] : memref<10240x128xf32, #tpu.memory_space<vmem_shared>> -> memref<128x128xf32, #tpu.memory_space<vmem_shared>>
      %dma_start3A_134 = arith.constant 0 : i32
      %dma_start3A_135 = tpu.memref_slice %arg5[%add3A_12, %dma_start3A_134] : memref<10240x128xf32, #tpu.memory_space<vmem_shared>> -> memref<128x128xf32, #tpu.memory_space<vmem_shared>>
      %dma_start3A_136 = arith.constant 0 : i32
      %dma_start3A_137 = arith.constant 0 : i32
      %dma_start3A_138 = tpu.memref_slice %arg7[%run_scoped3A_13, %dma_start3A_136, %dma_start3A_137] : memref<2x128x128xf32, #tpu.memory_space<vmem>> -> memref<1x128x128xf32, #tpu.memory_space<vmem>>
      %dma_start3A_139 = tpu.memref_squeeze %dma_start3A_138 : memref<1x128x128xf32, #tpu.memory_space<vmem>> -> memref<128x128xf32, #tpu.memory_space<vmem>>
      tpu.enqueue_dma source(%dma_start3A_139 : memref<128x128xf32, #tpu.memory_space<vmem>>) target(%dma_start3A_135 : memref<128x128xf32, #tpu.memory_space<vmem_shared>>) target_semaphore(%run_scoped3A_127 : memref<!tpu.dma_semaphore, #tpu.memory_space<semaphore_mem>>)
      %dma_wait3A_140 = arith.constant 0 : i32
      %dma_wait3A_141 = arith.constant 0 : i32
      %dma_wait3A_142 = tpu.memref_slice %arg7[%run_scoped3A_13, %dma_wait3A_140, %dma_wait3A_141] : memref<2x128x128xf32, #tpu.memory_space<vmem>> -> memref<1x128x128xf32, #tpu.memory_space<vmem>>
      %dma_wait3A_143 = tpu.memref_squeeze %dma_wait3A_142 : memref<1x128x128xf32, #tpu.memory_space<vmem>> -> memref<128x128xf32, #tpu.memory_space<vmem>>
      %dma_wait3A_144 = arith.constant 0 : i32
      %dma_wait3A_145 = tpu.memref_slice %arg5[%add3A_12, %dma_wait3A_144] : memref<10240x128xf32, #tpu.memory_space<vmem_shared>> -> memref<128x128xf32, #tpu.memory_space<vmem_shared>>
      %dma_wait3A_146 = arith.constant 0 : i32
      %dma_wait3A_147 = tpu.memref_slice %arg5[%add3A_12, %dma_wait3A_146] : memref<10240x128xf32, #tpu.memory_space<vmem_shared>> -> memref<128x128xf32, #tpu.memory_space<vmem_shared>>
      %dma_wait3A_148 = arith.constant 0 : i32
      %dma_wait3A_149 = arith.constant 0 : i32
      %dma_wait3A_150 = tpu.memref_slice %arg7[%run_scoped3A_13, %dma_wait3A_148, %dma_wait3A_149] : memref<2x128x128xf32, #tpu.memory_space<vmem>> -> memref<1x128x128xf32, #tpu.memory_space<vmem>>
      %dma_wait3A_151 = tpu.memref_squeeze %dma_wait3A_150 : memref<1x128x128xf32, #tpu.memory_space<vmem>> -> memref<128x128xf32, #tpu.memory_space<vmem>>
      tpu.wait_dma2 semaphore(%run_scoped3A_127 : memref<!tpu.dma_semaphore, #tpu.memory_space<semaphore_mem>>) src(%dma_wait3A_151 : memref<128x128xf32, #tpu.memory_space<vmem>>) dst(%dma_wait3A_147 : memref<128x128xf32, #tpu.memory_space<vmem_shared>>)
      tpu.yield
    }) : () -> ()
    %add3A_14 = arith.constant 256 : i32
    %add3A_15 = arith.addi %mul3A_8, %add3A_14 : i32
    %run_scoped3A_16 = arith.constant 0 : i32
    "tpu.region"() ({
      %run_scoped3A_127 = tpu.sem_alloc : memref<!tpu.dma_semaphore, #tpu.memory_space<semaphore_mem>>
      %dma_start3A_128 = arith.constant 0 : i32
      %dma_start3A_129 = arith.constant 0 : i32
      %dma_start3A_130 = tpu.memref_slice %arg7[%run_scoped3A_16, %dma_start3A_128, %dma_start3A_129] : memref<2x128x128xf32, #tpu.memory_space<vmem>> -> memref<1x128x128xf32, #tpu.memory_space<vmem>>
      %dma_start3A_131 = tpu.memref_squeeze %dma_start3A_130 : memref<1x128x128xf32, #tpu.memory_space<vmem>> -> memref<128x128xf32, #tpu.memory_space<vmem>>
      %dma_start3A_132 = arith.constant 0 : i32
      %dma_start3A_133 = tpu.memref_slice %arg5[%add3A_15, %dma_start3A_132] : memref<10240x128xf32, #tpu.memory_space<vmem_shared>> -> memref<128x128xf32, #tpu.memory_space<vmem_shared>>
      %dma_start3A_134 = arith.constant 0 : i32
      %dma_start3A_135 = tpu.memref_slice %arg5[%add3A_15, %dma_start3A_134] : memref<10240x128xf32, #tpu.memory_space<vmem_shared>> -> memref<128x128xf32, #tpu.memory_space<vmem_shared>>
      %dma_start3A_136 = arith.constant 0 : i32
      %dma_start3A_137 = arith.constant 0 : i32
      %dma_start3A_138 = tpu.memref_slice %arg7[%run_scoped3A_16, %dma_start3A_136, %dma_start3A_137] : memref<2x128x128xf32, #tpu.memory_space<vmem>> -> memref<1x128x128xf32, #tpu.memory_space<vmem>>
      %dma_start3A_139 = tpu.memref_squeeze %dma_start3A_138 : memref<1x128x128xf32, #tpu.memory_space<vmem>> -> memref<128x128xf32, #tpu.memory_space<vmem>>
      tpu.enqueue_dma source(%dma_start3A_139 : memref<128x128xf32, #tpu.memory_space<vmem>>) target(%dma_start3A_135 : memref<128x128xf32, #tpu.memory_space<vmem_shared>>) target_semaphore(%run_scoped3A_127 : memref<!tpu.dma_semaphore, #tpu.memory_space<semaphore_mem>>)
      %dma_wait3A_140 = arith.constant 0 : i32
      %dma_wait3A_141 = arith.constant 0 : i32
      %dma_wait3A_142 = tpu.memref_slice %arg7[%run_scoped3A_16, %dma_wait3A_140, %dma_wait3A_141] : memref<2x128x128xf32, #tpu.memory_space<vmem>> -> memref<1x128x128xf32, #tpu.memory_space<vmem>>
      %dma_wait3A_143 = tpu.memref_squeeze %dma_wait3A_142 : memref<1x128x128xf32, #tpu.memory_space<vmem>> -> memref<128x128xf32, #tpu.memory_space<vmem>>
      %dma_wait3A_144 = arith.constant 0 : i32
      %dma_wait3A_145 = tpu.memref_slice %arg5[%add3A_15, %dma_wait3A_144] : memref<10240x128xf32, #tpu.memory_space<vmem_shared>> -> memref<128x128xf32, #tpu.memory_space<vmem_shared>>
      %dma_wait3A_146 = arith.constant 0 : i32
      %dma_wait3A_147 = tpu.memref_slice %arg5[%add3A_15, %dma_wait3A_146] : memref<10240x128xf32, #tpu.memory_space<vmem_shared>> -> memref<128x128xf32, #tpu.memory_space<vmem_shared>>
      %dma_wait3A_148 = arith.constant 0 : i32
      %dma_wait3A_149 = arith.constant 0 : i32
      %dma_wait3A_150 = tpu.memref_slice %arg7[%run_scoped3A_16, %dma_wait3A_148, %dma_wait3A_149] : memref<2x128x128xf32, #tpu.memory_space<vmem>> -> memref<1x128x128xf32, #tpu.memory_space<vmem>>
      %dma_wait3A_151 = tpu.memref_squeeze %dma_wait3A_150 : memref<1x128x128xf32, #tpu.memory_space<vmem>> -> memref<128x128xf32, #tpu.memory_space<vmem>>
      tpu.wait_dma2 semaphore(%run_scoped3A_127 : memref<!tpu.dma_semaphore, #tpu.memory_space<semaphore_mem>>) src(%dma_wait3A_151 : memref<128x128xf32, #tpu.memory_space<vmem>>) dst(%dma_wait3A_147 : memref<128x128xf32, #tpu.memory_space<vmem_shared>>)
      tpu.yield
    }) : () -> ()
    %add3A_17 = arith.constant 384 : i32
    %add3A_18 = arith.addi %mul3A_8, %add3A_17 : i32
    %run_scoped3A_19 = arith.constant 0 : i32
    "tpu.region"() ({
      %run_scoped3A_127 = tpu.sem_alloc : memref<!tpu.dma_semaphore, #tpu.memory_space<semaphore_mem>>
      %dma_start3A_128 = arith.constant 0 : i32
      %dma_start3A_129 = arith.constant 0 : i32
      %dma_start3A_130 = tpu.memref_slice %arg7[%run_scoped3A_19, %dma_start3A_128, %dma_start3A_129] : memref<2x128x128xf32, #tpu.memory_space<vmem>> -> memref<1x128x128xf32, #tpu.memory_space<vmem>>
      %dma_start3A_131 = tpu.memref_squeeze %dma_start3A_130 : memref<1x128x128xf32, #tpu.memory_space<vmem>> -> memref<128x128xf32, #tpu.memory_space<vmem>>
      %dma_start3A_132 = arith.constant 0 : i32
      %dma_start3A_133 = tpu.memref_slice %arg5[%add3A_18, %dma_start3A_132] : memref<10240x128xf32, #tpu.memory_space<vmem_shared>> -> memref<128x128xf32, #tpu.memory_space<vmem_shared>>
      %dma_start3A_134 = arith.constant 0 : i32
      %dma_start3A_135 = tpu.memref_slice %arg5[%add3A_18, %dma_start3A_134] : memref<10240x128xf32, #tpu.memory_space<vmem_shared>> -> memref<128x128xf32, #tpu.memory_space<vmem_shared>>
      %dma_start3A_136 = arith.constant 0 : i32
      %dma_start3A_137 = arith.constant 0 : i32
      %dma_start3A_138 = tpu.memref_slice %arg7[%run_scoped3A_19, %dma_start3A_136, %dma_start3A_137] : memref<2x128x128xf32, #tpu.memory_space<vmem>> -> memref<1x128x128xf32, #tpu.memory_space<vmem>>
      %dma_start3A_139 = tpu.memref_squeeze %dma_start3A_138 : memref<1x128x128xf32, #tpu.memory_space<vmem>> -> memref<128x128xf32, #tpu.memory_space<vmem>>
      tpu.enqueue_dma source(%dma_start3A_139 : memref<128x128xf32, #tpu.memory_space<vmem>>) target(%dma_start3A_135 : memref<128x128xf32, #tpu.memory_space<vmem_shared>>) target_semaphore(%run_scoped3A_127 : memref<!tpu.dma_semaphore, #tpu.memory_space<semaphore_mem>>)
      %dma_wait3A_140 = arith.constant 0 : i32
      %dma_wait3A_141 = arith.constant 0 : i32
      %dma_wait3A_142 = tpu.memref_slice %arg7[%run_scoped3A_19, %dma_wait3A_140, %dma_wait3A_141] : memref<2x128x128xf32, #tpu.memory_space<vmem>> -> memref<1x128x128xf32, #tpu.memory_space<vmem>>
      %dma_wait3A_143 = tpu.memref_squeeze %dma_wait3A_142 : memref<1x128x128xf32, #tpu.memory_space<vmem>> -> memref<128x128xf32, #tpu.memory_space<vmem>>
      %dma_wait3A_144 = arith.constant 0 : i32
      %dma_wait3A_145 = tpu.memref_slice %arg5[%add3A_18, %dma_wait3A_144] : memref<10240x128xf32, #tpu.memory_space<vmem_shared>> -> memref<128x128xf32, #tpu.memory_space<vmem_shared>>
      %dma_wait3A_146 = arith.constant 0 : i32
      %dma_wait3A_147 = tpu.memref_slice %arg5[%add3A_18, %dma_wait3A_146] : memref<10240x128xf32, #tpu.memory_space<vmem_shared>> -> memref<128x128xf32, #tpu.memory_space<vmem_shared>>
      %dma_wait3A_148 = arith.constant 0 : i32
      %dma_wait3A_149 = arith.constant 0 : i32
      %dma_wait3A_150 = tpu.memref_slice %arg7[%run_scoped3A_19, %dma_wait3A_148, %dma_wait3A_149] : memref<2x128x128xf32, #tpu.memory_space<vmem>> -> memref<1x128x128xf32, #tpu.memory_space<vmem>>
      %dma_wait3A_151 = tpu.memref_squeeze %dma_wait3A_150 : memref<1x128x128xf32, #tpu.memory_space<vmem>> -> memref<128x128xf32, #tpu.memory_space<vmem>>
      tpu.wait_dma2 semaphore(%run_scoped3A_127 : memref<!tpu.dma_semaphore, #tpu.memory_space<semaphore_mem>>) src(%dma_wait3A_151 : memref<128x128xf32, #tpu.memory_space<vmem>>) dst(%dma_wait3A_147 : memref<128x128xf32, #tpu.memory_space<vmem_shared>>)
      tpu.yield
    }) : () -> ()
    %add3A_20 = arith.constant 512 : i32
    %add3A_21 = arith.addi %mul3A_8, %add3A_20 : i32
    %run_scoped3A_22 = arith.constant 0 : i32
    "tpu.region"() ({
      %run_scoped3A_127 = tpu.sem_alloc : memref<!tpu.dma_semaphore, #tpu.memory_space<semaphore_mem>>
      %dma_start3A_128 = arith.constant 0 : i32
      %dma_start3A_129 = arith.constant 0 : i32
      %dma_start3A_130 = tpu.memref_slice %arg7[%run_scoped3A_22, %dma_start3A_128, %dma_start3A_129] : memref<2x128x128xf32, #tpu.memory_space<vmem>> -> memref<1x128x128xf32, #tpu.memory_space<vmem>>
      %dma_start3A_131 = tpu.memref_squeeze %dma_start3A_130 : memref<1x128x128xf32, #tpu.memory_space<vmem>> -> memref<128x128xf32, #tpu.memory_space<vmem>>
      %dma_start3A_132 = arith.constant 0 : i32
      %dma_start3A_133 = tpu.memref_slice %arg5[%add3A_21, %dma_start3A_132] : memref<10240x128xf32, #tpu.memory_space<vmem_shared>> -> memref<128x128xf32, #tpu.memory_space<vmem_shared>>
      %dma_start3A_134 = arith.constant 0 : i32
      %dma_start3A_135 = tpu.memref_slice %arg5[%add3A_21, %dma_start3A_134] : memref<10240x128xf32, #tpu.memory_space<vmem_shared>> -> memref<128x128xf32, #tpu.memory_space<vmem_shared>>
      %dma_start3A_136 = arith.constant 0 : i32
      %dma_start3A_137 = arith.constant 0 : i32
      %dma_start3A_138 = tpu.memref_slice %arg7[%run_scoped3A_22, %dma_start3A_136, %dma_start3A_137] : memref<2x128x128xf32, #tpu.memory_space<vmem>> -> memref<1x128x128xf32, #tpu.memory_space<vmem>>
      %dma_start3A_139 = tpu.memref_squeeze %dma_start3A_138 : memref<1x128x128xf32, #tpu.memory_space<vmem>> -> memref<128x128xf32, #tpu.memory_space<vmem>>
      tpu.enqueue_dma source(%dma_start3A_139 : memref<128x128xf32, #tpu.memory_space<vmem>>) target(%dma_start3A_135 : memref<128x128xf32, #tpu.memory_space<vmem_shared>>) target_semaphore(%run_scoped3A_127 : memref<!tpu.dma_semaphore, #tpu.memory_space<semaphore_mem>>)
      %dma_wait3A_140 = arith.constant 0 : i32
      %dma_wait3A_141 = arith.constant 0 : i32
      %dma_wait3A_142 = tpu.memref_slice %arg7[%run_scoped3A_22, %dma_wait3A_140, %dma_wait3A_141] : memref<2x128x128xf32, #tpu.memory_space<vmem>> -> memref<1x128x128xf32, #tpu.memory_space<vmem>>
      %dma_wait3A_143 = tpu.memref_squeeze %dma_wait3A_142 : memref<1x128x128xf32, #tpu.memory_space<vmem>> -> memref<128x128xf32, #tpu.memory_space<vmem>>
      %dma_wait3A_144 = arith.constant 0 : i32
      %dma_wait3A_145 = tpu.memref_slice %arg5[%add3A_21, %dma_wait3A_144] : memref<10240x128xf32, #tpu.memory_space<vmem_shared>> -> memref<128x128xf32, #tpu.memory_space<vmem_shared>>
      %dma_wait3A_146 = arith.constant 0 : i32
      %dma_wait3A_147 = tpu.memref_slice %arg5[%add3A_21, %dma_wait3A_146] : memref<10240x128xf32, #tpu.memory_space<vmem_shared>> -> memref<128x128xf32, #tpu.memory_space<vmem_shared>>
      %dma_wait3A_148 = arith.constant 0 : i32
      %dma_wait3A_149 = arith.constant 0 : i32
      %dma_wait3A_150 = tpu.memref_slice %arg7[%run_scoped3A_22, %dma_wait3A_148, %dma_wait3A_149] : memref<2x128x128xf32, #tpu.memory_space<vmem>> -> memref<1x128x128xf32, #tpu.memory_space<vmem>>
      %dma_wait3A_151 = tpu.memref_squeeze %dma_wait3A_150 : memref<1x128x128xf32, #tpu.memory_space<vmem>> -> memref<128x128xf32, #tpu.memory_space<vmem>>
      tpu.wait_dma2 semaphore(%run_scoped3A_127 : memref<!tpu.dma_semaphore, #tpu.memory_space<semaphore_mem>>) src(%dma_wait3A_151 : memref<128x128xf32, #tpu.memory_space<vmem>>) dst(%dma_wait3A_147 : memref<128x128xf32, #tpu.memory_space<vmem_shared>>)
      tpu.yield
    }) : () -> ()
    %barrier3A = arith.constant 0 : index
    tpu.barrier barrier_id(%barrier3A)
    %dma_start3A = arith.constant 0 : i32
    %dma_start3A_23 = arith.constant 0 : i32
    %dma_start3A_24 = arith.constant 0 : i32
    %dma_start3A_25 = arith.constant 0 : i32
    %dma_start3A_26 = tpu.memref_slice %arg6[%dma_start3A_23, %dma_start3A_24, %dma_start3A_25] : memref<4x2x128xi32, #tpu.memory_space<vmem>> -> memref<1x2x128xi32, #tpu.memory_space<vmem>>
    %dma_start3A_27 = tpu.memref_squeeze %dma_start3A_26 : memref<1x2x128xi32, #tpu.memory_space<vmem>> -> memref<2x128xi32, #tpu.memory_space<vmem>>
    %dma_start3A_28 = arith.constant 0 : i32
    %dma_start3A_29 = arith.constant 0 : i32
    %dma_start3A_30 = tpu.memref_slice %arg3[%add3A, %dma_start3A, %dma_start3A_28, %dma_start3A_29] : memref<32x79x2x128xi32, #tpu.memory_space<hbm>> -> memref<1x1x2x128xi32, #tpu.memory_space<hbm>>
    %dma_start3A_31 = tpu.memref_squeeze %dma_start3A_30 : memref<1x1x2x128xi32, #tpu.memory_space<hbm>> -> memref<2x128xi32, #tpu.memory_space<hbm>>
    %dma_start3A_32 = arith.constant 0 : i32
    %dma_start3A_33 = arith.constant 0 : i32
    %dma_start3A_34 = tpu.memref_slice %arg6[%dma_start3A_23, %dma_start3A_32, %dma_start3A_33] : memref<4x2x128xi32, #tpu.memory_space<vmem>> -> memref<1x2x128xi32, #tpu.memory_space<vmem>>
    %dma_start3A_35 = tpu.memref_squeeze %dma_start3A_34 : memref<1x2x128xi32, #tpu.memory_space<vmem>> -> memref<2x128xi32, #tpu.memory_space<vmem>>
    %dma_start3A_36 = arith.constant 0 : i32
    %dma_start3A_37 = arith.constant 0 : i32
    %dma_start3A_38 = tpu.memref_slice %arg3[%add3A, %dma_start3A, %dma_start3A_36, %dma_start3A_37] : memref<32x79x2x128xi32, #tpu.memory_space<hbm>> -> memref<1x1x2x128xi32, #tpu.memory_space<hbm>>
    %dma_start3A_39 = tpu.memref_squeeze %dma_start3A_38 : memref<1x1x2x128xi32, #tpu.memory_space<hbm>> -> memref<2x128xi32, #tpu.memory_space<hbm>>
    tpu.enqueue_dma source(%dma_start3A_39 : memref<2x128xi32, #tpu.memory_space<hbm>>) target(%dma_start3A_35 : memref<2x128xi32, #tpu.memory_space<vmem>>) target_semaphore(%arg10 : memref<!tpu.dma_semaphore, #tpu.memory_space<semaphore_mem>>)
    %dma_start3A_40 = arith.constant 1 : i32
    %dma_start3A_41 = arith.constant 1 : i32
    %dma_start3A_42 = arith.constant 0 : i32
    %dma_start3A_43 = arith.constant 0 : i32
    %dma_start3A_44 = tpu.memref_slice %arg6[%dma_start3A_41, %dma_start3A_42, %dma_start3A_43] : memref<4x2x128xi32, #tpu.memory_space<vmem>> -> memref<1x2x128xi32, #tpu.memory_space<vmem>>
    %dma_start3A_45 = tpu.memref_squeeze %dma_start3A_44 : memref<1x2x128xi32, #tpu.memory_space<vmem>> -> memref<2x128xi32, #tpu.memory_space<vmem>>
    %dma_start3A_46 = arith.constant 0 : i32
    %dma_start3A_47 = arith.constant 0 : i32
    %dma_start3A_48 = tpu.memref_slice %arg3[%add3A, %dma_start3A_40, %dma_start3A_46, %dma_start3A_47] : memref<32x79x2x128xi32, #tpu.memory_space<hbm>> -> memref<1x1x2x128xi32, #tpu.memory_space<hbm>>
    %dma_start3A_49 = tpu.memref_squeeze %dma_start3A_48 : memref<1x1x2x128xi32, #tpu.memory_space<hbm>> -> memref<2x128xi32, #tpu.memory_space<hbm>>
    %dma_start3A_50 = arith.constant 0 : i32
    %dma_start3A_51 = arith.constant 0 : i32
    %dma_start3A_52 = tpu.memref_slice %arg6[%dma_start3A_41, %dma_start3A_50, %dma_start3A_51] : memref<4x2x128xi32, #tpu.memory_space<vmem>> -> memref<1x2x128xi32, #tpu.memory_space<vmem>>
    %dma_start3A_53 = tpu.memref_squeeze %dma_start3A_52 : memref<1x2x128xi32, #tpu.memory_space<vmem>> -> memref<2x128xi32, #tpu.memory_space<vmem>>
    %dma_start3A_54 = arith.constant 0 : i32
    %dma_start3A_55 = arith.constant 0 : i32
    %dma_start3A_56 = tpu.memref_slice %arg3[%add3A, %dma_start3A_40, %dma_start3A_54, %dma_start3A_55] : memref<32x79x2x128xi32, #tpu.memory_space<hbm>> -> memref<1x1x2x128xi32, #tpu.memory_space<hbm>>
    %dma_start3A_57 = tpu.memref_squeeze %dma_start3A_56 : memref<1x1x2x128xi32, #tpu.memory_space<hbm>> -> memref<2x128xi32, #tpu.memory_space<hbm>>
    tpu.enqueue_dma source(%dma_start3A_57 : memref<2x128xi32, #tpu.memory_space<hbm>>) target(%dma_start3A_53 : memref<2x128xi32, #tpu.memory_space<vmem>>) target_semaphore(%arg10 : memref<!tpu.dma_semaphore, #tpu.memory_space<semaphore_mem>>)
    %dma_start3A_58 = arith.constant 2 : i32
    %dma_start3A_59 = arith.constant 2 : i32
    %dma_start3A_60 = arith.constant 0 : i32
    %dma_start3A_61 = arith.constant 0 : i32
    %dma_start3A_62 = tpu.memref_slice %arg6[%dma_start3A_59, %dma_start3A_60, %dma_start3A_61] : memref<4x2x128xi32, #tpu.memory_space<vmem>> -> memref<1x2x128xi32, #tpu.memory_space<vmem>>
    %dma_start3A_63 = tpu.memref_squeeze %dma_start3A_62 : memref<1x2x128xi32, #tpu.memory_space<vmem>> -> memref<2x128xi32, #tpu.memory_space<vmem>>
    %dma_start3A_64 = arith.constant 0 : i32
    %dma_start3A_65 = arith.constant 0 : i32
    %dma_start3A_66 = tpu.memref_slice %arg3[%add3A, %dma_start3A_58, %dma_start3A_64, %dma_start3A_65] : memref<32x79x2x128xi32, #tpu.memory_space<hbm>> -> memref<1x1x2x128xi32, #tpu.memory_space<hbm>>
    %dma_start3A_67 = tpu.memref_squeeze %dma_start3A_66 : memref<1x1x2x128xi32, #tpu.memory_space<hbm>> -> memref<2x128xi32, #tpu.memory_space<hbm>>
    %dma_start3A_68 = arith.constant 0 : i32
    %dma_start3A_69 = arith.constant 0 : i32
    %dma_start3A_70 = tpu.memref_slice %arg6[%dma_start3A_59, %dma_start3A_68, %dma_start3A_69] : memref<4x2x128xi32, #tpu.memory_space<vmem>> -> memref<1x2x128xi32, #tpu.memory_space<vmem>>
    %dma_start3A_71 = tpu.memref_squeeze %dma_start3A_70 : memref<1x2x128xi32, #tpu.memory_space<vmem>> -> memref<2x128xi32, #tpu.memory_space<vmem>>
    %dma_start3A_72 = arith.constant 0 : i32
    %dma_start3A_73 = arith.constant 0 : i32
    %dma_start3A_74 = tpu.memref_slice %arg3[%add3A, %dma_start3A_58, %dma_start3A_72, %dma_start3A_73] : memref<32x79x2x128xi32, #tpu.memory_space<hbm>> -> memref<1x1x2x128xi32, #tpu.memory_space<hbm>>
    %dma_start3A_75 = tpu.memref_squeeze %dma_start3A_74 : memref<1x1x2x128xi32, #tpu.memory_space<hbm>> -> memref<2x128xi32, #tpu.memory_space<hbm>>
    tpu.enqueue_dma source(%dma_start3A_75 : memref<2x128xi32, #tpu.memory_space<hbm>>) target(%dma_start3A_71 : memref<2x128xi32, #tpu.memory_space<vmem>>) target_semaphore(%arg10 : memref<!tpu.dma_semaphore, #tpu.memory_space<semaphore_mem>>)
    %dma_wait3A = arith.constant 0 : i32
    %dma_wait3A_76 = arith.constant 0 : i32
    %dma_wait3A_77 = arith.constant 0 : i32
    %dma_wait3A_78 = arith.constant 0 : i32
    %dma_wait3A_79 = tpu.memref_slice %arg6[%dma_wait3A_76, %dma_wait3A_77, %dma_wait3A_78] : memref<4x2x128xi32, #tpu.memory_space<vmem>> -> memref<1x2x128xi32, #tpu.memory_space<vmem>>
    %dma_wait3A_80 = tpu.memref_squeeze %dma_wait3A_79 : memref<1x2x128xi32, #tpu.memory_space<vmem>> -> memref<2x128xi32, #tpu.memory_space<vmem>>
    %dma_wait3A_81 = arith.constant 0 : i32
    %dma_wait3A_82 = arith.constant 0 : i32
    %dma_wait3A_83 = tpu.memref_slice %arg3[%add3A, %dma_wait3A, %dma_wait3A_81, %dma_wait3A_82] : memref<32x79x2x128xi32, #tpu.memory_space<hbm>> -> memref<1x1x2x128xi32, #tpu.memory_space<hbm>>
    %dma_wait3A_84 = tpu.memref_squeeze %dma_wait3A_83 : memref<1x1x2x128xi32, #tpu.memory_space<hbm>> -> memref<2x128xi32, #tpu.memory_space<hbm>>
    %dma_wait3A_85 = arith.constant 0 : i32
    %dma_wait3A_86 = arith.constant 0 : i32
    %dma_wait3A_87 = tpu.memref_slice %arg6[%dma_wait3A_76, %dma_wait3A_85, %dma_wait3A_86] : memref<4x2x128xi32, #tpu.memory_space<vmem>> -> memref<1x2x128xi32, #tpu.memory_space<vmem>>
    %dma_wait3A_88 = tpu.memref_squeeze %dma_wait3A_87 : memref<1x2x128xi32, #tpu.memory_space<vmem>> -> memref<2x128xi32, #tpu.memory_space<vmem>>
    %dma_wait3A_89 = arith.constant 0 : i32
    %dma_wait3A_90 = arith.constant 0 : i32
    %dma_wait3A_91 = tpu.memref_slice %arg3[%add3A, %dma_wait3A, %dma_wait3A_89, %dma_wait3A_90] : memref<32x79x2x128xi32, #tpu.memory_space<hbm>> -> memref<1x1x2x128xi32, #tpu.memory_space<hbm>>
    %dma_wait3A_92 = tpu.memref_squeeze %dma_wait3A_91 : memref<1x1x2x128xi32, #tpu.memory_space<hbm>> -> memref<2x128xi32, #tpu.memory_space<hbm>>
    tpu.wait_dma2 semaphore(%arg10 : memref<!tpu.dma_semaphore, #tpu.memory_space<semaphore_mem>>) src(%dma_wait3A_92 : memref<2x128xi32, #tpu.memory_space<hbm>>) dst(%dma_wait3A_88 : memref<2x128xi32, #tpu.memory_space<vmem>>)
    %dma_start3A_93 = arith.constant 0 : i32
    %dma_start3A_94 = arith.constant 0 : i32
    %dma_start3A_95 = arith.constant 0 : i32
    %dma_start3A_96 = arith.constant 0 : i32
    %dma_start3A_97 = arith.constant 0 : i32
    %dma_start3A_98 = tpu.memref_slice %arg7[%dma_start3A_95, %dma_start3A_96, %dma_start3A_97] : memref<2x128x128xf32, #tpu.memory_space<vmem>> -> memref<1x128x128xf32, #tpu.memory_space<vmem>>
    %dma_start3A_99 = tpu.memref_squeeze %dma_start3A_98 : memref<1x128x128xf32, #tpu.memory_space<vmem>> -> memref<128x128xf32, #tpu.memory_space<vmem>>
    %dma_start3A_100 = arith.constant 0 : i32
    %dma_start3A_101 = tpu.memref_slice %arg6[%dma_start3A_93, %dma_start3A_94, %dma_start3A_100] : memref<4x2x128xi32, #tpu.memory_space<vmem>> -> memref<1x1x128xi32, #tpu.memory_space<vmem>>
    %dma_start3A_102 = tpu.memref_squeeze %dma_start3A_101 : memref<1x1x128xi32, #tpu.memory_space<vmem>> -> memref<128xi32, #tpu.memory_space<vmem>>
    %dma_start3A_103 = arith.constant 0 : i32
    %dma_start3A_104 = arith.constant 0 : i32
    %dma_start3A_105 = tpu.memref_slice %arg2[%dma_start3A_103, %dma_start3A_104] : memref<10240x128xf32, #tpu.memory_space<hbm>> -> memref<10240x128xf32, #tpu.memory_space<hbm>>
    tpu.enqueue_indirect_dma source(%dma_start3A_105 : memref<10240x128xf32, #tpu.memory_space<hbm>>) target(%dma_start3A_99 : memref<128x128xf32, #tpu.memory_space<vmem>>) offsets(%dma_start3A_102 : memref<128xi32, #tpu.memory_space<vmem>>) semaphore(%arg8 : memref<!tpu.dma_semaphore, #tpu.memory_space<semaphore_mem>>)
    %scan3A_106 = arith.constant 0 : i32
    %scan3A_107 = arith.constant 0 : i32
    %scan3A_108 = arith.constant 79 : i32
    %scan3A_109 = arith.addi %scan3A_107, %scan3A_108 : i32
    %scan3A_110 = arith.constant 1 : i32
    %scan3A_111 = scf.for %scan3A_127 = %scan3A_107 to %scan3A_109 step %scan3A_110 iter_args(%scan3A_128 = %scan3A_106) -> (i32)  : i32 {
      %ge3A = arith.constant 1 : i32
      %ge3A_129 = arith.cmpi sge, %scan3A_127, %ge3A : i32
      %convert_element_type3A = arith.extui %ge3A_129 : i1 to i32
      %cond3A = arith.constant 0 : i32
      %cond3A_130 = arith.cmpi ne, %convert_element_type3A, %cond3A : i32
      scf.if %cond3A_130 {
        %sub3A = arith.constant 1 : i32
        %sub3A_225 = arith.subi %scan3A_127, %sub3A : i32
        %jit3A_226 = arith.constant 2 : i32
        %eq3A_227 = arith.constant 0 : i32
        %eq3A_228 = arith.cmpi eq, %jit3A_226, %eq3A_227 : i32
        %jit3A_229 = arith.constant 1 : i32
        %select_n3A_230 = arith.select %eq3A_228, %jit3A_229, %jit3A_226 : i32
        %rem3A_231 = arith.remsi %sub3A_225, %select_n3A_230 : i32
        %ne3A_232 = arith.constant 0 : i32
        %ne3A_233 = arith.cmpi ne, %rem3A_231, %ne3A_232 : i32
        %lt3A_234 = arith.constant 0 : i32
        %lt3A_235 = arith.cmpi slt, %rem3A_231, %lt3A_234 : i32
        %lt3A_236 = arith.constant 0 : i32
        %lt3A_237 = arith.cmpi slt, %select_n3A_230, %lt3A_236 : i32
        %ne3A_238 = arith.xori %lt3A_235, %lt3A_237 : i1
        %and3A_239 = arith.andi %ne3A_238, %ne3A_233 : i1
        %add3A_240 = arith.addi %rem3A_231, %select_n3A_230 : i32
        %select_n3A_241 = arith.select %and3A_239, %add3A_240, %rem3A_231 : i32
        %jit3A_242 = arith.constant 4 : i32
        %eq3A_243 = arith.constant 0 : i32
        %eq3A_244 = arith.cmpi eq, %jit3A_242, %eq3A_243 : i32
        %jit3A_245 = arith.constant 1 : i32
        %select_n3A_246 = arith.select %eq3A_244, %jit3A_245, %jit3A_242 : i32
        %rem3A_247 = arith.remsi %sub3A_225, %select_n3A_246 : i32
        %ne3A_248 = arith.constant 0 : i32
        %ne3A_249 = arith.cmpi ne, %rem3A_247, %ne3A_248 : i32
        %lt3A_250 = arith.constant 0 : i32
        %lt3A_251 = arith.cmpi slt, %rem3A_247, %lt3A_250 : i32
        %lt3A_252 = arith.constant 0 : i32
        %lt3A_253 = arith.cmpi slt, %select_n3A_246, %lt3A_252 : i32
        %ne3A_254 = arith.xori %lt3A_251, %lt3A_253 : i1
        %and3A_255 = arith.andi %ne3A_254, %ne3A_249 : i1
        %add3A_256 = arith.addi %rem3A_247, %select_n3A_246 : i32
        %select_n3A_257 = arith.select %and3A_255, %add3A_256, %rem3A_247 : i32
        %dma_wait3A_258 = arith.constant 1 : i32
        %dma_wait3A_259 = arith.constant 0 : i32
        %dma_wait3A_260 = arith.constant 0 : i32
        %dma_wait3A_261 = tpu.memref_slice %arg7[%select_n3A_241, %dma_wait3A_259, %dma_wait3A_260] : memref<2x128x128xf32, #tpu.memory_space<vmem>> -> memref<1x128x128xf32, #tpu.memory_space<vmem>>
        %dma_wait3A_262 = tpu.memref_squeeze %dma_wait3A_261 : memref<1x128x128xf32, #tpu.memory_space<vmem>> -> memref<128x128xf32, #tpu.memory_space<vmem>>
        %dma_wait3A_263 = arith.constant 0 : i32
        %dma_wait3A_264 = tpu.memref_slice %arg6[%select_n3A_257, %dma_wait3A_258, %dma_wait3A_263] : memref<4x2x128xi32, #tpu.memory_space<vmem>> -> memref<1x1x128xi32, #tpu.memory_space<vmem>>
        %dma_wait3A_265 = tpu.memref_squeeze %dma_wait3A_264 : memref<1x1x128xi32, #tpu.memory_space<vmem>> -> memref<128xi32, #tpu.memory_space<vmem>>
        %dma_wait3A_266 = arith.constant 0 : i32
        %dma_wait3A_267 = arith.constant 0 : i32
        %dma_wait3A_268 = tpu.memref_slice %arg5[%dma_wait3A_266, %dma_wait3A_267] : memref<10240x128xf32, #tpu.memory_space<vmem_shared>> -> memref<10240x128xf32, #tpu.memory_space<vmem_shared>>
        tpu.wait_indirect_dma semaphore(%arg9 : memref<!tpu.dma_semaphore, #tpu.memory_space<semaphore_mem>>) src(%dma_wait3A_262 : memref<128x128xf32, #tpu.memory_space<vmem>>) dst(%dma_wait3A_268 : memref<10240x128xf32, #tpu.memory_space<vmem_shared>>)
      } else {
      }
      %add3A_131 = arith.constant 3 : i32
      %add3A_132 = arith.addi %scan3A_127, %add3A_131 : i32
      %lt3A = arith.constant 79 : i32
      %lt3A_133 = arith.cmpi slt, %add3A_132, %lt3A : i32
      %convert_element_type3A_134 = arith.extui %lt3A_133 : i1 to i32
      %cond3A_135 = arith.constant 0 : i32
      %cond3A_136 = arith.cmpi ne, %convert_element_type3A_134, %cond3A_135 : i32
      scf.if %cond3A_136 {
        %add3A_225 = arith.constant 3 : i32
        %add3A_226 = arith.addi %scan3A_127, %add3A_225 : i32
        %jit3A_227 = arith.constant 4 : i32
        %eq3A_228 = arith.constant 0 : i32
        %eq3A_229 = arith.cmpi eq, %jit3A_227, %eq3A_228 : i32
        %jit3A_230 = arith.constant 1 : i32
        %select_n3A_231 = arith.select %eq3A_229, %jit3A_230, %jit3A_227 : i32
        %rem3A_232 = arith.remsi %add3A_226, %select_n3A_231 : i32
        %ne3A_233 = arith.constant 0 : i32
        %ne3A_234 = arith.cmpi ne, %rem3A_232, %ne3A_233 : i32
        %lt3A_235 = arith.constant 0 : i32
        %lt3A_236 = arith.cmpi slt, %rem3A_232, %lt3A_235 : i32
        %lt3A_237 = arith.constant 0 : i32
        %lt3A_238 = arith.cmpi slt, %select_n3A_231, %lt3A_237 : i32
        %ne3A_239 = arith.xori %lt3A_236, %lt3A_238 : i1
        %and3A_240 = arith.andi %ne3A_239, %ne3A_234 : i1
        %add3A_241 = arith.addi %rem3A_232, %select_n3A_231 : i32
        %select_n3A_242 = arith.select %and3A_240, %add3A_241, %rem3A_232 : i32
        %dma_start3A_243 = arith.constant 0 : i32
        %dma_start3A_244 = arith.constant 0 : i32
        %dma_start3A_245 = tpu.memref_slice %arg6[%select_n3A_242, %dma_start3A_243, %dma_start3A_244] : memref<4x2x128xi32, #tpu.memory_space<vmem>> -> memref<1x2x128xi32, #tpu.memory_space<vmem>>
        %dma_start3A_246 = tpu.memref_squeeze %dma_start3A_245 : memref<1x2x128xi32, #tpu.memory_space<vmem>> -> memref<2x128xi32, #tpu.memory_space<vmem>>
        %dma_start3A_247 = arith.constant 0 : i32
        %dma_start3A_248 = arith.constant 0 : i32
        %dma_start3A_249 = tpu.memref_slice %arg3[%add3A, %add3A_226, %dma_start3A_247, %dma_start3A_248] : memref<32x79x2x128xi32, #tpu.memory_space<hbm>> -> memref<1x1x2x128xi32, #tpu.memory_space<hbm>>
        %dma_start3A_250 = tpu.memref_squeeze %dma_start3A_249 : memref<1x1x2x128xi32, #tpu.memory_space<hbm>> -> memref<2x128xi32, #tpu.memory_space<hbm>>
        %dma_start3A_251 = arith.constant 0 : i32
        %dma_start3A_252 = arith.constant 0 : i32
        %dma_start3A_253 = tpu.memref_slice %arg6[%select_n3A_242, %dma_start3A_251, %dma_start3A_252] : memref<4x2x128xi32, #tpu.memory_space<vmem>> -> memref<1x2x128xi32, #tpu.memory_space<vmem>>
        %dma_start3A_254 = tpu.memref_squeeze %dma_start3A_253 : memref<1x2x128xi32, #tpu.memory_space<vmem>> -> memref<2x128xi32, #tpu.memory_space<vmem>>
        %dma_start3A_255 = arith.constant 0 : i32
        %dma_start3A_256 = arith.constant 0 : i32
        %dma_start3A_257 = tpu.memref_slice %arg3[%add3A, %add3A_226, %dma_start3A_255, %dma_start3A_256] : memref<32x79x2x128xi32, #tpu.memory_space<hbm>> -> memref<1x1x2x128xi32, #tpu.memory_space<hbm>>
        %dma_start3A_258 = tpu.memref_squeeze %dma_start3A_257 : memref<1x1x2x128xi32, #tpu.memory_space<hbm>> -> memref<2x128xi32, #tpu.memory_space<hbm>>
        tpu.enqueue_dma source(%dma_start3A_258 : memref<2x128xi32, #tpu.memory_space<hbm>>) target(%dma_start3A_254 : memref<2x128xi32, #tpu.memory_space<vmem>>) target_semaphore(%arg10 : memref<!tpu.dma_semaphore, #tpu.memory_space<semaphore_mem>>)
      } else {
      }
      %add3A_137 = arith.constant 1 : i32
      %add3A_138 = arith.addi %scan3A_127, %add3A_137 : i32
      %lt3A_139 = arith.constant 79 : i32
      %lt3A_140 = arith.cmpi slt, %add3A_138, %lt3A_139 : i32
      %convert_element_type3A_141 = arith.extui %lt3A_140 : i1 to i32
      %cond3A_142 = arith.constant 0 : i32
      %cond3A_143 = arith.cmpi ne, %convert_element_type3A_141, %cond3A_142 : i32
      scf.if %cond3A_143 {
        %add3A_225 = arith.constant 1 : i32
        %add3A_226 = arith.addi %scan3A_127, %add3A_225 : i32
        %jit3A_227 = arith.constant 4 : i32
        %eq3A_228 = arith.constant 0 : i32
        %eq3A_229 = arith.cmpi eq, %jit3A_227, %eq3A_228 : i32
        %jit3A_230 = arith.constant 1 : i32
        %select_n3A_231 = arith.select %eq3A_229, %jit3A_230, %jit3A_227 : i32
        %rem3A_232 = arith.remsi %add3A_226, %select_n3A_231 : i32
        %ne3A_233 = arith.constant 0 : i32
        %ne3A_234 = arith.cmpi ne, %rem3A_232, %ne3A_233 : i32
        %lt3A_235 = arith.constant 0 : i32
        %lt3A_236 = arith.cmpi slt, %rem3A_232, %lt3A_235 : i32
        %lt3A_237 = arith.constant 0 : i32
        %lt3A_238 = arith.cmpi slt, %select_n3A_231, %lt3A_237 : i32
        %ne3A_239 = arith.xori %lt3A_236, %lt3A_238 : i1
        %and3A_240 = arith.andi %ne3A_239, %ne3A_234 : i1
        %add3A_241 = arith.addi %rem3A_232, %select_n3A_231 : i32
        %select_n3A_242 = arith.select %and3A_240, %add3A_241, %rem3A_232 : i32
        %dma_wait3A_243 = arith.constant 0 : i32
        %dma_wait3A_244 = arith.constant 0 : i32
        %dma_wait3A_245 = tpu.memref_slice %arg6[%select_n3A_242, %dma_wait3A_243, %dma_wait3A_244] : memref<4x2x128xi32, #tpu.memory_space<vmem>> -> memref<1x2x128xi32, #tpu.memory_space<vmem>>
        %dma_wait3A_246 = tpu.memref_squeeze %dma_wait3A_245 : memref<1x2x128xi32, #tpu.memory_space<vmem>> -> memref<2x128xi32, #tpu.memory_space<vmem>>
        %dma_wait3A_247 = arith.constant 0 : i32
        %dma_wait3A_248 = arith.constant 0 : i32
        %dma_wait3A_249 = tpu.memref_slice %arg3[%add3A, %add3A_226, %dma_wait3A_247, %dma_wait3A_248] : memref<32x79x2x128xi32, #tpu.memory_space<hbm>> -> memref<1x1x2x128xi32, #tpu.memory_space<hbm>>
        %dma_wait3A_250 = tpu.memref_squeeze %dma_wait3A_249 : memref<1x1x2x128xi32, #tpu.memory_space<hbm>> -> memref<2x128xi32, #tpu.memory_space<hbm>>
        %dma_wait3A_251 = arith.constant 0 : i32
        %dma_wait3A_252 = arith.constant 0 : i32
        %dma_wait3A_253 = tpu.memref_slice %arg6[%select_n3A_242, %dma_wait3A_251, %dma_wait3A_252] : memref<4x2x128xi32, #tpu.memory_space<vmem>> -> memref<1x2x128xi32, #tpu.memory_space<vmem>>
        %dma_wait3A_254 = tpu.memref_squeeze %dma_wait3A_253 : memref<1x2x128xi32, #tpu.memory_space<vmem>> -> memref<2x128xi32, #tpu.memory_space<vmem>>
        %dma_wait3A_255 = arith.constant 0 : i32
        %dma_wait3A_256 = arith.constant 0 : i32
        %dma_wait3A_257 = tpu.memref_slice %arg3[%add3A, %add3A_226, %dma_wait3A_255, %dma_wait3A_256] : memref<32x79x2x128xi32, #tpu.memory_space<hbm>> -> memref<1x1x2x128xi32, #tpu.memory_space<hbm>>
        %dma_wait3A_258 = tpu.memref_squeeze %dma_wait3A_257 : memref<1x1x2x128xi32, #tpu.memory_space<hbm>> -> memref<2x128xi32, #tpu.memory_space<hbm>>
        tpu.wait_dma2 semaphore(%arg10 : memref<!tpu.dma_semaphore, #tpu.memory_space<semaphore_mem>>) src(%dma_wait3A_258 : memref<2x128xi32, #tpu.memory_space<hbm>>) dst(%dma_wait3A_254 : memref<2x128xi32, #tpu.memory_space<vmem>>)
        %add3A_259 = arith.constant 1 : i32
        %add3A_260 = arith.addi %scan3A_127, %add3A_259 : i32
        %jit3A_261 = arith.constant 4 : i32
        %eq3A_262 = arith.constant 0 : i32
        %eq3A_263 = arith.cmpi eq, %jit3A_261, %eq3A_262 : i32
        %jit3A_264 = arith.constant 1 : i32
        %select_n3A_265 = arith.select %eq3A_263, %jit3A_264, %jit3A_261 : i32
        %rem3A_266 = arith.remsi %add3A_260, %select_n3A_265 : i32
        %ne3A_267 = arith.constant 0 : i32
        %ne3A_268 = arith.cmpi ne, %rem3A_266, %ne3A_267 : i32
        %lt3A_269 = arith.constant 0 : i32
        %lt3A_270 = arith.cmpi slt, %rem3A_266, %lt3A_269 : i32
        %lt3A_271 = arith.constant 0 : i32
        %lt3A_272 = arith.cmpi slt, %select_n3A_265, %lt3A_271 : i32
        %ne3A_273 = arith.xori %lt3A_270, %lt3A_272 : i1
        %and3A_274 = arith.andi %ne3A_273, %ne3A_268 : i1
        %add3A_275 = arith.addi %rem3A_266, %select_n3A_265 : i32
        %select_n3A_276 = arith.select %and3A_274, %add3A_275, %rem3A_266 : i32
        %jit3A_277 = arith.constant 2 : i32
        %eq3A_278 = arith.constant 0 : i32
        %eq3A_279 = arith.cmpi eq, %jit3A_277, %eq3A_278 : i32
        %jit3A_280 = arith.constant 1 : i32
        %select_n3A_281 = arith.select %eq3A_279, %jit3A_280, %jit3A_277 : i32
        %rem3A_282 = arith.remsi %add3A_260, %select_n3A_281 : i32
        %ne3A_283 = arith.constant 0 : i32
        %ne3A_284 = arith.cmpi ne, %rem3A_282, %ne3A_283 : i32
        %lt3A_285 = arith.constant 0 : i32
        %lt3A_286 = arith.cmpi slt, %rem3A_282, %lt3A_285 : i32
        %lt3A_287 = arith.constant 0 : i32
        %lt3A_288 = arith.cmpi slt, %select_n3A_281, %lt3A_287 : i32
        %ne3A_289 = arith.xori %lt3A_286, %lt3A_288 : i1
        %and3A_290 = arith.andi %ne3A_289, %ne3A_284 : i1
        %add3A_291 = arith.addi %rem3A_282, %select_n3A_281 : i32
        %select_n3A_292 = arith.select %and3A_290, %add3A_291, %rem3A_282 : i32
        %dma_start3A_293 = arith.constant 0 : i32
        %dma_start3A_294 = arith.constant 0 : i32
        %dma_start3A_295 = arith.constant 0 : i32
        %dma_start3A_296 = tpu.memref_slice %arg7[%select_n3A_292, %dma_start3A_294, %dma_start3A_295] : memref<2x128x128xf32, #tpu.memory_space<vmem>> -> memref<1x128x128xf32, #tpu.memory_space<vmem>>
        %dma_start3A_297 = tpu.memref_squeeze %dma_start3A_296 : memref<1x128x128xf32, #tpu.memory_space<vmem>> -> memref<128x128xf32, #tpu.memory_space<vmem>>
        %dma_start3A_298 = arith.constant 0 : i32
        %dma_start3A_299 = tpu.memref_slice %arg6[%select_n3A_276, %dma_start3A_293, %dma_start3A_298] : memref<4x2x128xi32, #tpu.memory_space<vmem>> -> memref<1x1x128xi32, #tpu.memory_space<vmem>>
        %dma_start3A_300 = tpu.memref_squeeze %dma_start3A_299 : memref<1x1x128xi32, #tpu.memory_space<vmem>> -> memref<128xi32, #tpu.memory_space<vmem>>
        %dma_start3A_301 = arith.constant 0 : i32
        %dma_start3A_302 = arith.constant 0 : i32
        %dma_start3A_303 = tpu.memref_slice %arg2[%dma_start3A_301, %dma_start3A_302] : memref<10240x128xf32, #tpu.memory_space<hbm>> -> memref<10240x128xf32, #tpu.memory_space<hbm>>
        tpu.enqueue_indirect_dma source(%dma_start3A_303 : memref<10240x128xf32, #tpu.memory_space<hbm>>) target(%dma_start3A_297 : memref<128x128xf32, #tpu.memory_space<vmem>>) offsets(%dma_start3A_300 : memref<128xi32, #tpu.memory_space<vmem>>) semaphore(%arg8 : memref<!tpu.dma_semaphore, #tpu.memory_space<semaphore_mem>>)
      } else {
      }
      %jit3A = arith.constant 4 : i32
      %eq3A = arith.constant 0 : i32
      %eq3A_144 = arith.cmpi eq, %jit3A, %eq3A : i32
      %jit3A_145 = arith.constant 1 : i32
      %select_n3A = arith.select %eq3A_144, %jit3A_145, %jit3A : i32
      %rem3A = arith.remsi %scan3A_127, %select_n3A : i32
      %ne3A = arith.constant 0 : i32
      %ne3A_146 = arith.cmpi ne, %rem3A, %ne3A : i32
      %lt3A_147 = arith.constant 0 : i32
      %lt3A_148 = arith.cmpi slt, %rem3A, %lt3A_147 : i32
      %lt3A_149 = arith.constant 0 : i32
      %lt3A_150 = arith.cmpi slt, %select_n3A, %lt3A_149 : i32
      %ne3A_151 = arith.xori %lt3A_148, %lt3A_150 : i1
      %and3A = arith.andi %ne3A_151, %ne3A_146 : i1
      %add3A_152 = arith.addi %rem3A, %select_n3A : i32
      %select_n3A_153 = arith.select %and3A, %add3A_152, %rem3A : i32
      %jit3A_154 = arith.constant 2 : i32
      %eq3A_155 = arith.constant 0 : i32
      %eq3A_156 = arith.cmpi eq, %jit3A_154, %eq3A_155 : i32
      %jit3A_157 = arith.constant 1 : i32
      %select_n3A_158 = arith.select %eq3A_156, %jit3A_157, %jit3A_154 : i32
      %rem3A_159 = arith.remsi %scan3A_127, %select_n3A_158 : i32
      %ne3A_160 = arith.constant 0 : i32
      %ne3A_161 = arith.cmpi ne, %rem3A_159, %ne3A_160 : i32
      %lt3A_162 = arith.constant 0 : i32
      %lt3A_163 = arith.cmpi slt, %rem3A_159, %lt3A_162 : i32
      %lt3A_164 = arith.constant 0 : i32
      %lt3A_165 = arith.cmpi slt, %select_n3A_158, %lt3A_164 : i32
      %ne3A_166 = arith.xori %lt3A_163, %lt3A_165 : i1
      %and3A_167 = arith.andi %ne3A_166, %ne3A_161 : i1
      %add3A_168 = arith.addi %rem3A_159, %select_n3A_158 : i32
      %select_n3A_169 = arith.select %and3A_167, %add3A_168, %rem3A_159 : i32
      %dma_wait3A_170 = arith.constant 0 : i32
      %dma_wait3A_171 = arith.constant 0 : i32
      %dma_wait3A_172 = arith.constant 0 : i32
      %dma_wait3A_173 = tpu.memref_slice %arg7[%select_n3A_169, %dma_wait3A_171, %dma_wait3A_172] : memref<2x128x128xf32, #tpu.memory_space<vmem>> -> memref<1x128x128xf32, #tpu.memory_space<vmem>>
      %dma_wait3A_174 = tpu.memref_squeeze %dma_wait3A_173 : memref<1x128x128xf32, #tpu.memory_space<vmem>> -> memref<128x128xf32, #tpu.memory_space<vmem>>
      %dma_wait3A_175 = arith.constant 0 : i32
      %dma_wait3A_176 = tpu.memref_slice %arg6[%select_n3A_153, %dma_wait3A_170, %dma_wait3A_175] : memref<4x2x128xi32, #tpu.memory_space<vmem>> -> memref<1x1x128xi32, #tpu.memory_space<vmem>>
      %dma_wait3A_177 = tpu.memref_squeeze %dma_wait3A_176 : memref<1x1x128xi32, #tpu.memory_space<vmem>> -> memref<128xi32, #tpu.memory_space<vmem>>
      %dma_wait3A_178 = arith.constant 0 : i32
      %dma_wait3A_179 = arith.constant 0 : i32
      %dma_wait3A_180 = tpu.memref_slice %arg2[%dma_wait3A_178, %dma_wait3A_179] : memref<10240x128xf32, #tpu.memory_space<hbm>> -> memref<10240x128xf32, #tpu.memory_space<hbm>>
      tpu.wait_indirect_dma semaphore(%arg8 : memref<!tpu.dma_semaphore, #tpu.memory_space<semaphore_mem>>) src(%dma_wait3A_180 : memref<10240x128xf32, #tpu.memory_space<hbm>>) dst(%dma_wait3A_174 : memref<128x128xf32, #tpu.memory_space<vmem>>)
      %jit3A_181 = arith.constant 2 : i32
      %eq3A_182 = arith.constant 0 : i32
      %eq3A_183 = arith.cmpi eq, %jit3A_181, %eq3A_182 : i32
      %jit3A_184 = arith.constant 1 : i32
      %select_n3A_185 = arith.select %eq3A_183, %jit3A_184, %jit3A_181 : i32
      %rem3A_186 = arith.remsi %scan3A_127, %select_n3A_185 : i32
      %ne3A_187 = arith.constant 0 : i32
      %ne3A_188 = arith.cmpi ne, %rem3A_186, %ne3A_187 : i32
      %lt3A_189 = arith.constant 0 : i32
      %lt3A_190 = arith.cmpi slt, %rem3A_186, %lt3A_189 : i32
      %lt3A_191 = arith.constant 0 : i32
      %lt3A_192 = arith.cmpi slt, %select_n3A_185, %lt3A_191 : i32
      %ne3A_193 = arith.xori %lt3A_190, %lt3A_192 : i1
      %and3A_194 = arith.andi %ne3A_193, %ne3A_188 : i1
      %add3A_195 = arith.addi %rem3A_186, %select_n3A_185 : i32
      %select_n3A_196 = arith.select %and3A_194, %add3A_195, %rem3A_186 : i32
      %jit3A_197 = arith.constant 4 : i32
      %eq3A_198 = arith.constant 0 : i32
      %eq3A_199 = arith.cmpi eq, %jit3A_197, %eq3A_198 : i32
      %jit3A_200 = arith.constant 1 : i32
      %select_n3A_201 = arith.select %eq3A_199, %jit3A_200, %jit3A_197 : i32
      %rem3A_202 = arith.remsi %scan3A_127, %select_n3A_201 : i32
      %ne3A_203 = arith.constant 0 : i32
      %ne3A_204 = arith.cmpi ne, %rem3A_202, %ne3A_203 : i32
      %lt3A_205 = arith.constant 0 : i32
      %lt3A_206 = arith.cmpi slt, %rem3A_202, %lt3A_205 : i32
      %lt3A_207 = arith.constant 0 : i32
      %lt3A_208 = arith.cmpi slt, %select_n3A_201, %lt3A_207 : i32
      %ne3A_209 = arith.xori %lt3A_206, %lt3A_208 : i1
      %and3A_210 = arith.andi %ne3A_209, %ne3A_204 : i1
      %add3A_211 = arith.addi %rem3A_202, %select_n3A_201 : i32
      %select_n3A_212 = arith.select %and3A_210, %add3A_211, %rem3A_202 : i32
      %dma_start3A_213 = arith.constant 1 : i32
      %dma_start3A_214 = arith.constant 0 : i32
      %dma_start3A_215 = arith.constant 0 : i32
      %dma_start3A_216 = tpu.memref_slice %arg7[%select_n3A_196, %dma_start3A_214, %dma_start3A_215] : memref<2x128x128xf32, #tpu.memory_space<vmem>> -> memref<1x128x128xf32, #tpu.memory_space<vmem>>
      %dma_start3A_217 = tpu.memref_squeeze %dma_start3A_216 : memref<1x128x128xf32, #tpu.memory_space<vmem>> -> memref<128x128xf32, #tpu.memory_space<vmem>>
      %dma_start3A_218 = arith.constant 0 : i32
      %dma_start3A_219 = tpu.memref_slice %arg6[%select_n3A_212, %dma_start3A_213, %dma_start3A_218] : memref<4x2x128xi32, #tpu.memory_space<vmem>> -> memref<1x1x128xi32, #tpu.memory_space<vmem>>
      %dma_start3A_220 = tpu.memref_squeeze %dma_start3A_219 : memref<1x1x128xi32, #tpu.memory_space<vmem>> -> memref<128xi32, #tpu.memory_space<vmem>>
      %dma_start3A_221 = arith.constant 0 : i32
      %dma_start3A_222 = arith.constant 0 : i32
      %dma_start3A_223 = tpu.memref_slice %arg5[%dma_start3A_221, %dma_start3A_222] : memref<10240x128xf32, #tpu.memory_space<vmem_shared>> -> memref<10240x128xf32, #tpu.memory_space<vmem_shared>>
      tpu.enqueue_indirect_dma source(%dma_start3A_217 : memref<128x128xf32, #tpu.memory_space<vmem>>) target(%dma_start3A_223 : memref<10240x128xf32, #tpu.memory_space<vmem_shared>>) offsets(%dma_start3A_220 : memref<128xi32, #tpu.memory_space<vmem>>) semaphore(%arg9 : memref<!tpu.dma_semaphore, #tpu.memory_space<semaphore_mem>>) {add = true}
      %scan3A_224 = arith.constant 0 : i32
      scf.yield %scan3A_224 : i32
    }
    %scan3A_112 = arith.constant 79 : i32
    %dma_wait3A_113 = arith.constant 0 : i32
    %dma_wait3A_114 = arith.constant 2 : i32
    %dma_wait3A_115 = arith.constant 1 : i32
    %dma_wait3A_116 = arith.constant 0 : i32
    %dma_wait3A_117 = arith.constant 0 : i32
    %dma_wait3A_118 = tpu.memref_slice %arg7[%dma_wait3A_113, %dma_wait3A_116, %dma_wait3A_117] : memref<2x128x128xf32, #tpu.memory_space<vmem>> -> memref<1x128x128xf32, #tpu.memory_space<vmem>>
    %dma_wait3A_119 = tpu.memref_squeeze %dma_wait3A_118 : memref<1x128x128xf32, #tpu.memory_space<vmem>> -> memref<128x128xf32, #tpu.memory_space<vmem>>
    %dma_wait3A_120 = arith.constant 0 : i32
    %dma_wait3A_121 = tpu.memref_slice %arg6[%dma_wait3A_114, %dma_wait3A_115, %dma_wait3A_120] : memref<4x2x128xi32, #tpu.memory_space<vmem>> -> memref<1x1x128xi32, #tpu.memory_space<vmem>>
    %dma_wait3A_122 = tpu.memref_squeeze %dma_wait3A_121 : memref<1x1x128xi32, #tpu.memory_space<vmem>> -> memref<128xi32, #tpu.memory_space<vmem>>
    %dma_wait3A_123 = arith.constant 0 : i32
    %dma_wait3A_124 = arith.constant 0 : i32
    %dma_wait3A_125 = tpu.memref_slice %arg5[%dma_wait3A_123, %dma_wait3A_124] : memref<10240x128xf32, #tpu.memory_space<vmem_shared>> -> memref<10240x128xf32, #tpu.memory_space<vmem_shared>>
    tpu.wait_indirect_dma semaphore(%arg9 : memref<!tpu.dma_semaphore, #tpu.memory_space<semaphore_mem>>) src(%dma_wait3A_119 : memref<128x128xf32, #tpu.memory_space<vmem>>) dst(%dma_wait3A_125 : memref<10240x128xf32, #tpu.memory_space<vmem_shared>>)
    %barrier3A_126 = arith.constant 0 : index
    tpu.barrier barrier_id(%barrier3A_126)
    "tpu.region"() ({
      %run_scoped3A_127 = tpu.sem_alloc : memref<!tpu.dma_semaphore, #tpu.memory_space<semaphore_mem>>
      %dma_start3A_128 = arith.constant 0 : i32
      %dma_start3A_129 = tpu.memref_slice %arg4[%arg0, %mul3A_8, %dma_start3A_128] : memref<2x10240x128xf32, #tpu.memory_space<hbm>> -> memref<1x640x128xf32, #tpu.memory_space<hbm>>
      %dma_start3A_130 = tpu.memref_squeeze %dma_start3A_129 : memref<1x640x128xf32, #tpu.memory_space<hbm>> -> memref<640x128xf32, #tpu.memory_space<hbm>>
      %dma_start3A_131 = arith.constant 0 : i32
      %dma_start3A_132 = tpu.memref_slice %arg5[%mul3A_8, %dma_start3A_131] : memref<10240x128xf32, #tpu.memory_space<vmem_shared>> -> memref<640x128xf32, #tpu.memory_space<vmem_shared>>
      tpu.enqueue_dma source(%dma_start3A_132 : memref<640x128xf32, #tpu.memory_space<vmem_shared>>) target(%dma_start3A_130 : memref<640x128xf32, #tpu.memory_space<hbm>>) target_semaphore(%run_scoped3A_127 : memref<!tpu.dma_semaphore, #tpu.memory_space<semaphore_mem>>)
      %dma_wait3A_133 = arith.constant 0 : i32
      %dma_wait3A_134 = tpu.memref_slice %arg4[%arg0, %mul3A_8, %dma_wait3A_133] : memref<2x10240x128xf32, #tpu.memory_space<hbm>> -> memref<1x640x128xf32, #tpu.memory_space<hbm>>
      %dma_wait3A_135 = tpu.memref_squeeze %dma_wait3A_134 : memref<1x640x128xf32, #tpu.memory_space<hbm>> -> memref<640x128xf32, #tpu.memory_space<hbm>>
      %dma_wait3A_136 = arith.constant 0 : i32
      %dma_wait3A_137 = tpu.memref_slice %arg5[%mul3A_8, %dma_wait3A_136] : memref<10240x128xf32, #tpu.memory_space<vmem_shared>> -> memref<640x128xf32, #tpu.memory_space<vmem_shared>>
      tpu.wait_dma2 semaphore(%run_scoped3A_127 : memref<!tpu.dma_semaphore, #tpu.memory_space<semaphore_mem>>) src(%dma_wait3A_137 : memref<640x128xf32, #tpu.memory_space<vmem_shared>>) dst(%dma_wait3A_135 : memref<640x128xf32, #tpu.memory_space<hbm>>)
      tpu.yield
    }) : () -> ()
    return
  }
}

module attributes {stable_mosaic.version = 14 : i64} {
  func.func @_mm_scale_body(%arg0: i32, %arg1: memref<40x1x8000xi32, #tpu.memory_space<vmem>>, %arg2: memref<1024x128xf32, #tpu.memory_space<vmem>>, %arg3: memref<128x128xf32, #tpu.memory_space<vmem>>, %arg4: memref<1024x128xf32, #tpu.memory_space<vmem>>, %arg5: memref<1024x128xf32, #tpu.memory_space<vmem>>, %arg6: memref<10240x128xf32, #tpu.memory_space<vmem>>) attributes {dimension_semantics = [#tpu.dimension_semantics<arbitrary>], iteration_bounds = array<i64: 10>, scalar_prefetch = 0 : i64, scratch_operands = 1 : i64, tpu.core_type = #tpu.core_type<tc>, window_params = [{pipeline_mode = #tpu.pipeline_mode<synchronous>, transform_indices = @transform_0, window_bounds = array<i64: 40, 1, 8000>}, {transform_indices = @transform_1, window_bounds = array<i64: 1024, 128>}, {pipeline_mode = #tpu.pipeline_mode<synchronous>, transform_indices = @transform_2, window_bounds = array<i64: 128, 128>}, {transform_indices = @transform_3, window_bounds = array<i64: 1024, 128>}, {transform_indices = @transform_4, window_bounds = array<i64: 1024, 128>}]} {
    %eq3A = arith.constant 0 : i32
    %eq3A_0 = arith.cmpi eq, %arg0, %eq3A : i32
    %convert_element_type3A = arith.extui %eq3A_0 : i1 to i32
    %cond3A = arith.constant 0 : i32
    %cond3A_1 = arith.cmpi ne, %convert_element_type3A, %cond3A : i32
    scf.if %cond3A_1 {
      %broadcast_in_dim3A_25 = arith.constant 0.000000e+00 : f32
      %broadcast_in_dim3A_26 = vector.broadcast %broadcast_in_dim3A_25 : f32 to vector<80x128xf32>
      %scan3A = arith.constant 0 : i32
      %scan3A_27 = arith.constant 40 : i32
      %scan3A_28 = arith.addi %scan3A, %scan3A_27 : i32
      %scan3A_29 = arith.constant 1 : i32
      %scan3A_30 = scf.for %scan3A_51 = %scan3A to %scan3A_28 step %scan3A_29 iter_args(%scan3A_52 = %broadcast_in_dim3A_26) -> (vector<80x128xf32>)  : i32 {
        %get3A_53 = arith.index_cast %scan3A_51 : i32 to index
        %get3A_54 = arith.constant 0 : index
        %get3A_55 = arith.constant 0 : index
        %get3A_56 = vector.load %arg1[%get3A_53, %get3A_54, %get3A_55] : memref<40x1x8000xi32, #tpu.memory_space<vmem>>, vector<1x1x8000xi32>
        %get3A_57 = vector.shape_cast %get3A_56 : vector<1x1x8000xi32> to vector<1x8000xi32>
        %shift_right_arithmetic3A = arith.constant 7 : i32
        %shift_right_arithmetic3A_58 = vector.broadcast %shift_right_arithmetic3A : i32 to vector<1x8000xi32>
        %shift_right_arithmetic3A_59 = arith.shrsi %get3A_57, %shift_right_arithmetic3A_58 : vector<1x8000xi32>
        %and3A = arith.constant 127 : i32
        %and3A_60 = vector.broadcast %and3A : i32 to vector<1x8000xi32>
        %and3A_61 = arith.andi %get3A_57, %and3A_60 : vector<1x8000xi32>
        %iota3A_62 = tpu.iota {dimensions = array<i32: 0>} : vector<80x8000xi32>
        %eq3A_63 = vector.broadcast %shift_right_arithmetic3A_59 : vector<1x8000xi32> to vector<80x8000xi32>
        %eq3A_64 = arith.cmpi eq, %eq3A_63, %iota3A_62 : vector<80x8000xi32>
        %convert_element_type3A_65 = arith.extui %eq3A_64 : vector<80x8000xi1> to vector<80x8000xi32>
        %convert_element_type3A_66 = arith.sitofp %convert_element_type3A_65 : vector<80x8000xi32> to vector<80x8000xf32>
        %convert_element_type3A_67 = arith.truncf %convert_element_type3A_66 : vector<80x8000xf32> to vector<80x8000xbf16>
        %iota3A_68 = tpu.iota {dimensions = array<i32: 0>} : vector<128x8000xi32>
        %eq3A_69 = vector.broadcast %and3A_61 : vector<1x8000xi32> to vector<128x8000xi32>
        %eq3A_70 = arith.cmpi eq, %eq3A_69, %iota3A_68 : vector<128x8000xi32>
        %convert_element_type3A_71 = arith.extui %eq3A_70 : vector<128x8000xi1> to vector<128x8000xi32>
        %convert_element_type3A_72 = arith.sitofp %convert_element_type3A_71 : vector<128x8000xi32> to vector<128x8000xf32>
        %convert_element_type3A_73 = arith.truncf %convert_element_type3A_72 : vector<128x8000xf32> to vector<128x8000xbf16>
        %dot_general3A_74 = arith.constant dense<0.000000e+00> : vector<80x128xf32>
        %dot_general3A_75 = tpu.matmul %convert_element_type3A_67, %convert_element_type3A_73, %dot_general3A_74 {dimension_numbers = #tpu.dot_dimension_numbers<[1], [1], [0], [0], [0, 0, 1, 0], [], []>, transpose_lhs_hint = false} : vector<80x8000xbf16>, vector<128x8000xbf16>, vector<80x128xf32> -> vector<80x128xf32>
        %add3A_76 = arith.addf %scan3A_52, %dot_general3A_75 : vector<80x128xf32>
        scf.yield %add3A_76 : vector<80x128xf32>
      }
      %scan3A_31 = arith.constant 40 : i32
      %add3A_32 = arith.constant 1.000000e+00 : f32
      %add3A_33 = vector.broadcast %add3A_32 : f32 to vector<80x128xf32>
      %add3A_34 = arith.addf %scan3A_30, %add3A_33 : vector<80x128xf32>
      %rsqrt3A = math.rsqrt %add3A_34 : vector<80x128xf32>
      %mul3A_35 = arith.constant 5.000000e-01 : f32
      %mul3A_36 = vector.broadcast %mul3A_35 : f32 to vector<80x128xf32>
      %mul3A_37 = arith.mulf %mul3A_36, %add3A_34 : vector<80x128xf32>
      %mul3A_38 = arith.mulf %mul3A_37, %rsqrt3A : vector<80x128xf32>
      %mul3A_39 = arith.mulf %mul3A_38, %rsqrt3A : vector<80x128xf32>
      %sub3A = arith.constant 1.500000e+00 : f32
      %sub3A_40 = vector.broadcast %sub3A : f32 to vector<80x128xf32>
      %sub3A_41 = arith.subf %sub3A_40, %mul3A_39 : vector<80x128xf32>
      %mul3A_42 = arith.mulf %rsqrt3A, %sub3A_41 : vector<80x128xf32>
      %broadcast_in_dim3A_43 = arith.constant 1.000000e+00 : f32
      %broadcast_in_dim3A_44 = vector.broadcast %broadcast_in_dim3A_43 : f32 to vector<80x1x128xf32>
      %reshape3A = vector.shape_cast %mul3A_42 : vector<80x128xf32> to vector<80x1x128xf32>
      %dot_general3A_45 = arith.constant dense<0.000000e+00> : vector<80x128x128xf32>
      %dot_general3A_46 = tpu.matmul %reshape3A, %broadcast_in_dim3A_44, %dot_general3A_45 {dimension_numbers = #tpu.dot_dimension_numbers<[1], [1], [2], [2], [0, 0, 0, 2, 1, 2], [0], [0]>, precision = #tpu.contract_precision<fp32>, transpose_lhs_hint = false} : vector<80x1x128xf32>, vector<80x1x128xf32>, vector<80x128x128xf32> -> vector<80x128x128xf32>
      %reshape3A_47 = vector.shape_cast %dot_general3A_46 : vector<80x128x128xf32> to vector<10240x128xf32>
      %swap3A_48 = arith.constant 0 : index
      %swap3A_49 = arith.constant 0 : index
      %swap3A_50 = vector.load %arg6[%swap3A_48, %swap3A_49] : memref<10240x128xf32, #tpu.memory_space<vmem>>, vector<10240x128xf32>
      tpu.vector_store %arg6[%swap3A_48, %swap3A_49], %reshape3A_47 {strides = array<i32>} : memref<10240x128xf32, #tpu.memory_space<vmem>>, vector<10240x128xf32>,
    } else {
    }
    %mul3A = arith.constant 1024 : i32
    %mul3A_2 = arith.muli %arg0, %mul3A : i32
    %get3A = arith.index_cast %mul3A_2 : i32 to index
    %get3A_3 = arith.constant 0 : index
    %get3A_4 = vector.load %arg6[%get3A, %get3A_3] : memref<10240x128xf32, #tpu.memory_space<vmem>>, vector<1024x128xf32>
    %swap3A = arith.constant 0 : index
    %swap3A_5 = arith.constant 0 : index
    %swap3A_6 = vector.load %arg5[%swap3A, %swap3A_5] : memref<1024x128xf32, #tpu.memory_space<vmem>>, vector<1024x128xf32>
    tpu.vector_store %arg5[%swap3A, %swap3A_5], %get3A_4 {strides = array<i32>} : memref<1024x128xf32, #tpu.memory_space<vmem>>, vector<1024x128xf32>,
    %get3A_7 = arith.constant 0 : index
    %get3A_8 = arith.constant 0 : index
    %get3A_9 = vector.load %arg2[%get3A_7, %get3A_8] : memref<1024x128xf32, #tpu.memory_space<vmem>>, vector<1024x128xf32>
    %get3A_10 = arith.constant 0 : index
    %get3A_11 = arith.constant 0 : index
    %get3A_12 = vector.load %arg3[%get3A_10, %get3A_11] : memref<128x128xf32, #tpu.memory_space<vmem>>, vector<128x128xf32>
    %dot_general3A = arith.constant dense<0.000000e+00> : vector<1024x128xf32>
    %dot_general3A_13 = tpu.matmul %get3A_9, %get3A_12, %dot_general3A {dimension_numbers = #tpu.dot_dimension_numbers<[1], [0], [0], [1], [0, 0, 1, 1], [], []>, transpose_lhs_hint = false} : vector<1024x128xf32>, vector<128x128xf32>, vector<1024x128xf32> -> vector<1024x128xf32>
    %iota3A = tpu.iota {dimensions = array<i32: 0>} : vector<1024x1xi32>
    %mul3A_14 = arith.constant 1024 : i32
    %mul3A_15 = arith.muli %arg0, %mul3A_14 : i32
    %add3A = vector.broadcast %mul3A_15 : i32 to vector<1024x1xi32>
    %add3A_16 = arith.addi %iota3A, %add3A : vector<1024x1xi32>
    %lt3A = arith.constant 10000 : i32
    %lt3A_17 = vector.broadcast %lt3A : i32 to vector<1024x1xi32>
    %lt3A_18 = arith.cmpi slt, %add3A_16, %lt3A_17 : vector<1024x1xi32>
    %mul3A_19 = arith.mulf %dot_general3A_13, %get3A_4 : vector<1024x128xf32>
    %jit3A = arith.constant 0.000000e+00 : f32
    %broadcast_in_dim3A = vector.shape_cast %lt3A_18 : vector<1024x1xi1> to vector<1024x1xi1>
    %broadcast_in_dim3A_20 = vector.broadcast %broadcast_in_dim3A : vector<1024x1xi1> to vector<1024x128xi1>
    %broadcast_in_dim3A_21 = vector.broadcast %jit3A : f32 to vector<1024x128xf32>
    %select_n3A = arith.select %broadcast_in_dim3A_20, %mul3A_19, %broadcast_in_dim3A_21 : vector<1024x128xi1>, vector<1024x128xf32>
    %swap3A_22 = arith.constant 0 : index
    %swap3A_23 = arith.constant 0 : index
    %swap3A_24 = vector.load %arg4[%swap3A_22, %swap3A_23] : memref<1024x128xf32, #tpu.memory_space<vmem>>, vector<1024x128xf32>
    tpu.vector_store %arg4[%swap3A_22, %swap3A_23], %select_n3A {strides = array<i32>} : memref<1024x128xf32, #tpu.memory_space<vmem>>, vector<1024x128xf32>,
    return
  }
  func.func @transform_0(%arg0: i32) -> (i32, i32, i32) {
    %c0_i32 = arith.constant 0 : i32
    %c0_i32_0 = arith.constant 0 : i32
    %c0_i32_1 = arith.constant 0 : i32
    %c0_i32_2 = arith.constant 0 : i32
    return %c0_i32, %c0_i32_0, %c0_i32_1 : i32, i32, i32
  }
  func.func @transform_1(%arg0: i32) -> (i32, i32) {
    %c0_i32 = arith.constant 0 : i32
    %c0_i32_0 = arith.constant 0 : i32
    return %arg0, %c0_i32 : i32, i32
  }
  func.func @transform_2(%arg0: i32) -> (i32, i32) {
    %c0_i32 = arith.constant 0 : i32
    %c0_i32_0 = arith.constant 0 : i32
    %c0_i32_1 = arith.constant 0 : i32
    return %c0_i32, %c0_i32_0 : i32, i32
  }
  func.func @transform_3(%arg0: i32) -> (i32, i32) {
    %c0_i32 = arith.constant 0 : i32
    %c0_i32_0 = arith.constant 0 : i32
    return %arg0, %c0_i32 : i32, i32
  }
  func.func @transform_4(%arg0: i32) -> (i32, i32) {
    %c0_i32 = arith.constant 0 : i32
    %c0_i32_0 = arith.constant 0 : i32
    return %arg0, %c0_i32 : i32, i32
  }
}

module attributes {stable_mosaic.version = 14 : i64} {
  func.func @_post_mm_body(%arg0: i32, %arg1: memref<2x1024x128xf32, #tpu.memory_space<vmem>>, %arg2: memref<1024x128xf32, #tpu.memory_space<vmem>>, %arg3: memref<1024x128xf32, #tpu.memory_space<vmem>>, %arg4: memref<1x128xf32, #tpu.memory_space<vmem>>, %arg5: memref<1x128xf32, #tpu.memory_space<vmem>>, %arg6: memref<1x128xf32, #tpu.memory_space<vmem>>, %arg7: memref<128x128xf32, #tpu.memory_space<vmem>>, %arg8: memref<1024x128xf32, #tpu.memory_space<vmem>>) attributes {dimension_semantics = [#tpu.dimension_semantics<arbitrary>], iteration_bounds = array<i64: 10>, scalar_prefetch = 0 : i64, scratch_operands = 0 : i64, tpu.core_type = #tpu.core_type<tc>, window_params = [{transform_indices = @transform_0, window_bounds = array<i64: 2, 1024, 128>}, {transform_indices = @transform_1, window_bounds = array<i64: 1024, 128>}, {transform_indices = @transform_2, window_bounds = array<i64: 1024, 128>}, {pipeline_mode = #tpu.pipeline_mode<synchronous>, transform_indices = @transform_3, window_bounds = array<i64: 1, 128>}, {pipeline_mode = #tpu.pipeline_mode<synchronous>, transform_indices = @transform_4, window_bounds = array<i64: 1, 128>}, {pipeline_mode = #tpu.pipeline_mode<synchronous>, transform_indices = @transform_5, window_bounds = array<i64: 1, 128>}, {pipeline_mode = #tpu.pipeline_mode<synchronous>, transform_indices = @transform_6, window_bounds = array<i64: 128, 128>}, {transform_indices = @transform_7, window_bounds = array<i64: 1024, 128>}]} {
    %get3A = arith.constant 0 : index
    %get3A_0 = arith.constant 0 : index
    %get3A_1 = vector.load %arg3[%get3A, %get3A_0] : memref<1024x128xf32, #tpu.memory_space<vmem>>, vector<1024x128xf32>
    %get3A_2 = arith.constant 0 : index
    %get3A_3 = arith.constant 0 : index
    %get3A_4 = arith.constant 0 : index
    %get3A_5 = vector.load %arg1[%get3A_2, %get3A_3, %get3A_4] : memref<2x1024x128xf32, #tpu.memory_space<vmem>>, vector<1x1024x128xf32>
    %get3A_6 = vector.shape_cast %get3A_5 : vector<1x1024x128xf32> to vector<1024x128xf32>
    %get3A_7 = arith.constant 1 : index
    %get3A_8 = arith.constant 0 : index
    %get3A_9 = arith.constant 0 : index
    %get3A_10 = vector.load %arg1[%get3A_7, %get3A_8, %get3A_9] : memref<2x1024x128xf32, #tpu.memory_space<vmem>>, vector<1x1024x128xf32>
    %get3A_11 = vector.shape_cast %get3A_10 : vector<1x1024x128xf32> to vector<1024x128xf32>
    %add3A = arith.addf %get3A_6, %get3A_11 : vector<1024x128xf32>
    %get3A_12 = arith.constant 0 : index
    %get3A_13 = arith.constant 0 : index
    %get3A_14 = vector.load %arg2[%get3A_12, %get3A_13] : memref<1024x128xf32, #tpu.memory_space<vmem>>, vector<1024x128xf32>
    %add3A_15 = arith.addf %add3A, %get3A_14 : vector<1024x128xf32>
    %mul3A = arith.mulf %get3A_1, %add3A_15 : vector<1024x128xf32>
    %get3A_16 = arith.constant 0 : index
    %get3A_17 = arith.constant 0 : index
    %get3A_18 = vector.load %arg4[%get3A_16, %get3A_17] : memref<1x128xf32, #tpu.memory_space<vmem>>, vector<1x128xf32>
    %add3A_19 = vector.broadcast %get3A_18 : vector<1x128xf32> to vector<1024x128xf32>
    %add3A_20 = arith.addf %mul3A, %add3A_19 : vector<1024x128xf32>
    %get3A_21 = arith.constant 0 : index
    %get3A_22 = arith.constant 0 : index
    %get3A_23 = vector.load %arg5[%get3A_21, %get3A_22] : memref<1x128xf32, #tpu.memory_space<vmem>>, vector<1x128xf32>
    %mul3A_24 = arith.constant 0.999994993 : f32
    %mul3A_25 = vector.broadcast %mul3A_24 : f32 to vector<1x128xf32>
    %mul3A_26 = arith.mulf %get3A_23, %mul3A_25 : vector<1x128xf32>
    %mul3A_27 = vector.broadcast %mul3A_26 : vector<1x128xf32> to vector<1024x128xf32>
    %mul3A_28 = arith.mulf %add3A_20, %mul3A_27 : vector<1024x128xf32>
    %get3A_29 = arith.constant 0 : index
    %get3A_30 = arith.constant 0 : index
    %get3A_31 = vector.load %arg6[%get3A_29, %get3A_30] : memref<1x128xf32, #tpu.memory_space<vmem>>, vector<1x128xf32>
    %add3A_32 = vector.broadcast %get3A_31 : vector<1x128xf32> to vector<1024x128xf32>
    %add3A_33 = arith.addf %mul3A_28, %add3A_32 : vector<1024x128xf32>
    %max3A = arith.constant 0.000000e+00 : f32
    %max3A_34 = vector.broadcast %max3A : f32 to vector<1024x128xf32>
    %max3A_35 = arith.maximumf %add3A_33, %max3A_34 : vector<1024x128xf32>
    %get3A_36 = arith.constant 0 : index
    %get3A_37 = arith.constant 0 : index
    %get3A_38 = vector.load %arg7[%get3A_36, %get3A_37] : memref<128x128xf32, #tpu.memory_space<vmem>>, vector<128x128xf32>
    %dot_general3A = arith.constant dense<0.000000e+00> : vector<1024x128xf32>
    %dot_general3A_39 = tpu.matmul %max3A_35, %get3A_38, %dot_general3A {dimension_numbers = #tpu.dot_dimension_numbers<[1], [0], [0], [1], [0, 0, 1, 1], [], []>, transpose_lhs_hint = false} : vector<1024x128xf32>, vector<128x128xf32>, vector<1024x128xf32> -> vector<1024x128xf32>
    %mul3A_40 = arith.mulf %dot_general3A_39, %get3A_1 : vector<1024x128xf32>
    %iota3A = tpu.iota {dimensions = array<i32: 0>} : vector<1024x1xi32>
    %mul3A_41 = arith.constant 1024 : i32
    %mul3A_42 = arith.muli %arg0, %mul3A_41 : i32
    %add3A_43 = vector.broadcast %mul3A_42 : i32 to vector<1024x1xi32>
    %add3A_44 = arith.addi %iota3A, %add3A_43 : vector<1024x1xi32>
    %lt3A = arith.constant 10000 : i32
    %lt3A_45 = vector.broadcast %lt3A : i32 to vector<1024x1xi32>
    %lt3A_46 = arith.cmpi slt, %add3A_44, %lt3A_45 : vector<1024x1xi32>
    %jit3A = arith.constant 0.000000e+00 : f32
    %broadcast_in_dim3A = vector.shape_cast %lt3A_46 : vector<1024x1xi1> to vector<1024x1xi1>
    %broadcast_in_dim3A_47 = vector.broadcast %broadcast_in_dim3A : vector<1024x1xi1> to vector<1024x128xi1>
    %broadcast_in_dim3A_48 = vector.broadcast %jit3A : f32 to vector<1024x128xf32>
    %select_n3A = arith.select %broadcast_in_dim3A_47, %mul3A_40, %broadcast_in_dim3A_48 : vector<1024x128xi1>, vector<1024x128xf32>
    %swap3A = arith.constant 0 : index
    %swap3A_49 = arith.constant 0 : index
    %swap3A_50 = vector.load %arg8[%swap3A, %swap3A_49] : memref<1024x128xf32, #tpu.memory_space<vmem>>, vector<1024x128xf32>
    tpu.vector_store %arg8[%swap3A, %swap3A_49], %select_n3A {strides = array<i32>} : memref<1024x128xf32, #tpu.memory_space<vmem>>, vector<1024x128xf32>,
    return
  }
  func.func @transform_0(%arg0: i32) -> (i32, i32, i32) {
    %c0_i32 = arith.constant 0 : i32
    %c0_i32_0 = arith.constant 0 : i32
    %c0_i32_1 = arith.constant 0 : i32
    return %c0_i32, %arg0, %c0_i32_0 : i32, i32, i32
  }
  func.func @transform_1(%arg0: i32) -> (i32, i32) {
    %c0_i32 = arith.constant 0 : i32
    %c0_i32_0 = arith.constant 0 : i32
    return %arg0, %c0_i32 : i32, i32
  }
  func.func @transform_2(%arg0: i32) -> (i32, i32) {
    %c0_i32 = arith.constant 0 : i32
    %c0_i32_0 = arith.constant 0 : i32
    return %arg0, %c0_i32 : i32, i32
  }
  func.func @transform_3(%arg0: i32) -> (i32, i32) {
    %c0_i32 = arith.constant 0 : i32
    %c0_i32_0 = arith.constant 0 : i32
    %c0_i32_1 = arith.constant 0 : i32
    return %c0_i32, %c0_i32_0 : i32, i32
  }
  func.func @transform_4(%arg0: i32) -> (i32, i32) {
    %c0_i32 = arith.constant 0 : i32
    %c0_i32_0 = arith.constant 0 : i32
    %c0_i32_1 = arith.constant 0 : i32
    return %c0_i32, %c0_i32_0 : i32, i32
  }
  func.func @transform_5(%arg0: i32) -> (i32, i32) {
    %c0_i32 = arith.constant 0 : i32
    %c0_i32_0 = arith.constant 0 : i32
    %c0_i32_1 = arith.constant 0 : i32
    return %c0_i32, %c0_i32_0 : i32, i32
  }
  func.func @transform_6(%arg0: i32) -> (i32, i32) {
    %c0_i32 = arith.constant 0 : i32
    %c0_i32_0 = arith.constant 0 : i32
    %c0_i32_1 = arith.constant 0 : i32
    return %c0_i32, %c0_i32_0 : i32, i32
  }
  func.func @transform_7(%arg0: i32) -> (i32, i32) {
    %c0_i32 = arith.constant 0 : i32
    %c0_i32_0 = arith.constant 0 : i32
    return %arg0, %c0_i32 : i32, i32
  }
}

module attributes {stable_mosaic.version = 14 : i64} {
  func.func @_post_pool_body(%arg0: i32, %arg1: memref<2x1024x128xf32, #tpu.memory_space<vmem>>, %arg2: memref<1024x128xf32, #tpu.memory_space<vmem>>, %arg3: memref<1024x128xf32, #tpu.memory_space<vmem>>, %arg4: memref<1x128xf32, #tpu.memory_space<vmem>>, %arg5: memref<1x128xf32, #tpu.memory_space<vmem>>, %arg6: memref<1x128xf32, #tpu.memory_space<vmem>>, %arg7: memref<1x1x1024xi32, #tpu.memory_space<vmem>>, %arg8: memref<128x128xf32, #tpu.memory_space<vmem>>, %arg9: memref<1x128xf32, #tpu.memory_space<vmem>>, %arg10: memref<128x128xf32, #tpu.memory_space<vmem>>, %arg11: memref<1x128xf32, #tpu.memory_space<vmem>>, %arg12: memref<128x128xf32, #tpu.memory_space<vmem>>, %arg13: memref<1x128xf32, #tpu.memory_space<vmem>>, %arg14: memref<128x128xf32, #tpu.memory_space<vmem>>, %arg15: memref<1x128xf32, #tpu.memory_space<vmem>>, %arg16: memref<64x128xf32, #tpu.memory_space<vmem>>, %arg17: memref<64x128xf32, #tpu.memory_space<vmem>>, %arg18: memref<64x128xf32, #tpu.memory_space<vmem>>) attributes {dimension_semantics = [#tpu.dimension_semantics<arbitrary>], iteration_bounds = array<i64: 10>, scalar_prefetch = 0 : i64, scratch_operands = 0 : i64, tpu.core_type = #tpu.core_type<tc>, window_params = [{transform_indices = @transform_0, window_bounds = array<i64: 2, 1024, 128>}, {transform_indices = @transform_1, window_bounds = array<i64: 1024, 128>}, {transform_indices = @transform_2, window_bounds = array<i64: 1024, 128>}, {pipeline_mode = #tpu.pipeline_mode<synchronous>, transform_indices = @transform_3, window_bounds = array<i64: 1, 128>}, {pipeline_mode = #tpu.pipeline_mode<synchronous>, transform_indices = @transform_4, window_bounds = array<i64: 1, 128>}, {pipeline_mode = #tpu.pipeline_mode<synchronous>, transform_indices = @transform_5, window_bounds = array<i64: 1, 128>}, {transform_indices = @transform_6, window_bounds = array<i64: 1, 1, 1024>}, {pipeline_mode = #tpu.pipeline_mode<synchronous>, transform_indices = @transform_7, window_bounds = array<i64: 128, 128>}, {pipeline_mode = #tpu.pipeline_mode<synchronous>, transform_indices = @transform_8, window_bounds = array<i64: 1, 128>}, {pipeline_mode = #tpu.pipeline_mode<synchronous>, transform_indices = @transform_9, window_bounds = array<i64: 128, 128>}, {pipeline_mode = #tpu.pipeline_mode<synchronous>, transform_indices = @transform_10, window_bounds = array<i64: 1, 128>}, {pipeline_mode = #tpu.pipeline_mode<synchronous>, transform_indices = @transform_11, window_bounds = array<i64: 128, 128>}, {pipeline_mode = #tpu.pipeline_mode<synchronous>, transform_indices = @transform_12, window_bounds = array<i64: 1, 128>}, {pipeline_mode = #tpu.pipeline_mode<synchronous>, transform_indices = @transform_13, window_bounds = array<i64: 128, 128>}, {pipeline_mode = #tpu.pipeline_mode<synchronous>, transform_indices = @transform_14, window_bounds = array<i64: 1, 128>}, {pipeline_mode = #tpu.pipeline_mode<synchronous>, transform_indices = @transform_15, window_bounds = array<i64: 64, 128>}, {pipeline_mode = #tpu.pipeline_mode<synchronous>, transform_indices = @transform_16, window_bounds = array<i64: 64, 128>}, {pipeline_mode = #tpu.pipeline_mode<synchronous>, transform_indices = @transform_17, window_bounds = array<i64: 64, 128>}]} {
    %get3A = arith.constant 0 : index
    %get3A_0 = arith.constant 0 : index
    %get3A_1 = vector.load %arg3[%get3A, %get3A_0] : memref<1024x128xf32, #tpu.memory_space<vmem>>, vector<1024x128xf32>
    %get3A_2 = arith.constant 0 : index
    %get3A_3 = arith.constant 0 : index
    %get3A_4 = arith.constant 0 : index
    %get3A_5 = vector.load %arg1[%get3A_2, %get3A_3, %get3A_4] : memref<2x1024x128xf32, #tpu.memory_space<vmem>>, vector<1x1024x128xf32>
    %get3A_6 = vector.shape_cast %get3A_5 : vector<1x1024x128xf32> to vector<1024x128xf32>
    %get3A_7 = arith.constant 1 : index
    %get3A_8 = arith.constant 0 : index
    %get3A_9 = arith.constant 0 : index
    %get3A_10 = vector.load %arg1[%get3A_7, %get3A_8, %get3A_9] : memref<2x1024x128xf32, #tpu.memory_space<vmem>>, vector<1x1024x128xf32>
    %get3A_11 = vector.shape_cast %get3A_10 : vector<1x1024x128xf32> to vector<1024x128xf32>
    %add3A = arith.addf %get3A_6, %get3A_11 : vector<1024x128xf32>
    %get3A_12 = arith.constant 0 : index
    %get3A_13 = arith.constant 0 : index
    %get3A_14 = vector.load %arg2[%get3A_12, %get3A_13] : memref<1024x128xf32, #tpu.memory_space<vmem>>, vector<1024x128xf32>
    %add3A_15 = arith.addf %add3A, %get3A_14 : vector<1024x128xf32>
    %mul3A = arith.mulf %get3A_1, %add3A_15 : vector<1024x128xf32>
    %get3A_16 = arith.constant 0 : index
    %get3A_17 = arith.constant 0 : index
    %get3A_18 = vector.load %arg4[%get3A_16, %get3A_17] : memref<1x128xf32, #tpu.memory_space<vmem>>, vector<1x128xf32>
    %add3A_19 = vector.broadcast %get3A_18 : vector<1x128xf32> to vector<1024x128xf32>
    %add3A_20 = arith.addf %mul3A, %add3A_19 : vector<1024x128xf32>
    %get3A_21 = arith.constant 0 : index
    %get3A_22 = arith.constant 0 : index
    %get3A_23 = vector.load %arg5[%get3A_21, %get3A_22] : memref<1x128xf32, #tpu.memory_space<vmem>>, vector<1x128xf32>
    %mul3A_24 = arith.constant 0.999994993 : f32
    %mul3A_25 = vector.broadcast %mul3A_24 : f32 to vector<1x128xf32>
    %mul3A_26 = arith.mulf %get3A_23, %mul3A_25 : vector<1x128xf32>
    %mul3A_27 = vector.broadcast %mul3A_26 : vector<1x128xf32> to vector<1024x128xf32>
    %mul3A_28 = arith.mulf %add3A_20, %mul3A_27 : vector<1024x128xf32>
    %get3A_29 = arith.constant 0 : index
    %get3A_30 = arith.constant 0 : index
    %get3A_31 = vector.load %arg6[%get3A_29, %get3A_30] : memref<1x128xf32, #tpu.memory_space<vmem>>, vector<1x128xf32>
    %add3A_32 = vector.broadcast %get3A_31 : vector<1x128xf32> to vector<1024x128xf32>
    %add3A_33 = arith.addf %mul3A_28, %add3A_32 : vector<1024x128xf32>
    %max3A = arith.constant 0.000000e+00 : f32
    %max3A_34 = vector.broadcast %max3A : f32 to vector<1024x128xf32>
    %max3A_35 = arith.maximumf %add3A_33, %max3A_34 : vector<1024x128xf32>
    %get3A_36 = arith.constant 0 : index
    %get3A_37 = arith.constant 0 : index
    %get3A_38 = arith.constant 0 : index
    %get3A_39 = vector.load %arg7[%get3A_36, %get3A_37, %get3A_38] : memref<1x1x1024xi32, #tpu.memory_space<vmem>>, vector<1x1x1024xi32>
    %get3A_40 = vector.shape_cast %get3A_39 : vector<1x1x1024xi32> to vector<1x1024xi32>
    %iota3A = tpu.iota {dimensions = array<i32: 0>} : vector<64x1024xi32>
    %eq3A = vector.broadcast %get3A_40 : vector<1x1024xi32> to vector<64x1024xi32>
    %eq3A_41 = arith.cmpi eq, %eq3A, %iota3A : vector<64x1024xi32>
    %convert_element_type3A = arith.extui %eq3A_41 : vector<64x1024xi1> to vector<64x1024xi32>
    %convert_element_type3A_42 = arith.sitofp %convert_element_type3A : vector<64x1024xi32> to vector<64x1024xf32>
    %dot_general3A = arith.constant dense<0.000000e+00> : vector<64x128xf32>
    %dot_general3A_43 = tpu.matmul %convert_element_type3A_42, %max3A_35, %dot_general3A {dimension_numbers = #tpu.dot_dimension_numbers<[1], [0], [0], [1], [0, 0, 1, 1], [], []>, transpose_lhs_hint = false} : vector<64x1024xf32>, vector<1024x128xf32>, vector<64x128xf32> -> vector<64x128xf32>
    %broadcast_in_dim3A = arith.constant 1.000000e+00 : f32
    %broadcast_in_dim3A_44 = vector.broadcast %broadcast_in_dim3A : f32 to vector<1024x128xf32>
    %dot_general3A_45 = arith.constant dense<0.000000e+00> : vector<64x128xf32>
    %dot_general3A_46 = tpu.matmul %convert_element_type3A_42, %broadcast_in_dim3A_44, %dot_general3A_45 {dimension_numbers = #tpu.dot_dimension_numbers<[1], [0], [0], [1], [0, 0, 1, 1], [], []>, transpose_lhs_hint = false} : vector<64x1024xf32>, vector<1024x128xf32>, vector<64x128xf32> -> vector<64x128xf32>
    %eq3A_47 = arith.constant 0 : i32
    %eq3A_48 = arith.cmpi eq, %arg0, %eq3A_47 : i32
    %convert_element_type3A_49 = arith.extui %eq3A_48 : i1 to i32
    %cond3A = arith.constant 0 : i32
    %cond3A_50 = arith.cmpi ne, %convert_element_type3A_49, %cond3A : i32
    scf.if %cond3A_50 {
      %broadcast_in_dim3A_69 = arith.constant 0.000000e+00 : f32
      %broadcast_in_dim3A_70 = vector.broadcast %broadcast_in_dim3A_69 : f32 to vector<64x128xf32>
      %swap3A_71 = arith.constant 0 : index
      %swap3A_72 = arith.constant 0 : index
      %swap3A_73 = vector.load %arg17[%swap3A_71, %swap3A_72] : memref<64x128xf32, #tpu.memory_space<vmem>>, vector<64x128xf32>
      tpu.vector_store %arg17[%swap3A_71, %swap3A_72], %broadcast_in_dim3A_70 {strides = array<i32>} : memref<64x128xf32, #tpu.memory_space<vmem>>, vector<64x128xf32>,
      %broadcast_in_dim3A_74 = arith.constant 0.000000e+00 : f32
      %broadcast_in_dim3A_75 = vector.broadcast %broadcast_in_dim3A_74 : f32 to vector<64x128xf32>
      %swap3A_76 = arith.constant 0 : index
      %swap3A_77 = arith.constant 0 : index
      %swap3A_78 = vector.load %arg18[%swap3A_76, %swap3A_77] : memref<64x128xf32, #tpu.memory_space<vmem>>, vector<64x128xf32>
      tpu.vector_store %arg18[%swap3A_76, %swap3A_77], %broadcast_in_dim3A_75 {strides = array<i32>} : memref<64x128xf32, #tpu.memory_space<vmem>>, vector<64x128xf32>,
    } else {
    }
    %get3A_51 = arith.constant 0 : index
    %get3A_52 = arith.constant 0 : index
    %get3A_53 = vector.load %arg17[%get3A_51, %get3A_52] : memref<64x128xf32, #tpu.memory_space<vmem>>, vector<64x128xf32>
    %add3A_54 = arith.addf %get3A_53, %dot_general3A_43 : vector<64x128xf32>
    %swap3A = arith.constant 0 : index
    %swap3A_55 = arith.constant 0 : index
    %swap3A_56 = vector.load %arg17[%swap3A, %swap3A_55] : memref<64x128xf32, #tpu.memory_space<vmem>>, vector<64x128xf32>
    tpu.vector_store %arg17[%swap3A, %swap3A_55], %add3A_54 {strides = array<i32>} : memref<64x128xf32, #tpu.memory_space<vmem>>, vector<64x128xf32>,
    %get3A_57 = arith.constant 0 : index
    %get3A_58 = arith.constant 0 : index
    %get3A_59 = vector.load %arg18[%get3A_57, %get3A_58] : memref<64x128xf32, #tpu.memory_space<vmem>>, vector<64x128xf32>
    %add3A_60 = arith.addf %get3A_59, %dot_general3A_46 : vector<64x128xf32>
    %swap3A_61 = arith.constant 0 : index
    %swap3A_62 = arith.constant 0 : index
    %swap3A_63 = vector.load %arg18[%swap3A_61, %swap3A_62] : memref<64x128xf32, #tpu.memory_space<vmem>>, vector<64x128xf32>
    tpu.vector_store %arg18[%swap3A_61, %swap3A_62], %add3A_60 {strides = array<i32>} : memref<64x128xf32, #tpu.memory_space<vmem>>, vector<64x128xf32>,
    %eq3A_64 = arith.constant 9 : i32
    %eq3A_65 = arith.cmpi eq, %arg0, %eq3A_64 : i32
    %convert_element_type3A_66 = arith.extui %eq3A_65 : i1 to i32
    %cond3A_67 = arith.constant 0 : i32
    %cond3A_68 = arith.cmpi ne, %convert_element_type3A_66, %cond3A_67 : i32
    scf.if %cond3A_68 {
      %get3A_69 = arith.constant 0 : index
      %get3A_70 = arith.constant 0 : index
      %get3A_71 = vector.load %arg17[%get3A_69, %get3A_70] : memref<64x128xf32, #tpu.memory_space<vmem>>, vector<64x128xf32>
      %get3A_72 = arith.constant 0 : index
      %get3A_73 = arith.constant 0 : index
      %get3A_74 = vector.load %arg18[%get3A_72, %get3A_73] : memref<64x128xf32, #tpu.memory_space<vmem>>, vector<64x128xf32>
      %max3A_75 = arith.constant 1.000000e+00 : f32
      %max3A_76 = vector.broadcast %max3A_75 : f32 to vector<64x128xf32>
      %max3A_77 = arith.maximumf %get3A_74, %max3A_76 : vector<64x128xf32>
      %div3A = arith.divf %get3A_71, %max3A_77 : vector<64x128xf32>
      %get3A_78 = arith.constant 0 : index
      %get3A_79 = arith.constant 0 : index
      %get3A_80 = vector.load %arg8[%get3A_78, %get3A_79] : memref<128x128xf32, #tpu.memory_space<vmem>>, vector<128x128xf32>
      %dot_general3A_81 = arith.constant dense<0.000000e+00> : vector<64x128xf32>
      %dot_general3A_82 = tpu.matmul %div3A, %get3A_80, %dot_general3A_81 {dimension_numbers = #tpu.dot_dimension_numbers<[1], [0], [0], [1], [0, 0, 1, 1], [], []>, transpose_lhs_hint = false} : vector<64x128xf32>, vector<128x128xf32>, vector<64x128xf32> -> vector<64x128xf32>
      %get3A_83 = arith.constant 0 : index
      %get3A_84 = arith.constant 0 : index
      %get3A_85 = vector.load %arg9[%get3A_83, %get3A_84] : memref<1x128xf32, #tpu.memory_space<vmem>>, vector<1x128xf32>
      %add3A_86 = vector.broadcast %get3A_85 : vector<1x128xf32> to vector<64x128xf32>
      %add3A_87 = arith.addf %dot_general3A_82, %add3A_86 : vector<64x128xf32>
      %max3A_88 = arith.constant 0.000000e+00 : f32
      %max3A_89 = vector.broadcast %max3A_88 : f32 to vector<64x128xf32>
      %max3A_90 = arith.maximumf %add3A_87, %max3A_89 : vector<64x128xf32>
      %get3A_91 = arith.constant 0 : index
      %get3A_92 = arith.constant 0 : index
      %get3A_93 = vector.load %arg10[%get3A_91, %get3A_92] : memref<128x128xf32, #tpu.memory_space<vmem>>, vector<128x128xf32>
      %dot_general3A_94 = arith.constant dense<0.000000e+00> : vector<64x128xf32>
      %dot_general3A_95 = tpu.matmul %max3A_90, %get3A_93, %dot_general3A_94 {dimension_numbers = #tpu.dot_dimension_numbers<[1], [0], [0], [1], [0, 0, 1, 1], [], []>, transpose_lhs_hint = false} : vector<64x128xf32>, vector<128x128xf32>, vector<64x128xf32> -> vector<64x128xf32>
      %get3A_96 = arith.constant 0 : index
      %get3A_97 = arith.constant 0 : index
      %get3A_98 = vector.load %arg11[%get3A_96, %get3A_97] : memref<1x128xf32, #tpu.memory_space<vmem>>, vector<1x128xf32>
      %add3A_99 = vector.broadcast %get3A_98 : vector<1x128xf32> to vector<64x128xf32>
      %add3A_100 = arith.addf %dot_general3A_95, %add3A_99 : vector<64x128xf32>
      %max3A_101 = arith.constant 0.000000e+00 : f32
      %max3A_102 = vector.broadcast %max3A_101 : f32 to vector<64x128xf32>
      %max3A_103 = arith.maximumf %add3A_100, %max3A_102 : vector<64x128xf32>
      %get3A_104 = arith.constant 0 : index
      %get3A_105 = arith.constant 0 : index
      %get3A_106 = vector.load %arg12[%get3A_104, %get3A_105] : memref<128x128xf32, #tpu.memory_space<vmem>>, vector<128x128xf32>
      %dot_general3A_107 = arith.constant dense<0.000000e+00> : vector<64x128xf32>
      %dot_general3A_108 = tpu.matmul %max3A_103, %get3A_106, %dot_general3A_107 {dimension_numbers = #tpu.dot_dimension_numbers<[1], [0], [0], [1], [0, 0, 1, 1], [], []>, transpose_lhs_hint = false} : vector<64x128xf32>, vector<128x128xf32>, vector<64x128xf32> -> vector<64x128xf32>
      %get3A_109 = arith.constant 0 : index
      %get3A_110 = arith.constant 0 : index
      %get3A_111 = vector.load %arg13[%get3A_109, %get3A_110] : memref<1x128xf32, #tpu.memory_space<vmem>>, vector<1x128xf32>
      %add3A_112 = vector.broadcast %get3A_111 : vector<1x128xf32> to vector<64x128xf32>
      %add3A_113 = arith.addf %dot_general3A_108, %add3A_112 : vector<64x128xf32>
      %max3A_114 = arith.constant 0.000000e+00 : f32
      %max3A_115 = vector.broadcast %max3A_114 : f32 to vector<64x128xf32>
      %max3A_116 = arith.maximumf %add3A_113, %max3A_115 : vector<64x128xf32>
      %get3A_117 = arith.constant 0 : index
      %get3A_118 = arith.constant 0 : index
      %get3A_119 = vector.load %arg14[%get3A_117, %get3A_118] : memref<128x128xf32, #tpu.memory_space<vmem>>, vector<128x128xf32>
      %dot_general3A_120 = arith.constant dense<0.000000e+00> : vector<64x128xf32>
      %dot_general3A_121 = tpu.matmul %max3A_116, %get3A_119, %dot_general3A_120 {dimension_numbers = #tpu.dot_dimension_numbers<[1], [0], [0], [1], [0, 0, 1, 1], [], []>, transpose_lhs_hint = false} : vector<64x128xf32>, vector<128x128xf32>, vector<64x128xf32> -> vector<64x128xf32>
      %get3A_122 = arith.constant 0 : index
      %get3A_123 = arith.constant 0 : index
      %get3A_124 = vector.load %arg15[%get3A_122, %get3A_123] : memref<1x128xf32, #tpu.memory_space<vmem>>, vector<1x128xf32>
      %add3A_125 = vector.broadcast %get3A_124 : vector<1x128xf32> to vector<64x128xf32>
      %add3A_126 = arith.addf %dot_general3A_121, %add3A_125 : vector<64x128xf32>
      %swap3A_127 = arith.constant 0 : index
      %swap3A_128 = arith.constant 0 : index
      %swap3A_129 = vector.load %arg16[%swap3A_127, %swap3A_128] : memref<64x128xf32, #tpu.memory_space<vmem>>, vector<64x128xf32>
      tpu.vector_store %arg16[%swap3A_127, %swap3A_128], %add3A_126 {strides = array<i32>} : memref<64x128xf32, #tpu.memory_space<vmem>>, vector<64x128xf32>,
    } else {
    }
    return
  }
  func.func @transform_0(%arg0: i32) -> (i32, i32, i32) {
    %c0_i32 = arith.constant 0 : i32
    %c0_i32_0 = arith.constant 0 : i32
    %c0_i32_1 = arith.constant 0 : i32
    return %c0_i32, %arg0, %c0_i32_0 : i32, i32, i32
  }
  func.func @transform_1(%arg0: i32) -> (i32, i32) {
    %c0_i32 = arith.constant 0 : i32
    %c0_i32_0 = arith.constant 0 : i32
    return %arg0, %c0_i32 : i32, i32
  }
  func.func @transform_2(%arg0: i32) -> (i32, i32) {
    %c0_i32 = arith.constant 0 : i32
    %c0_i32_0 = arith.constant 0 : i32
    return %arg0, %c0_i32 : i32, i32
  }
  func.func @transform_3(%arg0: i32) -> (i32, i32) {
    %c0_i32 = arith.constant 0 : i32
    %c0_i32_0 = arith.constant 0 : i32
    %c0_i32_1 = arith.constant 0 : i32
    return %c0_i32, %c0_i32_0 : i32, i32
  }
  func.func @transform_4(%arg0: i32) -> (i32, i32) {
    %c0_i32 = arith.constant 0 : i32
    %c0_i32_0 = arith.constant 0 : i32
    %c0_i32_1 = arith.constant 0 : i32
    return %c0_i32, %c0_i32_0 : i32, i32
  }
  func.func @transform_5(%arg0: i32) -> (i32, i32) {
    %c0_i32 = arith.constant 0 : i32
    %c0_i32_0 = arith.constant 0 : i32
    %c0_i32_1 = arith.constant 0 : i32
    return %c0_i32, %c0_i32_0 : i32, i32
  }
  func.func @transform_6(%arg0: i32) -> (i32, i32, i32) {
    %c0_i32 = arith.constant 0 : i32
    %c0_i32_0 = arith.constant 0 : i32
    %c0_i32_1 = arith.constant 0 : i32
    return %arg0, %c0_i32, %c0_i32_0 : i32, i32, i32
  }
  func.func @transform_7(%arg0: i32) -> (i32, i32) {
    %c0_i32 = arith.constant 0 : i32
    %c0_i32_0 = arith.constant 0 : i32
    %c0_i32_1 = arith.constant 0 : i32
    return %c0_i32, %c0_i32_0 : i32, i32
  }
  func.func @transform_8(%arg0: i32) -> (i32, i32) {
    %c0_i32 = arith.constant 0 : i32
    %c0_i32_0 = arith.constant 0 : i32
    %c0_i32_1 = arith.constant 0 : i32
    return %c0_i32, %c0_i32_0 : i32, i32
  }
  func.func @transform_9(%arg0: i32) -> (i32, i32) {
    %c0_i32 = arith.constant 0 : i32
    %c0_i32_0 = arith.constant 0 : i32
    %c0_i32_1 = arith.constant 0 : i32
    return %c0_i32, %c0_i32_0 : i32, i32
  }
  func.func @transform_10(%arg0: i32) -> (i32, i32) {
    %c0_i32 = arith.constant 0 : i32
    %c0_i32_0 = arith.constant 0 : i32
    %c0_i32_1 = arith.constant 0 : i32
    return %c0_i32, %c0_i32_0 : i32, i32
  }
  func.func @transform_11(%arg0: i32) -> (i32, i32) {
    %c0_i32 = arith.constant 0 : i32
    %c0_i32_0 = arith.constant 0 : i32
    %c0_i32_1 = arith.constant 0 : i32
    return %c0_i32, %c0_i32_0 : i32, i32
  }
  func.func @transform_12(%arg0: i32) -> (i32, i32) {
    %c0_i32 = arith.constant 0 : i32
    %c0_i32_0 = arith.constant 0 : i32
    %c0_i32_1 = arith.constant 0 : i32
    return %c0_i32, %c0_i32_0 : i32, i32
  }
  func.func @transform_13(%arg0: i32) -> (i32, i32) {
    %c0_i32 = arith.constant 0 : i32
    %c0_i32_0 = arith.constant 0 : i32
    %c0_i32_1 = arith.constant 0 : i32
    return %c0_i32, %c0_i32_0 : i32, i32
  }
  func.func @transform_14(%arg0: i32) -> (i32, i32) {
    %c0_i32 = arith.constant 0 : i32
    %c0_i32_0 = arith.constant 0 : i32
    %c0_i32_1 = arith.constant 0 : i32
    return %c0_i32, %c0_i32_0 : i32, i32
  }
  func.func @transform_15(%arg0: i32) -> (i32, i32) {
    %c0_i32 = arith.constant 0 : i32
    %c0_i32_0 = arith.constant 0 : i32
    %c0_i32_1 = arith.constant 0 : i32
    return %c0_i32, %c0_i32_0 : i32, i32
  }
  func.func @transform_16(%arg0: i32) -> (i32, i32) {
    %c0_i32 = arith.constant 0 : i32
    %c0_i32_0 = arith.constant 0 : i32
    %c0_i32_1 = arith.constant 0 : i32
    return %c0_i32, %c0_i32_0 : i32, i32
  }
  func.func @transform_17(%arg0: i32) -> (i32, i32) {
    %c0_i32 = arith.constant 0 : i32
    %c0_i32_0 = arith.constant 0 : i32
    %c0_i32_1 = arith.constant 0 : i32
    return %c0_i32, %c0_i32_0 : i32, i32
  }
}

</mosaic_0001>

<sc_bundles>
// kernel: kernel.12.cloned.1.call-start
scs
__scs_entry_jumppad:
0x0: {  	(pc) =	sbr.rel $0x88, $3  }
0x1: {  	(tag) =	ssettag $0x0;
	lr =	simm.s32 $0x1  }
0x2: {  	[smem:$0x3F8A] =	sst lr;
	_ =	strace $0xD0000000  }
0x3: {  	_ = 	snop  }
0x4: {  	_ = 	snop  }
0x5: {  	_ = 	snop  }
0x6: {  	_ = 	snop  }
0x7: {  	_ = 	snop  }
__scs_overlays_trampoline_lowered:
0x8: {  	[smem:$0x3F99] =	sst s0  }
0x9: {  	[smem:$0x3F9A] =	sst s1  }
0xa: {  	[smem:$0x3F9B] =	sst s2  }
0xb: {  	[smem:$0x3F9C] =	sst s3  }
0xc: {  	[smem:$0x3F9D] =	sst s4  }
0xd: {  	[smem:$0x3F9E] =	sst s5  }
0xe: {  	[smem:$0x3F9F] =	sst s6  }
0xf: {  	[smem:$0x3FA0] =	sst s7  }
0x10: {  	[smem:$0x3FA1] =	sst s8  }
0x11: {  	[smem:$0x3FA2] =	sst s9;
	s0 =	simm.s32 @!p0 $0x0  }
0x12: {  	s1 =	sld [smem:$0x3F88];
	s0 =	simm.s32 @p0 $0x1  }
0x13: {  	[smem:$0x3FA3] =	sst s0;
	s0 =	simm.s32 @!p1 $0x0  }
0x14: {  	s2 =	sld [smem:$0x3F87];
	s0 =	simm.s32 @p1 $0x1  }
0x15: {  	[smem:$0x3FA4] =	sst s0;
	s0 =	simm.s32 @!p2 $0x0  }
0x16: {  	s3 =	sld [smem:$0x3FDB];
	s0 =	simm.s32 @p2 $0x1  }
0x17: {  	s4 =	simm.s32 $0x1BF5;
	[smem:$0x3FA6] =	sst s0  }
0x18: {  	s0 =	sld [smem:$0x3F89];
	_ =	swait.ge [sflag:s4], $0x0  }
0x19: {  	s7 =	sld [smem:$0x3F8A]  }
0x1a: {  	s8 =	sadd.s32 $0xFFFFE003, lr  }
0x1b: {  	s9 =	sadd.s32 $0xFFFFFEF7, lr;
	s5 =	simm.s32 $0xFFFFFFFF;
	p2 =	slt.u32 s8, $0xFFFFF086  }
0x1c: {  	p1 =	slt.u32 s9, $0xF7A;
	s5 =	simm.s32 @!p2 $0x0  }
0x1d: {  	s5 =	simm.s32 @p1 $0x1;
	p0 =	seq.s32 s7, s2  }
0x1e: {  	s7 =	smul.u32 @!p0 $0xF7A, s2;
	p2 =	seq.s32 @!p0 s5, $0x0  }
0x1f: {  	s9 =	smul.u32 $0xF7A, s1;
	s8 =	simm.s32 @!p0 $0x1BF5;
	p2 =	por !p2, p0  }
0x20: {  	[sflag:s8] =	ssyncset.s32 @!p0 $0xFFFFF086;
	s6 =	sadd.s32 @!p0 s3, s7;
	s7 =	simm.s32 @!p0 $0x108  }
0x21: {  	s3 =	sadd.s32 s3, s9;
	s6 =	sadd.s32 @!p0 $0x88, s6;
	s7 =	simm.s32 @p2 $0x1082  }
0x22: {  	[simem:s7], [sflag:s8] =	dma.local @!p0 [hbm:s6], $0xF7A  }
0x23: {  	s9 =	sor.u32 $0xD0000000, s2;
	s6 =	simm.s32 $0x108;
	_ =	swait.ge @!p0 [sflag:s8], $0x0  }
0x24: {  	s3 =	sadd.s32 $0x88, s3;
	s6 =	simm.s32 @!p1 $0x1082;
	[sflag:s4] =	ssyncset.s32 $0xFFFFF086  }
0x25: {  	[simem:s6], [sflag:s4] =	dma.local [hbm:s3], $0xF7A  }
0x26: {  	[smem:$0x3F8A] =	sst s1;
	(tag) =	ssettag s2;
	_ =	strace s9  }
0x27: {  	s1 =	sld [smem:$0x3F9A]  }
0x28: {  	s2 =	sld [smem:$0x3F9B]  }
0x29: {  	s4 =	sld [smem:$0x3F9D]  }
0x2a: {  	p0 =	seq.s32 s5, $0x0;
	s5 =	sld [smem:$0x3F9E]  }
0x2b: {  	s6 =	sld [smem:$0x3F9F]  }
0x2c: {  	s7 =	sld [smem:$0x3FA0]  }
0x2d: {  	s3 =	simm.s32 $0x108;
	s8 =	sld [smem:$0x3FA1]  }
0x2e: {  	s3 =	simm.s32 @!p0 $0x1082;
	s9 =	sld [smem:$0x3FA2]  }
0x2f: {  	lr =	sadd.s32 s0, s3;
	s0 =	sld [smem:$0x3F99]  }
0x30: {  	s3 =	sld [smem:$0x3F9C]  }
0x31: {  	[smem:$0x3FA5] =	sst s10  }
0x32: {  	s10 =	sld [smem:$0x3FA3];
	_ =	sdelay $0x3  }
0x33: {  	p0 =	seq.s32 s10, $0x1;
	s10 =	sld [smem:$0x3FA5];
	_ =	sdelay $0x3  }
0x34: {  	[smem:$0x3FA5] =	sst s10  }
0x35: {  	s10 =	sld [smem:$0x3FA4];
	_ =	sdelay $0x3  }
0x36: {  	p1 =	seq.s32 s10, $0x1;
	s10 =	sld [smem:$0x3FA5];
	_ =	sdelay $0x3  }
0x37: {  	[smem:$0x3FA5] =	sst s10  }
0x38: {  	s10 =	sld [smem:$0x3FA6]  }
0x39: {  	_ = 	snop;
	(pc) =	sbr.ind lr, $3  }
0x3a: {  	_ = 	snop  }
0x3b: {  	_ = 	snop  }
0x3c: {  	p2 =	seq.s32 s10, $0x1;
	s10 =	sld [smem:$0x3FA5]  }
0x3d: {  	_ =	shalt  }
0x3e: {  	_ =	shalt  }
0x3f: {  	_ =	shalt  }
0x40: {  	_ =	shalt  }
0x41: {  	_ =	shalt  }
0x42: {  	_ =	shalt  }
0x43: {  	_ =	shalt  }
0x44: {  	_ =	shalt  }
0x45: {  	_ =	shalt  }
0x46: {  	_ =	shalt  }
0x47: {  	_ =	shalt  }
0x48: {  	_ =	shalt  }
0x49: {  	_ =	shalt  }
0x4a: {  	_ =	shalt  }
0x4b: {  	_ =	shalt  }
0x4c: {  	_ =	shalt  }
0x4d: {  	_ =	shalt  }
0x4e: {  	_ =	shalt  }
0x4f: {  	_ =	shalt  }
0x50: {  	_ =	shalt  }
0x51: {  	_ =	shalt  }
0x52: {  	_ =	shalt  }
0x53: {  	_ =	shalt  }
0x54: {  	_ =	shalt  }
0x55: {  	_ =	shalt  }
0x56: {  	_ =	shalt  }
0x57: {  	_ =	shalt  }
0x58: {  	_ =	shalt  }
0x59: {  	_ =	shalt  }
0x5a: {  	_ =	shalt  }
0x5b: {  	_ =	shalt  }
0x5c: {  	_ =	shalt  }
0x5d: {  	_ =	shalt  }
0x5e: {  	_ =	shalt  }
0x5f: {  	_ =	shalt  }
0x60: {  	_ =	shalt  }
0x61: {  	_ =	shalt  }
0x62: {  	_ =	shalt  }
0x63: {  	_ =	shalt  }
0x64: {  	_ =	shalt  }
0x65: {  	_ =	shalt  }
0x66: {  	_ =	shalt  }
0x67: {  	_ =	shalt  }
0x68: {  	_ =	shalt  }
0x69: {  	_ =	shalt  }
0x6a: {  	_ =	shalt  }
0x6b: {  	_ =	shalt  }
0x6c: {  	_ =	shalt  }
0x6d: {  	_ =	shalt  }
0x6e: {  	_ =	shalt  }
0x6f: {  	_ =	shalt  }
0x70: {  	_ =	shalt  }
0x71: {  	_ =	shalt  }
0x72: {  	_ =	shalt  }
0x73: {  	_ =	shalt  }
0x74: {  	_ =	shalt  }
0x75: {  	_ =	shalt  }
0x76: {  	_ =	shalt  }
0x77: {  	_ =	shalt  }
0x78: {  	_ =	shalt  }
0x79: {  	_ =	shalt  }
0x7a: {  	_ =	shalt  }
0x7b: {  	_ =	shalt  }
0x7c: {  	_ =	shalt  }
0x7d: {  	_ =	shalt  }
0x7e: {  	_ =	shalt  }
0x7f: {  	_ =	shalt  }
0x80: {  	_ =	shalt  }
0x81: {  	_ =	shalt  }
0x82: {  	_ =	shalt  }
0x83: {  	_ =	shalt  }
0x84: {  	_ =	shalt  }
0x85: {  	_ =	shalt  }
0x86: {  	_ =	shalt  }
0x87: {  	_ =	shalt  }
.Lfunc_end0:
.L_simem_size_0:
called_computation.1_lowered:
.L_overlay_start_0:
0x88: {  	s2 =	sld [smem:$0x3FD9]  }
0x89: {  	s3 =	sld [smem:$0x3FFE];
	_ =	sdelay $0x1  }
0x8a: {  	s1 =	srdreg.scid  }
0x8b: {  	s0 =	sand.u32 $0x1, s1  }
0x8c: {  	s16 =	sshll.u32 s0, $0xA;
	s2 =	sadd.s32 s3, s2  }
0x8d: {  	s2 =	sadd.s32 s2, s16  }
0x8e: {  	[smem:$0x3FB1] =	sst s2  }
0x8f: {  	_ = 	snop  }
0x90: {  	(tm) =	ssettm $0x1  }
0x91: {  	s17 =	sld [smem:$0x3FFB];
	_ =	sdelay $0x3  }
0x92: {  	_ =	strace s17  }
0x93: {  	s2 =	sld [smem:$0x3FFC];
	_ =	sdelay $0x3  }
0x94: {  	_ =	strace s2  }
0x95: {  	s2 =	sld [smem:$0x3FFD];
	_ =	sdelay $0x3  }
0x96: {  	_ =	strace s2  }
0x97: {  	_ =	strace $0x8FFFFFFF  }
0x98: {  	s18 =	sld [smem:$0x3FDB];
	_ =	sdelay $0x1  }
0x99: {  	s19 =	simm.s32 $_scs_section_size  }
0x9a: {  	s4 =	simm.s32 $_size__tile_overlayer_lowered;
	s5 =	simm.s32 $_tile_overlayer_lowered  }
0x9b: {  	s22 =	simm.s32 $0x1BFF;
	s21 =	sshll.u32 s5, $0x1;
	s2 =	sadd.s32 s19, s18  }
0x9c: {  	s6 =	simm.s32 $0x0;
	s20 =	sshll.u32 s4, $0x1;
	s4 =	sadd.s32 s21, s2  }
0x9d: {  	[timem:s6], [sflag:s22] =	dma.local [hbm:s4], s20  }
0x9e: {  	_ =	swait.ge [sflag:s22], s20  }
0x9f: {  	s3 =	ssub.s32 $0x0, s20;
	[sflag:s22] =	ssyncset.done $0x0  }
0xa0: {  	[sflag:s22] =	ssyncadd.s32 s3;
	_ =	sdelay $0x1  }
0xa1: {  	s23 =	simm.s32 $0x1B8B  }
0xa2: {  	_ =	swait.ge [sflag:s23], $0x1  }
0xa3: {  	[sflag:s23] =	ssyncset.done $0x0  }
0xa4: {  	s25 =	simm.s32 $0x1B8E;
	s24 =	sld [smem:$0x3FFE];
	[sflag:s23] =	ssyncadd.s32 $0xFFFFFFFF  }
0xa5: {  	s26 =	simm.s32 $execute0_lowered;
	[smem:$0x3FD2] =	sst s25  }
0xa6: {  	s4 =	sshll.u32 s26, $0x1;
	_ =	strace $0x80000049;
	[dreg:$0x1] =	wrdreg $0xFFFFFFFF  }
0xa7: {  	s28 =	simm.s32 $_size_execute0_lowered;
	s2 =	sadd.s32 s2, s4;
	[dreg:$0x0] =	wrdreg $0x0  }
0xa8: {  	s4 =	sshll.u32 s28, $0x1;
	[dreg:$0x2] =	wrdreg s2  }
0xa9: {  	[dreg:$0x3] =	wrdreg s4  }
0xaa: {  	[dreg:$0x4] =	wrdreg $0xC0  }
0xab: {  	_ =	task [dreg:s6], $0x5FFFF  }
0xac: {  	[dreg:$0x1] =	wrdreg $0xFFFFFFFF  }
0xad: {  	[dreg:$0x0] =	wrdreg $0x60  }
0xae: {  	[dreg:$0x2] =	wrdreg s24  }
0xaf: {  	[dreg:$0x3] =	wrdreg $0x0  }
0xb0: {  	[dreg:$0x4] =	wrdreg $0x9  }
0xb1: {  	_ =	task.clear_ibuf [dreg:s6], $0x5FFFF;
	_ =	strace $0x90000049  }
0xb2: {  	s29 =	simm.s32 $0x9;
	_ =	strace $0x8000004B  }
0xb3: {  	_ =	swait.ge [sflag:s29], $0x1  }
0xb4: {  	[sflag:s29] =	ssyncadd.s32 $0xFFFFFFFF  }
0xb5: {  	_ =	strace $0x9000004B  }
0xb6: {  	_ =	sfence  }
0xb7: {  	s30 =	sld [smem:$0x0];
	_ =	sdelay $0x2  }
0xb8: {  	s31 =	sshll.u32 s1, $0xD;
	s1 =	sshrl.u32 s1, $0x2  }
0xb9: {  	s3 =	sand.u32 $0x4000, s31;
	s1 =	sadd.s32 s1, s30  }
0xba: {  	s0 =	sor.u32 s3, s0;
	s1 =	sshll.u32 s1, $0x11  }
0xbb: {  	s0 =	sor.u32 s1, s0  }
0xbc: {  	s0 =	sadd.s32 $0x8F2B, s0  }
0xbd: {  	[sflag:s0] =	ssyncadd.remote.s32 $0x1  }
0xbe: {  	_ =	sfence.sel $0xFFFF  }
0xbf: {  	[dreg:$0x0] =	wrdreg $0xFFFFFFFF;
	(pc) =	sbr.abs _section_cstart, $3  }
0xc0: {  	[dreg:$0x1] =	wrdreg $0xFFFFFFFF  }
0xc1: {  	_ =	task.clear_ibuf [dreg:s6], $0x2FFFF;
	_ =	strace $0x9FFFFFFF  }
0xc2: {  	(tm) =	ssettm $0x7FFFFFFF  }
0xc3: {  	_ =	shalt  }
tec
execute0_lowered:
.L_overlay_start_1:
0x0: {  	(tag) =	ssettag $0x1  }
0x1: {  	s7 =	rddreg [dreg:$0x0]  }
0x2: {  	s1 =	rddreg [dreg:$0x1];
	s2 =	srdreg.scid  }
0x3: {  	s3 =	simm.s32 $0x0;
	s17 =	simm.s32 $0x14400;
	s18 =	simm.s32 $0x4  }
0x4: {  	s19 =	simm.s32 $0x14000;
	s20 =	simm.s32 $0x14100;
	s21 =	simm.s32 $0x14200  }
0x5: {  	s22 =	simm.s32 $0x3;
	s23 =	simm.s32 $0x80;
	s24 =	simm.s32 $0x1  }
0x6: {  	s25 =	simm.s32 $0x2;
	s6 =	sand.u32 $0x1, s2;
	s2 =	stileid.u32  }
0x7: {  	s26 =	simm.s32 $0x0;
	[smem:$0x7FF] =	sst s3;
	s5 =	smul.u32 $0x140000, s6  }
0x8: {  	s4 =	sadd.s32 $0x18C00, s7;
	s8 =	smul.u32 $0x14000, s2;
	_ =	strace $0x8000004A  }
0x9: {  	s9 =	sshll.u32 s6, $0x4;
	s10 =	smul.u32 $0x50000, s2;
	s11 =	ssub.s32 $0x2, s6  }
0xa: {  	s9 =	sor.u32 s2, s9;
	s30 =	sshrl.u32 s11, $0x1;
	s8 =	sadd.s32 s8, s5  }
0xb: {  	s5 =	sadd.s32 $0x5000, s7;
	s10 =	sshrl.u32 s10, $0x2;
	s6 =	smul.u32 $0x4F00, s9  }
.Ltmp0:
0xc: {  	s16 =	ssub.s32 s11, s30;
	s8 =	sshrl.u32 s8, $0x3;
	(pc) =	sbr.rel .LBB2_1-.Ltmp0, $4  }
0xd: {  	s16 =	smax.u32 s16, $0x1;
	s15 =	sadd.s32 s8, s7;
	s7 =	sadd.s32 s10, s1  }
0xe: {  	s31 =	sshrl.u32 s6, $0x3;
	s8 =	sadd.s32 $0x4000, s7;
	s9 =	sadd.s32 $0x8000, s7  }
0xf: {  	s10 =	sadd.s32 $0xC000, s7;
	s11 =	sadd.s32 s5, s31;
	s12 =	sadd.s32 $0x10000, s7  }
0x10: {  	v0 =	vimm.f32 $0.0e+00;
	s15 =	sadd.s32 $0x40C00, s15;
	s13 =	sadd.s32 $0x20, s11;
	s14 =	sadd.s32 $0x40, s11  }
.LBB2_9:
0x11: {  	_ =	swait.ge [sflag:s25], $0x4000  }
0x12: {  	s0 =	sshll.u32 s2, $0x6;
	s26 =	sadd.s32 $0x1, s26;
	[sflag:s25] =	ssyncset.done $0x0  }
0x13: {  	s28 =	sshrl.u32 s7, $0x3;
	p0 =	sne.s32 s26, s16;
	[sflag:s25] =	ssyncadd.s32 $0xFFFFC000  }
.Ltmp1:
0x14: {  	s0 =	sor.u32 $0x1C04, s0;
	[bflag:$0x0] =	sbarrier.arrive $0xFFFF;
	(pc) =	sbr.rel @!p0 .LBB2_10-.Ltmp1, $4  }
0x15: {  	[hbm:s15], [sflag:s0] =	dma.local [spmem:s28], $0x2800  }
0x16: {  	_ =	swait.ge [sflag:s18], $0x2800  }
0x17: {  	[sflag:s18] =	ssyncset.done $0x0  }
0x18: {  	[sflag:s18] =	ssyncadd.s32 $0xFFFFD800  }
.LBB2_1:
0x19: {  	s28 =	sand.u32 $0xFE00, s3  }
0x1a: {  	s29 =	sand.u32 $0x70, s3;
	s30 =	sshrl.u32 s28, $0x2  }
0x1b: {  	s28 =	simm.s32 $0x40;
	s30 =	sor.u32 s29, s30;
	s29 =	simm.s32 $0x0  }
.LBB2_2:
0x1c: {  	p0 =	sne.s32 s28, $0xFFC0  }
0x1d: {  	[tilespmem:s30+$0x14400] =	vst v0;
	s29 =	sadd.s32 $0x10, s29;
	s30 =	smov.u32 s28;
	s28 =	sadd.s32 $0x40, s28  }
.Ltmp2:
0x1e: {  	(pc) =	sbr.rel @p0 .LBB2_2-.Ltmp2, $4  }
0x1f: {  	_ = 	snop  }
0x20: {  	s30 =	sand.u32 $0xFE00, s30  }
0x21: {  	s31 =	sand.u32 $0x70, s29;
	s30 =	sshrl.u32 s30, $0x2  }
0x22: {  	s30 =	sor.u32 s31, s30  }
0x23: {  	[tilespmem:s30+$0x14400] =	vst v0  }
0x24: {  	[spmem:s7] =	stream.linear.scatter [tilespmem:s17], [sflag:$0x4], $0x4000, $0x38;
	[tilespmem:$0x1C400] =	vst v63  }
0x25: {  	_ =	swait.ge [sflag:s18], $0x4000  }
0x26: {  	[sflag:s18] =	ssyncset.done $0x0  }
0x27: {  	[sflag:s18] =	ssyncadd.s32 $0xFFFFC000  }
0x28: {  	[spmem:s8] =	stream.linear.scatter [tilespmem:s17], [sflag:$0x4], $0x4000, $0x38;
	[tilespmem:$0x1C400] =	vst v63  }
0x29: {  	_ =	swait.ge [sflag:s18], $0x4000  }
0x2a: {  	[sflag:s18] =	ssyncset.done $0x0  }
0x2b: {  	[sflag:s18] =	ssyncadd.s32 $0xFFFFC000  }
0x2c: {  	[spmem:s9] =	stream.linear.scatter [tilespmem:s17], [sflag:$0x4], $0x4000, $0x38;
	[tilespmem:$0x1C400] =	vst v63  }
0x2d: {  	_ =	swait.ge [sflag:s18], $0x4000  }
0x2e: {  	[sflag:s18] =	ssyncset.done $0x0  }
0x2f: {  	[sflag:s18] =	ssyncadd.s32 $0xFFFFC000  }
0x30: {  	[spmem:s10] =	stream.linear.scatter [tilespmem:s17], [sflag:$0x4], $0x4000, $0x38;
	[tilespmem:$0x1C400] =	vst v63  }
0x31: {  	_ =	swait.ge [sflag:s18], $0x4000  }
0x32: {  	[sflag:s18] =	ssyncset.done $0x0  }
0x33: {  	[sflag:s18] =	ssyncadd.s32 $0xFFFFC000  }
0x34: {  	[spmem:s12] =	stream.linear.scatter [tilespmem:s17], [sflag:$0x4], $0x4000, $0x38;
	[tilespmem:$0x1C400] =	vst v63  }
0x35: {  	_ =	swait.ge [sflag:s18], $0x4000  }
0x36: {  	[sflag:s18] =	ssyncset.done $0x0  }
0x37: {  	[sflag:s18] =	ssyncadd.s32 $0xFFFFC000  }
0x38: {  	s28 =	simm.s32 $0x0;
	[bflag:$0x0] =	sbarrier.arrive $0xFFFF  }
0x39: {  	[tilespmem:s19], [sflag:$0x3] =	stream.linear.gather [hbm4b:s11+s28], $0x100, $0x38;
	[tilespmem:$0x1C400] =	vst v63  }
0x3a: {  	_ = 	snop  }
0x3b: {  	[tilespmem:s20], [sflag:$0x3] =	stream.linear.gather [hbm4b:s13+s28], $0x100, $0x38;
	[tilespmem:$0x1C400] =	vst v63  }
0x3c: {  	_ = 	snop  }
0x3d: {  	[tilespmem:s21], [sflag:$0x3] =	stream.linear.gather [hbm4b:s14+s28], $0x100, $0x38;
	[tilespmem:$0x1C400] =	vst v63  }
.Ltmp3:
0x3e: {  	_ = 	snop;
	(pc) =	sbr.rel .LBB2_4-.Ltmp3, $4  }
0x3f: {  	_ =	swait.ge [sflag:s22], $0x100  }
0x40: {  	[sflag:s22] =	ssyncset.done $0x0  }
0x41: {  	[sflag:s22] =	ssyncadd.s32 $0xFFFFFF00  }
0x42: {  	[tilespmem:s17], [sflag:$0x1] =	stream.indirect.gather [hbm4b:s4+s23], $0x80, s19, s23, $0xb8;
	[tilespmem:$0x1C400] =	vst v63  }
.LBB2_5:
0x43: {  	s30 =	sadd.s32 $0x300, s29  }
0x44: {  	s31 =	sadd.s32 s6, s30  }
0x45: {  	s30 =	sand.u32 $0x300, s30;
	s31 =	sshrl.u32 s31, $0x3  }
0x46: {  	s30 =	sor.u32 $0x14000, s30;
	s31 =	sadd.s32 s5, s31  }
0x47: {  	[tilespmem:s30], [sflag:$0x3] =	stream.linear.gather [hbm4b:s31+s3], $0x100, $0x38;
	[tilespmem:$0x1C400] =	vst v63  }
.LBB2_7:
0x48: {  	s30 =	sadd.s32 $0x1, s28  }
0x49: {  	_ =	swait.ge [sflag:s22], $0x100;
	s31 =	sshll.u32 s30, $0xE;
	s0 =	sshll.u32 s30, $0x8  }
0x4a: {  	[sflag:s22] =	ssyncset.done $0x0;
	s31 =	sand.u32 $0x4000, s31;
	s0 =	sand.u32 $0x300, s0  }
0x4b: {  	[sflag:s22] =	ssyncadd.s32 $0xFFFFFF00;
	s31 =	sadd.s32 $0x14400, s31;
	s0 =	sor.u32 $0x14000, s0  }
0x4c: {  	[tilespmem:s31], [sflag:$0x1] =	stream.indirect.gather [hbm4b:s4+s23], $0x80, s0, s23, $0xb8;
	[tilespmem:$0x1C400] =	vst v63  }
.LBB2_8:
0x4d: {  	p0 =	slt.u32 s30, $0x4F  }
.Ltmp4:
0x4e: {  	s0 =	sshll.u32 s28, $0xE;
	_ =	swait.ge [sflag:s24], $0x4000;
	(pc) =	sbr.rel @!p0 .LBB2_9-.Ltmp4, $4  }
0x4f: {  	s28 =	sand.u32 $0x300, s29;
	s0 =	sand.u32 $0x4000, s0;
	[sflag:s24] =	ssyncset.done $0x0  }
0x50: {  	s28 =	sor.u32 $0x14080, s28;
	s0 =	sadd.s32 $0x14400, s0;
	[sflag:s24] =	ssyncadd.s32 $0xFFFFC000  }
0x51: {  	[spmem:s1] =	stream.indirect.scatter.add.f32 [tilespmem:s0], [sflag:$0x2], $0x80, s28, s23, $0xb8;
	[tilespmem:$0x1C400] =	vst v63  }
0x52: {  	s28 =	smov.u32 s30  }
.LBB2_4:
0x53: {  	p0 =	seq.s32 s28, $0x0  }
0x54: {  	p1 =	sgt.u32 @!p0 s28, $0x4B  }
0x55: {  	p1 =	por p0, !p1  }
.Ltmp5:
0x56: {  	_ = 	snop;
	(pc) =	sbr.rel @p1 .LBB2_5-.Ltmp5, $4  }
0x57: {  	s29 =	simm.s32 @!p0 $0x2  }
0x58: {  	_ =	swait.ge @!p0 [sflag:s29], $0x4000  }
0x59: {  	[sflag:s29] =	ssyncset.done @!p0 $0x0  }
0x5a: {  	[sflag:s29] =	ssyncadd.s32 @!p0 $0xFFFFC000;
	s29 =	sshll.u32 s28, $0x8  }
0x5b: {  	p0 =	seq.s32 s28, $0x4E  }
.Ltmp6:
0x5c: {  	_ = 	snop;
	(pc) =	sbr.rel @p0 .LBB2_8-.Ltmp6, $4  }
.Ltmp7:
0x5d: {  	_ = 	snop;
	(pc) =	sbr.rel @!p0 .LBB2_7-.Ltmp7, $4  }
0x5e: {  	_ = 	snop  }
0x5f: {  	_ = 	snop  }
0x60: {  	s30 =	simm.s32 $0x4F  }
0x61: {  	_ = 	snop  }
.LBB2_10:
0x62: {  	_ =	sfence.sel $0x180000  }
0x63: {  	[bflag:$0x0] =	sbarrier.arrive $0xFFFF  }
0x64: {  	_ =	strace $0x9000004A  }
0x65: {  	[bflag:$0x2] =	sbarrier.arrive $0xFFFF  }
0x66: {  	p0 =	sne.s32 s2, $0x0;
	s0 =	rddreg [dreg:$0x2]  }
0x67: {  	s0 =	sadd.s32 @!p0 $0x100000, s0  }
0x68: {  	[sflag:s0] =	ssyncadd.tile.s32 @!p0 $0x1;
	_ =	shalt  }
.Lfunc_end2:
_tile_overlayer_lowered:
.L_overlay_start_2:
0x69: {  	(tag) =	ssettag $0x2  }
0x6a: {  	s0 =	rddreg [dreg:$0x0];
	s2 =	stileid.u32  }
0x6b: {  	s1 =	rddreg [dreg:$0x1];
	p0 =	sne.s32 s2, $0x0  }
0x6c: {  	s3 =	rddreg [dreg:$0x2];
	[bflag:$0x3] =	sbarrier.arrive $0xFFFF;
	s2 =	simm.s32 @!p0 $0x1C04  }
0x6d: {  	[timem:s3], [sflag:s2] =	dma.local @!p0 [hbm:s0], s1  }
0x6e: {  	s0 =	simm.s32 @!p0 $0x4  }
0x6f: {  	_ =	swait.ge @!p0 [sflag:s0], s1  }
0x70: {  	s1 =	ssub.s32 @!p0 $0x0, s1;
	[sflag:s0] =	ssyncset.done @!p0 $0x0  }
0x71: {  	[sflag:s0] =	ssyncadd.s32 @!p0 s1  }
0x72: {  	[bflag:$0x3] =	sbarrier.arrive $0xFFFF  }
0x73: {  	_ =	shalt  }

// kernel: kernel.15.cloned.1.call-start
scs
__scs_entry_jumppad:
0x0: {  	(pc) =	sbr.rel $0x88, $3  }
0x1: {  	(tag) =	ssettag $0x0;
	lr =	simm.s32 $0x1  }
0x2: {  	[smem:$0x3F8A] =	sst lr;
	_ =	strace $0xD0000000  }
0x3: {  	_ = 	snop  }
0x4: {  	_ = 	snop  }
0x5: {  	_ = 	snop  }
0x6: {  	_ = 	snop  }
0x7: {  	_ = 	snop  }
__scs_overlays_trampoline_lowered:
0x8: {  	[smem:$0x3F99] =	sst s0  }
0x9: {  	[smem:$0x3F9A] =	sst s1  }
0xa: {  	[smem:$0x3F9B] =	sst s2  }
0xb: {  	[smem:$0x3F9C] =	sst s3  }
0xc: {  	[smem:$0x3F9D] =	sst s4  }
0xd: {  	[smem:$0x3F9E] =	sst s5  }
0xe: {  	[smem:$0x3F9F] =	sst s6  }
0xf: {  	[smem:$0x3FA0] =	sst s7  }
0x10: {  	[smem:$0x3FA1] =	sst s8  }
0x11: {  	[smem:$0x3FA2] =	sst s9;
	s0 =	simm.s32 @!p0 $0x0  }
0x12: {  	s1 =	sld [smem:$0x3F88];
	s0 =	simm.s32 @p0 $0x1  }
0x13: {  	[smem:$0x3FA3] =	sst s0;
	s0 =	simm.s32 @!p1 $0x0  }
0x14: {  	s2 =	sld [smem:$0x3F87];
	s0 =	simm.s32 @p1 $0x1  }
0x15: {  	[smem:$0x3FA4] =	sst s0;
	s0 =	simm.s32 @!p2 $0x0  }
0x16: {  	s3 =	sld [smem:$0x3FDB];
	s0 =	simm.s32 @p2 $0x1  }
0x17: {  	s4 =	simm.s32 $0x1BF5;
	[smem:$0x3FA6] =	sst s0  }
0x18: {  	s0 =	sld [smem:$0x3F89];
	_ =	swait.ge [sflag:s4], $0x0  }
0x19: {  	s7 =	sld [smem:$0x3F8A]  }
0x1a: {  	s8 =	sadd.s32 $0xFFFFE003, lr  }
0x1b: {  	s9 =	sadd.s32 $0xFFFFFEF7, lr;
	s5 =	simm.s32 $0xFFFFFFFF;
	p2 =	slt.u32 s8, $0xFFFFF086  }
0x1c: {  	p1 =	slt.u32 s9, $0xF7A;
	s5 =	simm.s32 @!p2 $0x0  }
0x1d: {  	s5 =	simm.s32 @p1 $0x1;
	p0 =	seq.s32 s7, s2  }
0x1e: {  	s7 =	smul.u32 @!p0 $0xF7A, s2;
	p2 =	seq.s32 @!p0 s5, $0x0  }
0x1f: {  	s9 =	smul.u32 $0xF7A, s1;
	s8 =	simm.s32 @!p0 $0x1BF5;
	p2 =	por !p2, p0  }
0x20: {  	[sflag:s8] =	ssyncset.s32 @!p0 $0xFFFFF086;
	s6 =	sadd.s32 @!p0 s3, s7;
	s7 =	simm.s32 @!p0 $0x108  }
0x21: {  	s3 =	sadd.s32 s3, s9;
	s6 =	sadd.s32 @!p0 $0x88, s6;
	s7 =	simm.s32 @p2 $0x1082  }
0x22: {  	[simem:s7], [sflag:s8] =	dma.local @!p0 [hbm:s6], $0xF7A  }
0x23: {  	s9 =	sor.u32 $0xD0000000, s2;
	s6 =	simm.s32 $0x108;
	_ =	swait.ge @!p0 [sflag:s8], $0x0  }
0x24: {  	s3 =	sadd.s32 $0x88, s3;
	s6 =	simm.s32 @!p1 $0x1082;
	[sflag:s4] =	ssyncset.s32 $0xFFFFF086  }
0x25: {  	[simem:s6], [sflag:s4] =	dma.local [hbm:s3], $0xF7A  }
0x26: {  	[smem:$0x3F8A] =	sst s1;
	(tag) =	ssettag s2;
	_ =	strace s9  }
0x27: {  	s1 =	sld [smem:$0x3F9A]  }
0x28: {  	s2 =	sld [smem:$0x3F9B]  }
0x29: {  	s4 =	sld [smem:$0x3F9D]  }
0x2a: {  	p0 =	seq.s32 s5, $0x0;
	s5 =	sld [smem:$0x3F9E]  }
0x2b: {  	s6 =	sld [smem:$0x3F9F]  }
0x2c: {  	s7 =	sld [smem:$0x3FA0]  }
0x2d: {  	s3 =	simm.s32 $0x108;
	s8 =	sld [smem:$0x3FA1]  }
0x2e: {  	s3 =	simm.s32 @!p0 $0x1082;
	s9 =	sld [smem:$0x3FA2]  }
0x2f: {  	lr =	sadd.s32 s0, s3;
	s0 =	sld [smem:$0x3F99]  }
0x30: {  	s3 =	sld [smem:$0x3F9C]  }
0x31: {  	[smem:$0x3FA5] =	sst s10  }
0x32: {  	s10 =	sld [smem:$0x3FA3];
	_ =	sdelay $0x3  }
0x33: {  	p0 =	seq.s32 s10, $0x1;
	s10 =	sld [smem:$0x3FA5];
	_ =	sdelay $0x3  }
0x34: {  	[smem:$0x3FA5] =	sst s10  }
0x35: {  	s10 =	sld [smem:$0x3FA4];
	_ =	sdelay $0x3  }
0x36: {  	p1 =	seq.s32 s10, $0x1;
	s10 =	sld [smem:$0x3FA5];
	_ =	sdelay $0x3  }
0x37: {  	[smem:$0x3FA5] =	sst s10  }
0x38: {  	s10 =	sld [smem:$0x3FA6]  }
0x39: {  	_ = 	snop;
	(pc) =	sbr.ind lr, $3  }
0x3a: {  	_ = 	snop  }
0x3b: {  	_ = 	snop  }
0x3c: {  	p2 =	seq.s32 s10, $0x1;
	s10 =	sld [smem:$0x3FA5]  }
0x3d: {  	_ =	shalt  }
0x3e: {  	_ =	shalt  }
0x3f: {  	_ =	shalt  }
0x40: {  	_ =	shalt  }
0x41: {  	_ =	shalt  }
0x42: {  	_ =	shalt  }
0x43: {  	_ =	shalt  }
0x44: {  	_ =	shalt  }
0x45: {  	_ =	shalt  }
0x46: {  	_ =	shalt  }
0x47: {  	_ =	shalt  }
0x48: {  	_ =	shalt  }
0x49: {  	_ =	shalt  }
0x4a: {  	_ =	shalt  }
0x4b: {  	_ =	shalt  }
0x4c: {  	_ =	shalt  }
0x4d: {  	_ =	shalt  }
0x4e: {  	_ =	shalt  }
0x4f: {  	_ =	shalt  }
0x50: {  	_ =	shalt  }
0x51: {  	_ =	shalt  }
0x52: {  	_ =	shalt  }
0x53: {  	_ =	shalt  }
0x54: {  	_ =	shalt  }
0x55: {  	_ =	shalt  }
0x56: {  	_ =	shalt  }
0x57: {  	_ =	shalt  }
0x58: {  	_ =	shalt  }
0x59: {  	_ =	shalt  }
0x5a: {  	_ =	shalt  }
0x5b: {  	_ =	shalt  }
0x5c: {  	_ =	shalt  }
0x5d: {  	_ =	shalt  }
0x5e: {  	_ =	shalt  }
0x5f: {  	_ =	shalt  }
0x60: {  	_ =	shalt  }
0x61: {  	_ =	shalt  }
0x62: {  	_ =	shalt  }
0x63: {  	_ =	shalt  }
0x64: {  	_ =	shalt  }
0x65: {  	_ =	shalt  }
0x66: {  	_ =	shalt  }
0x67: {  	_ =	shalt  }
0x68: {  	_ =	shalt  }
0x69: {  	_ =	shalt  }
0x6a: {  	_ =	shalt  }
0x6b: {  	_ =	shalt  }
0x6c: {  	_ =	shalt  }
0x6d: {  	_ =	shalt  }
0x6e: {  	_ =	shalt  }
0x6f: {  	_ =	shalt  }
0x70: {  	_ =	shalt  }
0x71: {  	_ =	shalt  }
0x72: {  	_ =	shalt  }
0x73: {  	_ =	shalt  }
0x74: {  	_ =	shalt  }
0x75: {  	_ =	shalt  }
0x76: {  	_ =	shalt  }
0x77: {  	_ =	shalt  }
0x78: {  	_ =	shalt  }
0x79: {  	_ =	shalt  }
0x7a: {  	_ =	shalt  }
0x7b: {  	_ =	shalt  }
0x7c: {  	_ =	shalt  }
0x7d: {  	_ =	shalt  }
0x7e: {  	_ =	shalt  }
0x7f: {  	_ =	shalt  }
0x80: {  	_ =	shalt  }
0x81: {  	_ =	shalt  }
0x82: {  	_ =	shalt  }
0x83: {  	_ =	shalt  }
0x84: {  	_ =	shalt  }
0x85: {  	_ =	shalt  }
0x86: {  	_ =	shalt  }
0x87: {  	_ =	shalt  }
.Lfunc_end0:
.L_simem_size_0:
called_computation.2_lowered:
.L_overlay_start_0:
0x88: {  	s2 =	sld [smem:$0x3FD9]  }
0x89: {  	s3 =	sld [smem:$0x3FFE];
	_ =	sdelay $0x1  }
0x8a: {  	s1 =	srdreg.scid  }
0x8b: {  	s0 =	sand.u32 $0x1, s1  }
0x8c: {  	s16 =	sshll.u32 s0, $0xA;
	s2 =	sadd.s32 s3, s2  }
0x8d: {  	s2 =	sadd.s32 s2, s16  }
0x8e: {  	[smem:$0x3FB1] =	sst s2  }
0x8f: {  	_ = 	snop  }
0x90: {  	(tm) =	ssettm $0x1  }
0x91: {  	s17 =	sld [smem:$0x3FFB];
	_ =	sdelay $0x3  }
0x92: {  	_ =	strace s17  }
0x93: {  	s2 =	sld [smem:$0x3FFC];
	_ =	sdelay $0x3  }
0x94: {  	_ =	strace s2  }
0x95: {  	s2 =	sld [smem:$0x3FFD];
	_ =	sdelay $0x3  }
0x96: {  	_ =	strace s2  }
0x97: {  	_ =	strace $0x8FFFFFFF  }
0x98: {  	s18 =	sld [smem:$0x3FDB];
	_ =	sdelay $0x1  }
0x99: {  	s19 =	simm.s32 $_scs_section_size  }
0x9a: {  	s4 =	simm.s32 $_size__tile_overlayer_lowered;
	s5 =	simm.s32 $_tile_overlayer_lowered  }
0x9b: {  	s22 =	simm.s32 $0x1BFF;
	s21 =	sshll.u32 s5, $0x1;
	s2 =	sadd.s32 s19, s18  }
0x9c: {  	s6 =	simm.s32 $0x0;
	s20 =	sshll.u32 s4, $0x1;
	s4 =	sadd.s32 s21, s2  }
0x9d: {  	[timem:s6], [sflag:s22] =	dma.local [hbm:s4], s20  }
0x9e: {  	_ =	swait.ge [sflag:s22], s20  }
0x9f: {  	s3 =	ssub.s32 $0x0, s20;
	[sflag:s22] =	ssyncset.done $0x0  }
0xa0: {  	[sflag:s22] =	ssyncadd.s32 s3;
	_ =	sdelay $0x1  }
0xa1: {  	s23 =	simm.s32 $0x1B8B  }
0xa2: {  	_ =	swait.ge [sflag:s23], $0x1  }
0xa3: {  	[sflag:s23] =	ssyncset.done $0x0  }
0xa4: {  	s25 =	simm.s32 $0x1B8E;
	s24 =	sld [smem:$0x3FFE];
	[sflag:s23] =	ssyncadd.s32 $0xFFFFFFFF  }
0xa5: {  	s26 =	simm.s32 $execute0_lowered;
	[smem:$0x3FD2] =	sst s25  }
0xa6: {  	s4 =	sshll.u32 s26, $0x1;
	_ =	strace $0x8000004C;
	[dreg:$0x1] =	wrdreg $0xFFFFFFFF  }
0xa7: {  	s28 =	simm.s32 $_size_execute0_lowered;
	s2 =	sadd.s32 s2, s4;
	[dreg:$0x0] =	wrdreg $0x0  }
0xa8: {  	s4 =	sshll.u32 s28, $0x1;
	[dreg:$0x2] =	wrdreg s2  }
0xa9: {  	[dreg:$0x3] =	wrdreg s4  }
0xaa: {  	[dreg:$0x4] =	wrdreg $0xC0  }
0xab: {  	_ =	task [dreg:s6], $0x5FFFF  }
0xac: {  	[dreg:$0x1] =	wrdreg $0xFFFFFFFF  }
0xad: {  	[dreg:$0x0] =	wrdreg $0x60  }
0xae: {  	[dreg:$0x2] =	wrdreg s24  }
0xaf: {  	[dreg:$0x3] =	wrdreg $0x0  }
0xb0: {  	[dreg:$0x4] =	wrdreg $0x9  }
0xb1: {  	_ =	task.clear_ibuf [dreg:s6], $0x5FFFF;
	_ =	strace $0x9000004C  }
0xb2: {  	s29 =	simm.s32 $0x9;
	_ =	strace $0x8000004E  }
0xb3: {  	_ =	swait.ge [sflag:s29], $0x1  }
0xb4: {  	[sflag:s29] =	ssyncadd.s32 $0xFFFFFFFF  }
0xb5: {  	_ =	strace $0x9000004E  }
0xb6: {  	_ =	sfence  }
0xb7: {  	s30 =	sld [smem:$0x0];
	_ =	sdelay $0x2  }
0xb8: {  	s31 =	sshll.u32 s1, $0xD;
	s1 =	sshrl.u32 s1, $0x2  }
0xb9: {  	s3 =	sand.u32 $0x4000, s31;
	s1 =	sadd.s32 s1, s30  }
0xba: {  	s0 =	sor.u32 s3, s0;
	s1 =	sshll.u32 s1, $0x11  }
0xbb: {  	s0 =	sor.u32 s1, s0  }
0xbc: {  	s0 =	sadd.s32 $0x8F2B, s0  }
0xbd: {  	[sflag:s0] =	ssyncadd.remote.s32 $0x1  }
0xbe: {  	_ =	sfence.sel $0xFFFF  }
0xbf: {  	[dreg:$0x0] =	wrdreg $0xFFFFFFFF;
	(pc) =	sbr.abs _section_cstart, $3  }
0xc0: {  	[dreg:$0x1] =	wrdreg $0xFFFFFFFF  }
0xc1: {  	_ =	task.clear_ibuf [dreg:s6], $0x2FFFF;
	_ =	strace $0x9FFFFFFF  }
0xc2: {  	(tm) =	ssettm $0x7FFFFFFF  }
0xc3: {  	_ =	shalt  }
tec
execute0_lowered:
.L_overlay_start_1:
0x0: {  	(tag) =	ssettag $0x1  }
0x1: {  	s7 =	rddreg [dreg:$0x0]  }
0x2: {  	s1 =	rddreg [dreg:$0x1];
	s2 =	srdreg.scid  }
0x3: {  	s3 =	simm.s32 $0x0;
	s17 =	simm.s32 $0x14400;
	s18 =	simm.s32 $0x4  }
0x4: {  	s19 =	simm.s32 $0x14000;
	s20 =	simm.s32 $0x14100;
	s21 =	simm.s32 $0x14200  }
0x5: {  	s22 =	simm.s32 $0x3;
	s23 =	simm.s32 $0x80;
	s24 =	simm.s32 $0x1  }
0x6: {  	s25 =	simm.s32 $0x2;
	s6 =	sand.u32 $0x1, s2;
	s2 =	stileid.u32  }
0x7: {  	s26 =	simm.s32 $0x0;
	[smem:$0x7FF] =	sst s3;
	s5 =	smul.u32 $0x140000, s6  }
0x8: {  	s4 =	sadd.s32 $0x18C00, s7;
	s8 =	smul.u32 $0x14000, s2;
	_ =	strace $0x8000004D  }
0x9: {  	s9 =	sshll.u32 s6, $0x4;
	s10 =	smul.u32 $0x50000, s2;
	s11 =	ssub.s32 $0x2, s6  }
0xa: {  	s9 =	sor.u32 s2, s9;
	s30 =	sshrl.u32 s11, $0x1;
	s8 =	sadd.s32 s8, s5  }
0xb: {  	s5 =	sadd.s32 $0x5000, s7;
	s10 =	sshrl.u32 s10, $0x2;
	s6 =	smul.u32 $0x4F00, s9  }
.Ltmp0:
0xc: {  	s16 =	ssub.s32 s11, s30;
	s8 =	sshrl.u32 s8, $0x3;
	(pc) =	sbr.rel .LBB2_1-.Ltmp0, $4  }
0xd: {  	s16 =	smax.u32 s16, $0x1;
	s15 =	sadd.s32 s8, s7;
	s7 =	sadd.s32 s10, s1  }
0xe: {  	s31 =	sshrl.u32 s6, $0x3;
	s8 =	sadd.s32 $0x4000, s7;
	s9 =	sadd.s32 $0x8000, s7  }
0xf: {  	s10 =	sadd.s32 $0xC000, s7;
	s11 =	sadd.s32 s5, s31;
	s12 =	sadd.s32 $0x10000, s7  }
0x10: {  	v0 =	vimm.f32 $0.0e+00;
	s15 =	sadd.s32 $0x40C00, s15;
	s13 =	sadd.s32 $0x20, s11;
	s14 =	sadd.s32 $0x40, s11  }
.LBB2_9:
0x11: {  	_ =	swait.ge [sflag:s25], $0x4000  }
0x12: {  	s0 =	sshll.u32 s2, $0x6;
	s26 =	sadd.s32 $0x1, s26;
	[sflag:s25] =	ssyncset.done $0x0  }
0x13: {  	s28 =	sshrl.u32 s7, $0x3;
	p0 =	sne.s32 s26, s16;
	[sflag:s25] =	ssyncadd.s32 $0xFFFFC000  }
.Ltmp1:
0x14: {  	s0 =	sor.u32 $0x1C04, s0;
	[bflag:$0x0] =	sbarrier.arrive $0xFFFF;
	(pc) =	sbr.rel @!p0 .LBB2_10-.Ltmp1, $4  }
0x15: {  	[hbm:s15], [sflag:s0] =	dma.local [spmem:s28], $0x2800  }
0x16: {  	_ =	swait.ge [sflag:s18], $0x2800  }
0x17: {  	[sflag:s18] =	ssyncset.done $0x0  }
0x18: {  	[sflag:s18] =	ssyncadd.s32 $0xFFFFD800  }
.LBB2_1:
0x19: {  	s28 =	sand.u32 $0xFE00, s3  }
0x1a: {  	s29 =	sand.u32 $0x70, s3;
	s30 =	sshrl.u32 s28, $0x2  }
0x1b: {  	s28 =	simm.s32 $0x40;
	s30 =	sor.u32 s29, s30;
	s29 =	simm.s32 $0x0  }
.LBB2_2:
0x1c: {  	p0 =	sne.s32 s28, $0xFFC0  }
0x1d: {  	[tilespmem:s30+$0x14400] =	vst v0;
	s29 =	sadd.s32 $0x10, s29;
	s30 =	smov.u32 s28;
	s28 =	sadd.s32 $0x40, s28  }
.Ltmp2:
0x1e: {  	(pc) =	sbr.rel @p0 .LBB2_2-.Ltmp2, $4  }
0x1f: {  	_ = 	snop  }
0x20: {  	s30 =	sand.u32 $0xFE00, s30  }
0x21: {  	s31 =	sand.u32 $0x70, s29;
	s30 =	sshrl.u32 s30, $0x2  }
0x22: {  	s30 =	sor.u32 s31, s30  }
0x23: {  	[tilespmem:s30+$0x14400] =	vst v0  }
0x24: {  	[spmem:s7] =	stream.linear.scatter [tilespmem:s17], [sflag:$0x4], $0x4000, $0x38;
	[tilespmem:$0x1C400] =	vst v63  }
0x25: {  	_ =	swait.ge [sflag:s18], $0x4000  }
0x26: {  	[sflag:s18] =	ssyncset.done $0x0  }
0x27: {  	[sflag:s18] =	ssyncadd.s32 $0xFFFFC000  }
0x28: {  	[spmem:s8] =	stream.linear.scatter [tilespmem:s17], [sflag:$0x4], $0x4000, $0x38;
	[tilespmem:$0x1C400] =	vst v63  }
0x29: {  	_ =	swait.ge [sflag:s18], $0x4000  }
0x2a: {  	[sflag:s18] =	ssyncset.done $0x0  }
0x2b: {  	[sflag:s18] =	ssyncadd.s32 $0xFFFFC000  }
0x2c: {  	[spmem:s9] =	stream.linear.scatter [tilespmem:s17], [sflag:$0x4], $0x4000, $0x38;
	[tilespmem:$0x1C400] =	vst v63  }
0x2d: {  	_ =	swait.ge [sflag:s18], $0x4000  }
0x2e: {  	[sflag:s18] =	ssyncset.done $0x0  }
0x2f: {  	[sflag:s18] =	ssyncadd.s32 $0xFFFFC000  }
0x30: {  	[spmem:s10] =	stream.linear.scatter [tilespmem:s17], [sflag:$0x4], $0x4000, $0x38;
	[tilespmem:$0x1C400] =	vst v63  }
0x31: {  	_ =	swait.ge [sflag:s18], $0x4000  }
0x32: {  	[sflag:s18] =	ssyncset.done $0x0  }
0x33: {  	[sflag:s18] =	ssyncadd.s32 $0xFFFFC000  }
0x34: {  	[spmem:s12] =	stream.linear.scatter [tilespmem:s17], [sflag:$0x4], $0x4000, $0x38;
	[tilespmem:$0x1C400] =	vst v63  }
0x35: {  	_ =	swait.ge [sflag:s18], $0x4000  }
0x36: {  	[sflag:s18] =	ssyncset.done $0x0  }
0x37: {  	[sflag:s18] =	ssyncadd.s32 $0xFFFFC000  }
0x38: {  	s28 =	simm.s32 $0x0;
	[bflag:$0x0] =	sbarrier.arrive $0xFFFF  }
0x39: {  	[tilespmem:s19], [sflag:$0x3] =	stream.linear.gather [hbm4b:s11+s28], $0x100, $0x38;
	[tilespmem:$0x1C400] =	vst v63  }
0x3a: {  	_ = 	snop  }
0x3b: {  	[tilespmem:s20], [sflag:$0x3] =	stream.linear.gather [hbm4b:s13+s28], $0x100, $0x38;
	[tilespmem:$0x1C400] =	vst v63  }
0x3c: {  	_ = 	snop  }
0x3d: {  	[tilespmem:s21], [sflag:$0x3] =	stream.linear.gather [hbm4b:s14+s28], $0x100, $0x38;
	[tilespmem:$0x1C400] =	vst v63  }
.Ltmp3:
0x3e: {  	_ = 	snop;
	(pc) =	sbr.rel .LBB2_4-.Ltmp3, $4  }
0x3f: {  	_ =	swait.ge [sflag:s22], $0x100  }
0x40: {  	[sflag:s22] =	ssyncset.done $0x0  }
0x41: {  	[sflag:s22] =	ssyncadd.s32 $0xFFFFFF00  }
0x42: {  	[tilespmem:s17], [sflag:$0x1] =	stream.indirect.gather [hbm4b:s4+s23], $0x80, s19, s23, $0xb8;
	[tilespmem:$0x1C400] =	vst v63  }
.LBB2_5:
0x43: {  	s30 =	sadd.s32 $0x300, s29  }
0x44: {  	s31 =	sadd.s32 s6, s30  }
0x45: {  	s30 =	sand.u32 $0x300, s30;
	s31 =	sshrl.u32 s31, $0x3  }
0x46: {  	s30 =	sor.u32 $0x14000, s30;
	s31 =	sadd.s32 s5, s31  }
0x47: {  	[tilespmem:s30], [sflag:$0x3] =	stream.linear.gather [hbm4b:s31+s3], $0x100, $0x38;
	[tilespmem:$0x1C400] =	vst v63  }
.LBB2_7:
0x48: {  	s30 =	sadd.s32 $0x1, s28  }
0x49: {  	_ =	swait.ge [sflag:s22], $0x100;
	s31 =	sshll.u32 s30, $0xE;
	s0 =	sshll.u32 s30, $0x8  }
0x4a: {  	[sflag:s22] =	ssyncset.done $0x0;
	s31 =	sand.u32 $0x4000, s31;
	s0 =	sand.u32 $0x300, s0  }
0x4b: {  	[sflag:s22] =	ssyncadd.s32 $0xFFFFFF00;
	s31 =	sadd.s32 $0x14400, s31;
	s0 =	sor.u32 $0x14000, s0  }
0x4c: {  	[tilespmem:s31], [sflag:$0x1] =	stream.indirect.gather [hbm4b:s4+s23], $0x80, s0, s23, $0xb8;
	[tilespmem:$0x1C400] =	vst v63  }
.LBB2_8:
0x4d: {  	p0 =	slt.u32 s30, $0x4F  }
.Ltmp4:
0x4e: {  	s0 =	sshll.u32 s28, $0xE;
	_ =	swait.ge [sflag:s24], $0x4000;
	(pc) =	sbr.rel @!p0 .LBB2_9-.Ltmp4, $4  }
0x4f: {  	s28 =	sand.u32 $0x300, s29;
	s0 =	sand.u32 $0x4000, s0;
	[sflag:s24] =	ssyncset.done $0x0  }
0x50: {  	s28 =	sor.u32 $0x14080, s28;
	s0 =	sadd.s32 $0x14400, s0;
	[sflag:s24] =	ssyncadd.s32 $0xFFFFC000  }
0x51: {  	[spmem:s1] =	stream.indirect.scatter.add.f32 [tilespmem:s0], [sflag:$0x2], $0x80, s28, s23, $0xb8;
	[tilespmem:$0x1C400] =	vst v63  }
0x52: {  	s28 =	smov.u32 s30  }
.LBB2_4:
0x53: {  	p0 =	seq.s32 s28, $0x0  }
0x54: {  	p1 =	sgt.u32 @!p0 s28, $0x4B  }
0x55: {  	p1 =	por p0, !p1  }
.Ltmp5:
0x56: {  	_ = 	snop;
	(pc) =	sbr.rel @p1 .LBB2_5-.Ltmp5, $4  }
0x57: {  	s29 =	simm.s32 @!p0 $0x2  }
0x58: {  	_ =	swait.ge @!p0 [sflag:s29], $0x4000  }
0x59: {  	[sflag:s29] =	ssyncset.done @!p0 $0x0  }
0x5a: {  	[sflag:s29] =	ssyncadd.s32 @!p0 $0xFFFFC000;
	s29 =	sshll.u32 s28, $0x8  }
0x5b: {  	p0 =	seq.s32 s28, $0x4E  }
.Ltmp6:
0x5c: {  	_ = 	snop;
	(pc) =	sbr.rel @p0 .LBB2_8-.Ltmp6, $4  }
.Ltmp7:
0x5d: {  	_ = 	snop;
	(pc) =	sbr.rel @!p0 .LBB2_7-.Ltmp7, $4  }
0x5e: {  	_ = 	snop  }
0x5f: {  	_ = 	snop  }
0x60: {  	s30 =	simm.s32 $0x4F  }
0x61: {  	_ = 	snop  }
.LBB2_10:
0x62: {  	_ =	sfence.sel $0x180000  }
0x63: {  	[bflag:$0x0] =	sbarrier.arrive $0xFFFF  }
0x64: {  	_ =	strace $0x9000004D  }
0x65: {  	[bflag:$0x2] =	sbarrier.arrive $0xFFFF  }
0x66: {  	p0 =	sne.s32 s2, $0x0;
	s0 =	rddreg [dreg:$0x2]  }
0x67: {  	s0 =	sadd.s32 @!p0 $0x100000, s0  }
0x68: {  	[sflag:s0] =	ssyncadd.tile.s32 @!p0 $0x1;
	_ =	shalt  }
.Lfunc_end2:
_tile_overlayer_lowered:
.L_overlay_start_2:
0x69: {  	(tag) =	ssettag $0x2  }
0x6a: {  	s0 =	rddreg [dreg:$0x0];
	s2 =	stileid.u32  }
0x6b: {  	s1 =	rddreg [dreg:$0x1];
	p0 =	sne.s32 s2, $0x0  }
0x6c: {  	s3 =	rddreg [dreg:$0x2];
	[bflag:$0x3] =	sbarrier.arrive $0xFFFF;
	s2 =	simm.s32 @!p0 $0x1C04  }
0x6d: {  	[timem:s3], [sflag:s2] =	dma.local @!p0 [hbm:s0], s1  }
0x6e: {  	s0 =	simm.s32 @!p0 $0x4  }
0x6f: {  	_ =	swait.ge @!p0 [sflag:s0], s1  }
0x70: {  	s1 =	ssub.s32 @!p0 $0x0, s1;
	[sflag:s0] =	ssyncset.done @!p0 $0x0  }
0x71: {  	[sflag:s0] =	ssyncadd.s32 @!p0 s1  }
0x72: {  	[bflag:$0x3] =	sbarrier.arrive $0xFFFF  }
0x73: {  	_ =	shalt  }

// kernel: kernel.9.cloned.1.call-start
scs
__scs_entry_jumppad:
0x0: {  	(pc) =	sbr.rel $0x88, $3  }
0x1: {  	(tag) =	ssettag $0x0;
	lr =	simm.s32 $0x1  }
0x2: {  	[smem:$0x3F8A] =	sst lr;
	_ =	strace $0xD0000000  }
0x3: {  	_ = 	snop  }
0x4: {  	_ = 	snop  }
0x5: {  	_ = 	snop  }
0x6: {  	_ = 	snop  }
0x7: {  	_ = 	snop  }
__scs_overlays_trampoline_lowered:
0x8: {  	[smem:$0x3F99] =	sst s0  }
0x9: {  	[smem:$0x3F9A] =	sst s1  }
0xa: {  	[smem:$0x3F9B] =	sst s2  }
0xb: {  	[smem:$0x3F9C] =	sst s3  }
0xc: {  	[smem:$0x3F9D] =	sst s4  }
0xd: {  	[smem:$0x3F9E] =	sst s5  }
0xe: {  	[smem:$0x3F9F] =	sst s6  }
0xf: {  	[smem:$0x3FA0] =	sst s7  }
0x10: {  	[smem:$0x3FA1] =	sst s8  }
0x11: {  	[smem:$0x3FA2] =	sst s9;
	s0 =	simm.s32 @!p0 $0x0  }
0x12: {  	s1 =	sld [smem:$0x3F88];
	s0 =	simm.s32 @p0 $0x1  }
0x13: {  	[smem:$0x3FA3] =	sst s0;
	s0 =	simm.s32 @!p1 $0x0  }
0x14: {  	s2 =	sld [smem:$0x3F87];
	s0 =	simm.s32 @p1 $0x1  }
0x15: {  	[smem:$0x3FA4] =	sst s0;
	s0 =	simm.s32 @!p2 $0x0  }
0x16: {  	s3 =	sld [smem:$0x3FDB];
	s0 =	simm.s32 @p2 $0x1  }
0x17: {  	s4 =	simm.s32 $0x1BF5;
	[smem:$0x3FA6] =	sst s0  }
0x18: {  	s0 =	sld [smem:$0x3F89];
	_ =	swait.ge [sflag:s4], $0x0  }
0x19: {  	s7 =	sld [smem:$0x3F8A]  }
0x1a: {  	s8 =	sadd.s32 $0xFFFFE003, lr  }
0x1b: {  	s9 =	sadd.s32 $0xFFFFFEF7, lr;
	s5 =	simm.s32 $0xFFFFFFFF;
	p2 =	slt.u32 s8, $0xFFFFF086  }
0x1c: {  	p1 =	slt.u32 s9, $0xF7A;
	s5 =	simm.s32 @!p2 $0x0  }
0x1d: {  	s5 =	simm.s32 @p1 $0x1;
	p0 =	seq.s32 s7, s2  }
0x1e: {  	s7 =	smul.u32 @!p0 $0xF7A, s2;
	p2 =	seq.s32 @!p0 s5, $0x0  }
0x1f: {  	s9 =	smul.u32 $0xF7A, s1;
	s8 =	simm.s32 @!p0 $0x1BF5;
	p2 =	por !p2, p0  }
0x20: {  	[sflag:s8] =	ssyncset.s32 @!p0 $0xFFFFF086;
	s6 =	sadd.s32 @!p0 s3, s7;
	s7 =	simm.s32 @!p0 $0x108  }
0x21: {  	s3 =	sadd.s32 s3, s9;
	s6 =	sadd.s32 @!p0 $0x88, s6;
	s7 =	simm.s32 @p2 $0x1082  }
0x22: {  	[simem:s7], [sflag:s8] =	dma.local @!p0 [hbm:s6], $0xF7A  }
0x23: {  	s9 =	sor.u32 $0xD0000000, s2;
	s6 =	simm.s32 $0x108;
	_ =	swait.ge @!p0 [sflag:s8], $0x0  }
0x24: {  	s3 =	sadd.s32 $0x88, s3;
	s6 =	simm.s32 @!p1 $0x1082;
	[sflag:s4] =	ssyncset.s32 $0xFFFFF086  }
0x25: {  	[simem:s6], [sflag:s4] =	dma.local [hbm:s3], $0xF7A  }
0x26: {  	[smem:$0x3F8A] =	sst s1;
	(tag) =	ssettag s2;
	_ =	strace s9  }
0x27: {  	s1 =	sld [smem:$0x3F9A]  }
0x28: {  	s2 =	sld [smem:$0x3F9B]  }
0x29: {  	s4 =	sld [smem:$0x3F9D]  }
0x2a: {  	p0 =	seq.s32 s5, $0x0;
	s5 =	sld [smem:$0x3F9E]  }
0x2b: {  	s6 =	sld [smem:$0x3F9F]  }
0x2c: {  	s7 =	sld [smem:$0x3FA0]  }
0x2d: {  	s3 =	simm.s32 $0x108;
	s8 =	sld [smem:$0x3FA1]  }
0x2e: {  	s3 =	simm.s32 @!p0 $0x1082;
	s9 =	sld [smem:$0x3FA2]  }
0x2f: {  	lr =	sadd.s32 s0, s3;
	s0 =	sld [smem:$0x3F99]  }
0x30: {  	s3 =	sld [smem:$0x3F9C]  }
0x31: {  	[smem:$0x3FA5] =	sst s10  }
0x32: {  	s10 =	sld [smem:$0x3FA3];
	_ =	sdelay $0x3  }
0x33: {  	p0 =	seq.s32 s10, $0x1;
	s10 =	sld [smem:$0x3FA5];
	_ =	sdelay $0x3  }
0x34: {  	[smem:$0x3FA5] =	sst s10  }
0x35: {  	s10 =	sld [smem:$0x3FA4];
	_ =	sdelay $0x3  }
0x36: {  	p1 =	seq.s32 s10, $0x1;
	s10 =	sld [smem:$0x3FA5];
	_ =	sdelay $0x3  }
0x37: {  	[smem:$0x3FA5] =	sst s10  }
0x38: {  	s10 =	sld [smem:$0x3FA6]  }
0x39: {  	_ = 	snop;
	(pc) =	sbr.ind lr, $3  }
0x3a: {  	_ = 	snop  }
0x3b: {  	_ = 	snop  }
0x3c: {  	p2 =	seq.s32 s10, $0x1;
	s10 =	sld [smem:$0x3FA5]  }
0x3d: {  	_ =	shalt  }
0x3e: {  	_ =	shalt  }
0x3f: {  	_ =	shalt  }
0x40: {  	_ =	shalt  }
0x41: {  	_ =	shalt  }
0x42: {  	_ =	shalt  }
0x43: {  	_ =	shalt  }
0x44: {  	_ =	shalt  }
0x45: {  	_ =	shalt  }
0x46: {  	_ =	shalt  }
0x47: {  	_ =	shalt  }
0x48: {  	_ =	shalt  }
0x49: {  	_ =	shalt  }
0x4a: {  	_ =	shalt  }
0x4b: {  	_ =	shalt  }
0x4c: {  	_ =	shalt  }
0x4d: {  	_ =	shalt  }
0x4e: {  	_ =	shalt  }
0x4f: {  	_ =	shalt  }
0x50: {  	_ =	shalt  }
0x51: {  	_ =	shalt  }
0x52: {  	_ =	shalt  }
0x53: {  	_ =	shalt  }
0x54: {  	_ =	shalt  }
0x55: {  	_ =	shalt  }
0x56: {  	_ =	shalt  }
0x57: {  	_ =	shalt  }
0x58: {  	_ =	shalt  }
0x59: {  	_ =	shalt  }
0x5a: {  	_ =	shalt  }
0x5b: {  	_ =	shalt  }
0x5c: {  	_ =	shalt  }
0x5d: {  	_ =	shalt  }
0x5e: {  	_ =	shalt  }
0x5f: {  	_ =	shalt  }
0x60: {  	_ =	shalt  }
0x61: {  	_ =	shalt  }
0x62: {  	_ =	shalt  }
0x63: {  	_ =	shalt  }
0x64: {  	_ =	shalt  }
0x65: {  	_ =	shalt  }
0x66: {  	_ =	shalt  }
0x67: {  	_ =	shalt  }
0x68: {  	_ =	shalt  }
0x69: {  	_ =	shalt  }
0x6a: {  	_ =	shalt  }
0x6b: {  	_ =	shalt  }
0x6c: {  	_ =	shalt  }
0x6d: {  	_ =	shalt  }
0x6e: {  	_ =	shalt  }
0x6f: {  	_ =	shalt  }
0x70: {  	_ =	shalt  }
0x71: {  	_ =	shalt  }
0x72: {  	_ =	shalt  }
0x73: {  	_ =	shalt  }
0x74: {  	_ =	shalt  }
0x75: {  	_ =	shalt  }
0x76: {  	_ =	shalt  }
0x77: {  	_ =	shalt  }
0x78: {  	_ =	shalt  }
0x79: {  	_ =	shalt  }
0x7a: {  	_ =	shalt  }
0x7b: {  	_ =	shalt  }
0x7c: {  	_ =	shalt  }
0x7d: {  	_ =	shalt  }
0x7e: {  	_ =	shalt  }
0x7f: {  	_ =	shalt  }
0x80: {  	_ =	shalt  }
0x81: {  	_ =	shalt  }
0x82: {  	_ =	shalt  }
0x83: {  	_ =	shalt  }
0x84: {  	_ =	shalt  }
0x85: {  	_ =	shalt  }
0x86: {  	_ =	shalt  }
0x87: {  	_ =	shalt  }
.Lfunc_end0:
.L_simem_size_0:
called_computation_lowered:
.L_overlay_start_0:
0x88: {  	s2 =	sld [smem:$0x3FD9]  }
0x89: {  	s3 =	sld [smem:$0x3FFE];
	_ =	sdelay $0x1  }
0x8a: {  	s1 =	srdreg.scid  }
0x8b: {  	s0 =	sand.u32 $0x1, s1  }
0x8c: {  	s16 =	sshll.u32 s0, $0xA;
	s2 =	sadd.s32 s3, s2  }
0x8d: {  	s2 =	sadd.s32 s2, s16  }
0x8e: {  	[smem:$0x3FB1] =	sst s2  }
0x8f: {  	_ = 	snop  }
0x90: {  	(tm) =	ssettm $0x1  }
0x91: {  	s17 =	sld [smem:$0x3FFB];
	_ =	sdelay $0x3  }
0x92: {  	_ =	strace s17  }
0x93: {  	s2 =	sld [smem:$0x3FFC];
	_ =	sdelay $0x3  }
0x94: {  	_ =	strace s2  }
0x95: {  	s2 =	sld [smem:$0x3FFD];
	_ =	sdelay $0x3  }
0x96: {  	_ =	strace s2  }
0x97: {  	_ =	strace $0x8FFFFFFF  }
0x98: {  	s18 =	sld [smem:$0x3FDB];
	_ =	sdelay $0x1  }
0x99: {  	s19 =	simm.s32 $_scs_section_size  }
0x9a: {  	s4 =	simm.s32 $_size__tile_overlayer_lowered;
	s5 =	simm.s32 $_tile_overlayer_lowered  }
0x9b: {  	s22 =	simm.s32 $0x1BFF;
	s21 =	sshll.u32 s5, $0x1;
	s2 =	sadd.s32 s19, s18  }
0x9c: {  	s6 =	simm.s32 $0x0;
	s20 =	sshll.u32 s4, $0x1;
	s4 =	sadd.s32 s21, s2  }
0x9d: {  	[timem:s6], [sflag:s22] =	dma.local [hbm:s4], s20  }
0x9e: {  	_ =	swait.ge [sflag:s22], s20  }
0x9f: {  	s3 =	ssub.s32 $0x0, s20;
	[sflag:s22] =	ssyncset.done $0x0  }
0xa0: {  	[sflag:s22] =	ssyncadd.s32 s3;
	_ =	sdelay $0x1  }
0xa1: {  	s23 =	simm.s32 $0x1B8B  }
0xa2: {  	_ =	swait.ge [sflag:s23], $0x1  }
0xa3: {  	[sflag:s23] =	ssyncset.done $0x0  }
0xa4: {  	s25 =	simm.s32 $0x1B8E;
	s24 =	sld [smem:$0x3FFE];
	[sflag:s23] =	ssyncadd.s32 $0xFFFFFFFF  }
0xa5: {  	s26 =	simm.s32 $execute0_lowered;
	[smem:$0x3FD2] =	sst s25  }
0xa6: {  	s4 =	sshll.u32 s26, $0x1;
	_ =	strace $0x80000046;
	[dreg:$0x1] =	wrdreg $0xFFFFFFFF  }
0xa7: {  	s28 =	simm.s32 $_size_execute0_lowered;
	s2 =	sadd.s32 s2, s4;
	[dreg:$0x0] =	wrdreg $0x0  }
0xa8: {  	s4 =	sshll.u32 s28, $0x1;
	[dreg:$0x2] =	wrdreg s2  }
0xa9: {  	[dreg:$0x3] =	wrdreg s4  }
0xaa: {  	[dreg:$0x4] =	wrdreg $0xC0  }
0xab: {  	_ =	task [dreg:s6], $0x5FFFF  }
0xac: {  	[dreg:$0x1] =	wrdreg $0xFFFFFFFF  }
0xad: {  	[dreg:$0x0] =	wrdreg $0x60  }
0xae: {  	[dreg:$0x2] =	wrdreg s24  }
0xaf: {  	[dreg:$0x3] =	wrdreg $0x0  }
0xb0: {  	[dreg:$0x4] =	wrdreg $0x9  }
0xb1: {  	_ =	task.clear_ibuf [dreg:s6], $0x5FFFF;
	_ =	strace $0x90000046  }
0xb2: {  	s29 =	simm.s32 $0x9;
	_ =	strace $0x80000048  }
0xb3: {  	_ =	swait.ge [sflag:s29], $0x1  }
0xb4: {  	[sflag:s29] =	ssyncadd.s32 $0xFFFFFFFF  }
0xb5: {  	_ =	strace $0x90000048  }
0xb6: {  	_ =	sfence  }
0xb7: {  	s30 =	sld [smem:$0x0];
	_ =	sdelay $0x2  }
0xb8: {  	s31 =	sshll.u32 s1, $0xD;
	s1 =	sshrl.u32 s1, $0x2  }
0xb9: {  	s3 =	sand.u32 $0x4000, s31;
	s1 =	sadd.s32 s1, s30  }
0xba: {  	s0 =	sor.u32 s3, s0;
	s1 =	sshll.u32 s1, $0x11  }
0xbb: {  	s0 =	sor.u32 s1, s0  }
0xbc: {  	s0 =	sadd.s32 $0x8F2B, s0  }
0xbd: {  	[sflag:s0] =	ssyncadd.remote.s32 $0x1  }
0xbe: {  	_ =	sfence.sel $0xFFFF  }
0xbf: {  	[dreg:$0x0] =	wrdreg $0xFFFFFFFF;
	(pc) =	sbr.abs _section_cstart, $3  }
0xc0: {  	[dreg:$0x1] =	wrdreg $0xFFFFFFFF  }
0xc1: {  	_ =	task.clear_ibuf [dreg:s6], $0x2FFFF;
	_ =	strace $0x9FFFFFFF  }
0xc2: {  	(tm) =	ssettm $0x7FFFFFFF  }
0xc3: {  	_ =	shalt  }
tec
execute0_lowered:
.L_overlay_start_1:
0x0: {  	(tag) =	ssettag $0x1  }
0x1: {  	s7 =	rddreg [dreg:$0x0]  }
0x2: {  	s1 =	rddreg [dreg:$0x1];
	s2 =	srdreg.scid  }
0x3: {  	s3 =	simm.s32 $0x0;
	s17 =	simm.s32 $0x14400;
	s18 =	simm.s32 $0x4  }
0x4: {  	s19 =	simm.s32 $0x14000;
	s20 =	simm.s32 $0x14100;
	s21 =	simm.s32 $0x14200  }
0x5: {  	s22 =	simm.s32 $0x3;
	s23 =	simm.s32 $0x80;
	s24 =	simm.s32 $0x1  }
0x6: {  	s25 =	simm.s32 $0x2;
	s6 =	sand.u32 $0x1, s2;
	s2 =	stileid.u32  }
0x7: {  	s26 =	simm.s32 $0x0;
	[smem:$0x7FF] =	sst s3;
	s5 =	smul.u32 $0x140000, s6  }
0x8: {  	s4 =	sadd.s32 $0x18C00, s7;
	s8 =	smul.u32 $0x14000, s2;
	_ =	strace $0x80000047  }
0x9: {  	s9 =	sshll.u32 s6, $0x4;
	s10 =	smul.u32 $0x50000, s2;
	s11 =	ssub.s32 $0x2, s6  }
0xa: {  	s9 =	sor.u32 s2, s9;
	s30 =	sshrl.u32 s11, $0x1;
	s8 =	sadd.s32 s8, s5  }
0xb: {  	s5 =	sadd.s32 $0x5000, s7;
	s10 =	sshrl.u32 s10, $0x2;
	s6 =	smul.u32 $0x4F00, s9  }
.Ltmp0:
0xc: {  	s16 =	ssub.s32 s11, s30;
	s8 =	sshrl.u32 s8, $0x3;
	(pc) =	sbr.rel .LBB2_1-.Ltmp0, $4  }
0xd: {  	s16 =	smax.u32 s16, $0x1;
	s15 =	sadd.s32 s8, s7;
	s7 =	sadd.s32 s10, s1  }
0xe: {  	s31 =	sshrl.u32 s6, $0x3;
	s8 =	sadd.s32 $0x4000, s7;
	s9 =	sadd.s32 $0x8000, s7  }
0xf: {  	s10 =	sadd.s32 $0xC000, s7;
	s11 =	sadd.s32 s5, s31;
	s12 =	sadd.s32 $0x10000, s7  }
0x10: {  	v0 =	vimm.f32 $0.0e+00;
	s15 =	sadd.s32 $0x40C00, s15;
	s13 =	sadd.s32 $0x20, s11;
	s14 =	sadd.s32 $0x40, s11  }
.LBB2_9:
0x11: {  	_ =	swait.ge [sflag:s25], $0x4000  }
0x12: {  	s0 =	sshll.u32 s2, $0x6;
	s26 =	sadd.s32 $0x1, s26;
	[sflag:s25] =	ssyncset.done $0x0  }
0x13: {  	s28 =	sshrl.u32 s7, $0x3;
	p0 =	sne.s32 s26, s16;
	[sflag:s25] =	ssyncadd.s32 $0xFFFFC000  }
.Ltmp1:
0x14: {  	s0 =	sor.u32 $0x1C04, s0;
	[bflag:$0x0] =	sbarrier.arrive $0xFFFF;
	(pc) =	sbr.rel @!p0 .LBB2_10-.Ltmp1, $4  }
0x15: {  	[hbm:s15], [sflag:s0] =	dma.local [spmem:s28], $0x2800  }
0x16: {  	_ =	swait.ge [sflag:s18], $0x2800  }
0x17: {  	[sflag:s18] =	ssyncset.done $0x0  }
0x18: {  	[sflag:s18] =	ssyncadd.s32 $0xFFFFD800  }
.LBB2_1:
0x19: {  	s28 =	sand.u32 $0xFE00, s3  }
0x1a: {  	s29 =	sand.u32 $0x70, s3;
	s30 =	sshrl.u32 s28, $0x2  }
0x1b: {  	s28 =	simm.s32 $0x40;
	s30 =	sor.u32 s29, s30;
	s29 =	simm.s32 $0x0  }
.LBB2_2:
0x1c: {  	p0 =	sne.s32 s28, $0xFFC0  }
0x1d: {  	[tilespmem:s30+$0x14400] =	vst v0;
	s29 =	sadd.s32 $0x10, s29;
	s30 =	smov.u32 s28;
	s28 =	sadd.s32 $0x40, s28  }
.Ltmp2:
0x1e: {  	(pc) =	sbr.rel @p0 .LBB2_2-.Ltmp2, $4  }
0x1f: {  	_ = 	snop  }
0x20: {  	s30 =	sand.u32 $0xFE00, s30  }
0x21: {  	s31 =	sand.u32 $0x70, s29;
	s30 =	sshrl.u32 s30, $0x2  }
0x22: {  	s30 =	sor.u32 s31, s30  }
0x23: {  	[tilespmem:s30+$0x14400] =	vst v0  }
0x24: {  	[spmem:s7] =	stream.linear.scatter [tilespmem:s17], [sflag:$0x4], $0x4000, $0x38;
	[tilespmem:$0x1C400] =	vst v63  }
0x25: {  	_ =	swait.ge [sflag:s18], $0x4000  }
0x26: {  	[sflag:s18] =	ssyncset.done $0x0  }
0x27: {  	[sflag:s18] =	ssyncadd.s32 $0xFFFFC000  }
0x28: {  	[spmem:s8] =	stream.linear.scatter [tilespmem:s17], [sflag:$0x4], $0x4000, $0x38;
	[tilespmem:$0x1C400] =	vst v63  }
0x29: {  	_ =	swait.ge [sflag:s18], $0x4000  }
0x2a: {  	[sflag:s18] =	ssyncset.done $0x0  }
0x2b: {  	[sflag:s18] =	ssyncadd.s32 $0xFFFFC000  }
0x2c: {  	[spmem:s9] =	stream.linear.scatter [tilespmem:s17], [sflag:$0x4], $0x4000, $0x38;
	[tilespmem:$0x1C400] =	vst v63  }
0x2d: {  	_ =	swait.ge [sflag:s18], $0x4000  }
0x2e: {  	[sflag:s18] =	ssyncset.done $0x0  }
0x2f: {  	[sflag:s18] =	ssyncadd.s32 $0xFFFFC000  }
0x30: {  	[spmem:s10] =	stream.linear.scatter [tilespmem:s17], [sflag:$0x4], $0x4000, $0x38;
	[tilespmem:$0x1C400] =	vst v63  }
0x31: {  	_ =	swait.ge [sflag:s18], $0x4000  }
0x32: {  	[sflag:s18] =	ssyncset.done $0x0  }
0x33: {  	[sflag:s18] =	ssyncadd.s32 $0xFFFFC000  }
0x34: {  	[spmem:s12] =	stream.linear.scatter [tilespmem:s17], [sflag:$0x4], $0x4000, $0x38;
	[tilespmem:$0x1C400] =	vst v63  }
0x35: {  	_ =	swait.ge [sflag:s18], $0x4000  }
0x36: {  	[sflag:s18] =	ssyncset.done $0x0  }
0x37: {  	[sflag:s18] =	ssyncadd.s32 $0xFFFFC000  }
0x38: {  	s28 =	simm.s32 $0x0;
	[bflag:$0x0] =	sbarrier.arrive $0xFFFF  }
0x39: {  	[tilespmem:s19], [sflag:$0x3] =	stream.linear.gather [hbm4b:s11+s28], $0x100, $0x38;
	[tilespmem:$0x1C400] =	vst v63  }
0x3a: {  	_ = 	snop  }
0x3b: {  	[tilespmem:s20], [sflag:$0x3] =	stream.linear.gather [hbm4b:s13+s28], $0x100, $0x38;
	[tilespmem:$0x1C400] =	vst v63  }
0x3c: {  	_ = 	snop  }
0x3d: {  	[tilespmem:s21], [sflag:$0x3] =	stream.linear.gather [hbm4b:s14+s28], $0x100, $0x38;
	[tilespmem:$0x1C400] =	vst v63  }
.Ltmp3:
0x3e: {  	_ = 	snop;
	(pc) =	sbr.rel .LBB2_4-.Ltmp3, $4  }
0x3f: {  	_ =	swait.ge [sflag:s22], $0x100  }
0x40: {  	[sflag:s22] =	ssyncset.done $0x0  }
0x41: {  	[sflag:s22] =	ssyncadd.s32 $0xFFFFFF00  }
0x42: {  	[tilespmem:s17], [sflag:$0x1] =	stream.indirect.gather [hbm4b:s4+s23], $0x80, s19, s23, $0xb8;
	[tilespmem:$0x1C400] =	vst v63  }
.LBB2_5:
0x43: {  	s30 =	sadd.s32 $0x300, s29  }
0x44: {  	s31 =	sadd.s32 s6, s30  }
0x45: {  	s30 =	sand.u32 $0x300, s30;
	s31 =	sshrl.u32 s31, $0x3  }
0x46: {  	s30 =	sor.u32 $0x14000, s30;
	s31 =	sadd.s32 s5, s31  }
0x47: {  	[tilespmem:s30], [sflag:$0x3] =	stream.linear.gather [hbm4b:s31+s3], $0x100, $0x38;
	[tilespmem:$0x1C400] =	vst v63  }
.LBB2_7:
0x48: {  	s30 =	sadd.s32 $0x1, s28  }
0x49: {  	_ =	swait.ge [sflag:s22], $0x100;
	s31 =	sshll.u32 s30, $0xE;
	s0 =	sshll.u32 s30, $0x8  }
0x4a: {  	[sflag:s22] =	ssyncset.done $0x0;
	s31 =	sand.u32 $0x4000, s31;
	s0 =	sand.u32 $0x300, s0  }
0x4b: {  	[sflag:s22] =	ssyncadd.s32 $0xFFFFFF00;
	s31 =	sadd.s32 $0x14400, s31;
	s0 =	sor.u32 $0x14000, s0  }
0x4c: {  	[tilespmem:s31], [sflag:$0x1] =	stream.indirect.gather [hbm4b:s4+s23], $0x80, s0, s23, $0xb8;
	[tilespmem:$0x1C400] =	vst v63  }
.LBB2_8:
0x4d: {  	p0 =	slt.u32 s30, $0x4F  }
.Ltmp4:
0x4e: {  	s0 =	sshll.u32 s28, $0xE;
	_ =	swait.ge [sflag:s24], $0x4000;
	(pc) =	sbr.rel @!p0 .LBB2_9-.Ltmp4, $4  }
0x4f: {  	s28 =	sand.u32 $0x300, s29;
	s0 =	sand.u32 $0x4000, s0;
	[sflag:s24] =	ssyncset.done $0x0  }
0x50: {  	s28 =	sor.u32 $0x14080, s28;
	s0 =	sadd.s32 $0x14400, s0;
	[sflag:s24] =	ssyncadd.s32 $0xFFFFC000  }
0x51: {  	[spmem:s1] =	stream.indirect.scatter.add.f32 [tilespmem:s0], [sflag:$0x2], $0x80, s28, s23, $0xb8;
	[tilespmem:$0x1C400] =	vst v63  }
0x52: {  	s28 =	smov.u32 s30  }
.LBB2_4:
0x53: {  	p0 =	seq.s32 s28, $0x0  }
0x54: {  	p1 =	sgt.u32 @!p0 s28, $0x4B  }
0x55: {  	p1 =	por p0, !p1  }
.Ltmp5:
0x56: {  	_ = 	snop;
	(pc) =	sbr.rel @p1 .LBB2_5-.Ltmp5, $4  }
0x57: {  	s29 =	simm.s32 @!p0 $0x2  }
0x58: {  	_ =	swait.ge @!p0 [sflag:s29], $0x4000  }
0x59: {  	[sflag:s29] =	ssyncset.done @!p0 $0x0  }
0x5a: {  	[sflag:s29] =	ssyncadd.s32 @!p0 $0xFFFFC000;
	s29 =	sshll.u32 s28, $0x8  }
0x5b: {  	p0 =	seq.s32 s28, $0x4E  }
.Ltmp6:
0x5c: {  	_ = 	snop;
	(pc) =	sbr.rel @p0 .LBB2_8-.Ltmp6, $4  }
.Ltmp7:
0x5d: {  	_ = 	snop;
	(pc) =	sbr.rel @!p0 .LBB2_7-.Ltmp7, $4  }
0x5e: {  	_ = 	snop  }
0x5f: {  	_ = 	snop  }
0x60: {  	s30 =	simm.s32 $0x4F  }
0x61: {  	_ = 	snop  }
.LBB2_10:
0x62: {  	_ =	sfence.sel $0x180000  }
0x63: {  	[bflag:$0x0] =	sbarrier.arrive $0xFFFF  }
0x64: {  	_ =	strace $0x90000047  }
0x65: {  	[bflag:$0x2] =	sbarrier.arrive $0xFFFF  }
0x66: {  	p0 =	sne.s32 s2, $0x0;
	s0 =	rddreg [dreg:$0x2]  }
0x67: {  	s0 =	sadd.s32 @!p0 $0x100000, s0  }
0x68: {  	[sflag:s0] =	ssyncadd.tile.s32 @!p0 $0x1;
	_ =	shalt  }
.Lfunc_end2:
_tile_overlayer_lowered:
.L_overlay_start_2:
0x69: {  	(tag) =	ssettag $0x2  }
0x6a: {  	s0 =	rddreg [dreg:$0x0];
	s2 =	stileid.u32  }
0x6b: {  	s1 =	rddreg [dreg:$0x1];
	p0 =	sne.s32 s2, $0x0  }
0x6c: {  	s3 =	rddreg [dreg:$0x2];
	[bflag:$0x3] =	sbarrier.arrive $0xFFFF;
	s2 =	simm.s32 @!p0 $0x1C04  }
0x6d: {  	[timem:s3], [sflag:s2] =	dma.local @!p0 [hbm:s0], s1  }
0x6e: {  	s0 =	simm.s32 @!p0 $0x4  }
0x6f: {  	_ =	swait.ge @!p0 [sflag:s0], s1  }
0x70: {  	s1 =	ssub.s32 @!p0 $0x0, s1;
	[sflag:s0] =	ssyncset.done @!p0 $0x0  }
0x71: {  	[sflag:s0] =	ssyncadd.s32 @!p0 s1  }
0x72: {  	[bflag:$0x3] =	sbarrier.arrive $0xFFFF  }
0x73: {  	_ =	shalt  }

</sc_bundles>
